<compile_context>
chip_gen: v7x
topology: tpu7x:2x2x1
jax: 0.10.2.dev20260603
libtpu: 0.0.44.dev20260713+nightly
codegen_flags: <defaults>
</compile_context>

<pallas_src>
import functools

import jax
import jax.numpy as jnp
from jax import lax
from jax.experimental import pallas as pl
from jax.experimental.pallas import tpu as pltpu
from jax.experimental.pallas import tpu_sc as plsc

_B = 16384
_D = 128
_NCHUNKS = 2
_CH = 128
_L = 16


def _gather_sc(ent, rel, idx, nb):
    info = plsc.get_sparse_core_info()
    nw = info.num_cores * info.num_subcores
    b_per_w = nb // nw
    n_ch = b_per_w // _CH
    mesh = plsc.VectorSubcoreMesh(core_axis_name="c", subcore_axis_name="s")

    @functools.partial(
        pl.kernel,
        mesh=mesh,
        out_type=(
            jax.ShapeDtypeStruct((nb, _D), jnp.float32),
            jax.ShapeDtypeStruct((nb, _D), jnp.float32),
        ),
        scratch_types=(
            pltpu.VMEM((n_ch * 3, _CH), jnp.int32),
            pltpu.VMEM((2, 3, _CH, _D), jnp.float32),
            pltpu.SemaphoreType.DMA,
            pltpu.SemaphoreType.DMA,
            pltpu.SemaphoreType.DMA,
            pltpu.SemaphoreType.DMA,
        ),
    )
    def gather_kernel(ent_hbm, rel_hbm, idx_hbm,
                      h_out, rt_out,
                      idx_v, buf, g0s, g1s, w0s, w1s):
        wid = lax.axis_index("s") * info.num_cores + lax.axis_index("c")
        base = wid * b_per_w
        pltpu.sync_copy(idx_hbm.at[wid], idx_v)
        gsem = (g0s, g1s)
        wsem = (w0s, w1s)
        gds = [None] * n_ch
        wds = [None] * n_ch
        tabs = (ent_hbm, rel_hbm, ent_hbm)

        def mul_rt(p):
            r_ref = buf.at[p, 1]
            t_ref = buf.at[p, 2]

            def row_body(i, carry):
                for k in range(_D // _L):
                    sl = pl.ds(k * _L, _L)
                    r_ref[i, sl] = r_ref[i, sl] * t_ref[i, sl]
                return carry

            lax.fori_loop(0, _CH, row_body, 0)

        def issue_writeback(c):
            p = c % 2
            off = base + c * _CH
            wds[c] = (
                pltpu.async_copy(buf.at[p, 0], h_out.at[pl.ds(off, _CH)],
                                 wsem[p]),
                pltpu.async_copy(buf.at[p, 1], rt_out.at[pl.ds(off, _CH)],
                                 wsem[p]),
            )

        for c in range(n_ch):
            p = c % 2
            if c >= 2:
                for d in wds[c - 2]:
                    d.wait()
            gds[c] = tuple(
                pltpu.async_copy(tabs[j].at[idx_v.at[3 * c + j]],
                                 buf.at[p, j], gsem[p])
                for j in range(3))
            if c >= 1:
                for d in gds[c - 1]:
                    d.wait()
                mul_rt((c - 1) % 2)
                issue_writeback(c - 1)
        for d in gds[n_ch - 1]:
            d.wait()
        mul_rt((n_ch - 1) % 2)
        issue_writeback(n_ch - 1)
        for c in range(max(0, n_ch - 2), n_ch):
            for d in wds[c]:
                d.wait()

    return gather_kernel(ent, rel, idx)


def _mlp_body(h_ref, rt_ref, w1h_ref, w1t_ref, b1_ref, w2_ref,
              b2_ref, wp_ref, bp_ref, o_ref):
    hb = h_ref[...]
    rt = rt_ref[...]
    ss = (jnp.sum(hb * hb, axis=1, keepdims=True)
          + jnp.sum(rt * rt, axis=1, keepdims=True))
    inv = 1.0 / jnp.maximum(jnp.sqrt(ss), 1e-12)
    hb = (hb * inv).astype(jnp.bfloat16)
    rt = (rt * inv).astype(jnp.bfloat16)
    y = jnp.dot(hb, w1h_ref[...], preferred_element_type=jnp.float32)
    y = y + jnp.dot(rt, w1t_ref[...], preferred_element_type=jnp.float32)
    y = jnp.maximum(y + b1_ref[...], 0.0).astype(jnp.bfloat16)
    y = jnp.dot(y, w2_ref[...], preferred_element_type=jnp.float32)
    y = jnp.maximum(y + b2_ref[...], 0.0).astype(jnp.bfloat16)
    s = jnp.dot(y, wp_ref[...], preferred_element_type=jnp.float32)
    o_ref[...] = jax.nn.sigmoid(s + bp_ref[...])


def _mlp_tc(h, rt, w1h, w1t, b1, w2, b2, wp, bp):
    nb = h.shape[0]
    blk = min(nb, 2048)
    grid = (nb // blk,)
    return pl.pallas_call(
        _mlp_body,
        grid=grid,
        in_specs=[
            pl.BlockSpec((blk, _D), lambda i: (i, 0)),
            pl.BlockSpec((blk, _D), lambda i: (i, 0)),
            pl.BlockSpec((_D, 512), lambda i: (0, 0)),
            pl.BlockSpec((_D, 512), lambda i: (0, 0)),
            pl.BlockSpec((1, 512), lambda i: (0, 0)),
            pl.BlockSpec((512, 256), lambda i: (0, 0)),
            pl.BlockSpec((1, 256), lambda i: (0, 0)),
            pl.BlockSpec((256, 1), lambda i: (0, 0)),
            pl.BlockSpec((1, 1), lambda i: (0, 0)),
        ],
        out_specs=pl.BlockSpec((blk, 1), lambda i: (i, 0)),
        out_shape=jax.ShapeDtypeStruct((nb, 1), jnp.float32),
    )(h, rt, w1h, w1t, b1, w2, b2, wp, bp)


def kernel(data, ent_embeddings, rel_embeddings, W1, b1, W2, b2, Wp, bp):
    nw = 32
    cb = _B // _NCHUNKS
    n_ch = cb // (nw * _CH)
    idx_all = data[:, :3].astype(jnp.int32).T
    idx_all = idx_all.reshape(3, _NCHUNKS, nw, n_ch, _CH)
    idx_all = idx_all.transpose(1, 2, 3, 0, 4).reshape(
        _NCHUNKS, nw, n_ch * 3, _CH)

    w1h = W1[:, :_D].T.astype(jnp.bfloat16)
    w1t = W1[:, _D:].T.astype(jnp.bfloat16)
    b1r = b1.reshape(1, -1)
    w2 = W2.T.astype(jnp.bfloat16)
    b2r = b2.reshape(1, -1)
    wp = Wp.T.astype(jnp.bfloat16)
    bpr = bp.reshape(1, 1)
    outs = []
    for c in range(_NCHUNKS):
        h, rt = _gather_sc(ent_embeddings, rel_embeddings, idx_all[c], cb)
        outs.append(_mlp_tc(h, rt, w1h, w1t, b1r, w2, b2r, wp, bpr))
    return jnp.concatenate(outs, axis=0)

# --- scband reference (transcript-rebuilt; emitter-appended) ---
"""Pipeline reference for scband-kgc-66563403153750 (READ-ONLY COPY).

The authoritative reference and input builder live on the scoring server;
editing this copy changes nothing except your own understanding.
"""

import jax, jax.numpy as jnp
import numpy as np

B, E, R, D = 16384, 100000, 100000, 128

def setup_inputs(seed: int = 0) -> dict:
    key = jax.random.key(seed)
    ks = jax.random.split(key, 9)
    data = jax.random.randint(ks[0], (B, 3), 0, E, dtype=jnp.int64) if jax.config.jax_enable_x64 else jax.random.randint(ks[0], (B, 3), 0, E, dtype=jnp.int32)
    ent_embeddings = jax.random.normal(ks[1], (E, D), dtype=jnp.float32) * 0.02
    rel_embeddings = jax.random.normal(ks[2], (R, D), dtype=jnp.float32) * 0.02
    W1 = jax.random.normal(ks[3], (512, 2 * D), dtype=jnp.float32) * (1.0 / np.sqrt(2 * D))
    b1 = jnp.zeros((512,), dtype=jnp.float32)
    W2 = jax.random.normal(ks[4], (256, 512), dtype=jnp.float32) * (1.0 / np.sqrt(512))
    b2 = jnp.zeros((256,), dtype=jnp.float32)
    Wp = jax.random.normal(ks[5], (1, 256), dtype=jnp.float32) * (1.0 / np.sqrt(256))
    bp = jnp.zeros((1,), dtype=jnp.float32)
    return {"data": data, "ent_embeddings": ent_embeddings, "rel_embeddings": rel_embeddings,
            "W1": W1, "b1": b1, "W2": W2, "b2": b2, "Wp": Wp, "bp": bp}

def reference(data, ent_embeddings, rel_embeddings, W1, b1, W2, b2, Wp, bp):
    # eval=True, cf_train=True path: batch_triple = data
    h = jnp.take(ent_embeddings, data[:, 0], axis=0)
    r = jnp.take(rel_embeddings, data[:, 1], axis=0)
    t = jnp.take(ent_embeddings, data[:, 2], axis=0)
    x = jnp.concatenate([h, r * t], axis=-1)
    # F.normalize(p=2, dim=1, eps=1e-12)
    nrm = jnp.linalg.norm(x, axis=-1, keepdims=True)
    x = x / jnp.maximum(nrm, 1e-12)
    x = jax.nn.relu(x @ W1.T + b1)
    x = jax.nn.relu(x @ W2.T + b2)
    score = jax.nn.sigmoid(x @ Wp.T + bp)
    return score

if __name__ == "__main__":
    import jax
    _d = setup_inputs()
    print(jax.jit(kernel)(*tuple(_d.values())))

</pallas_src>

<mosaic_0001>
#map = affine_map<(d0, d1) -> (0, 0)>
#map1 = affine_map<(d0, d1) -> (0, 0, 0)>
module attributes {stable_mosaic.version = 14 : i64} {
  func.func @gather_kernel(%arg0: i32, %arg1: i32, %arg2: memref<100000x128xf32, #tpu.memory_space<hbm>>, %arg3: memref<100000x128xf32, #tpu.memory_space<hbm>>, %arg4: memref<32x6x128xi32, #tpu.memory_space<hbm>>, %arg5: memref<8192x128xf32, #tpu.memory_space<hbm>>, %arg6: memref<8192x128xf32, #tpu.memory_space<hbm>>, %arg7: memref<6x128xi32, #tpu.memory_space<vmem>>, %arg8: memref<2x3x128x128xf32, #tpu.memory_space<vmem>>, %arg9: memref<!tpu.dma_semaphore, #tpu.memory_space<semaphore_mem>>, %arg10: memref<!tpu.dma_semaphore, #tpu.memory_space<semaphore_mem>>, %arg11: memref<!tpu.dma_semaphore, #tpu.memory_space<semaphore_mem>>, %arg12: memref<!tpu.dma_semaphore, #tpu.memory_space<semaphore_mem>>) attributes {dimension_semantics = [#tpu.dimension_semantics<core_parallel>, #tpu.dimension_semantics<subcore_parallel>], iteration_bounds = array<i64: 2, 16>, scalar_prefetch = 0 : i64, scratch_operands = 6 : i64, tpu.core_type = #tpu.core_type<sc_vector_subcore>, window_params = [{transform_indices = #map}, {transform_indices = #map}, {transform_indices = #map1}, {transform_indices = #map}, {transform_indices = #map}]} {
    %mul3A = arith.constant 2 : i32
    %mul3A_0 = arith.muli %arg1, %mul3A : i32
    %add3A = arith.addi %mul3A_0, %arg0 : i32
    %mul3A_1 = arith.constant 256 : i32
    %mul3A_2 = arith.muli %add3A, %mul3A_1 : i32
    "tpu.region"() ({
      %run_scoped3A = tpu.sem_alloc : memref<!tpu.dma_semaphore, #tpu.memory_space<semaphore_mem>>
      %dma_start3A_292 = arith.constant 0 : i32
      %dma_start3A_293 = arith.constant 0 : i32
      %dma_start3A_294 = tpu.memref_slice %arg4[%add3A, %dma_start3A_292, %dma_start3A_293] : memref<32x6x128xi32, #tpu.memory_space<hbm>> -> memref<1x6x128xi32, #tpu.memory_space<hbm>>
      %dma_start3A_295 = tpu.memref_squeeze %dma_start3A_294 : memref<1x6x128xi32, #tpu.memory_space<hbm>> -> memref<6x128xi32, #tpu.memory_space<hbm>>
      %dma_start3A_296 = arith.constant 0 : i32
      %dma_start3A_297 = arith.constant 0 : i32
      %dma_start3A_298 = tpu.memref_slice %arg4[%add3A, %dma_start3A_296, %dma_start3A_297] : memref<32x6x128xi32, #tpu.memory_space<hbm>> -> memref<1x6x128xi32, #tpu.memory_space<hbm>>
      %dma_start3A_299 = tpu.memref_squeeze %dma_start3A_298 : memref<1x6x128xi32, #tpu.memory_space<hbm>> -> memref<6x128xi32, #tpu.memory_space<hbm>>
      tpu.enqueue_dma source(%dma_start3A_299 : memref<6x128xi32, #tpu.memory_space<hbm>>) target(%arg7 : memref<6x128xi32, #tpu.memory_space<vmem>>) target_semaphore(%run_scoped3A : memref<!tpu.dma_semaphore, #tpu.memory_space<semaphore_mem>>)
      %dma_wait3A_300 = arith.constant 0 : i32
      %dma_wait3A_301 = arith.constant 0 : i32
      %dma_wait3A_302 = tpu.memref_slice %arg4[%add3A, %dma_wait3A_300, %dma_wait3A_301] : memref<32x6x128xi32, #tpu.memory_space<hbm>> -> memref<1x6x128xi32, #tpu.memory_space<hbm>>
      %dma_wait3A_303 = tpu.memref_squeeze %dma_wait3A_302 : memref<1x6x128xi32, #tpu.memory_space<hbm>> -> memref<6x128xi32, #tpu.memory_space<hbm>>
      %dma_wait3A_304 = arith.constant 0 : i32
      %dma_wait3A_305 = arith.constant 0 : i32
      %dma_wait3A_306 = tpu.memref_slice %arg4[%add3A, %dma_wait3A_304, %dma_wait3A_305] : memref<32x6x128xi32, #tpu.memory_space<hbm>> -> memref<1x6x128xi32, #tpu.memory_space<hbm>>
      %dma_wait3A_307 = tpu.memref_squeeze %dma_wait3A_306 : memref<1x6x128xi32, #tpu.memory_space<hbm>> -> memref<6x128xi32, #tpu.memory_space<hbm>>
      tpu.wait_dma2 semaphore(%run_scoped3A : memref<!tpu.dma_semaphore, #tpu.memory_space<semaphore_mem>>) src(%dma_wait3A_307 : memref<6x128xi32, #tpu.memory_space<hbm>>) dst(%arg7 : memref<6x128xi32, #tpu.memory_space<vmem>>)
      tpu.yield
    }) : () -> ()
    %dma_start3A = arith.constant 0 : i32
    %dma_start3A_3 = arith.constant 0 : i32
    %dma_start3A_4 = arith.constant 0 : i32
    %dma_start3A_5 = arith.constant 0 : i32
    %dma_start3A_6 = arith.constant 0 : i32
    %dma_start3A_7 = tpu.memref_slice %arg8[%dma_start3A_3, %dma_start3A_4, %dma_start3A_5, %dma_start3A_6] : memref<2x3x128x128xf32, #tpu.memory_space<vmem>> -> memref<1x1x128x128xf32, #tpu.memory_space<vmem>>
    %dma_start3A_8 = tpu.memref_squeeze %dma_start3A_7 : memref<1x1x128x128xf32, #tpu.memory_space<vmem>> -> memref<128x128xf32, #tpu.memory_space<vmem>>
    %dma_start3A_9 = arith.constant 0 : i32
    %dma_start3A_10 = tpu.memref_slice %arg7[%dma_start3A, %dma_start3A_9] : memref<6x128xi32, #tpu.memory_space<vmem>> -> memref<1x128xi32, #tpu.memory_space<vmem>>
    %dma_start3A_11 = tpu.memref_squeeze %dma_start3A_10 : memref<1x128xi32, #tpu.memory_space<vmem>> -> memref<128xi32, #tpu.memory_space<vmem>>
    %dma_start3A_12 = arith.constant 0 : i32
    %dma_start3A_13 = arith.constant 0 : i32
    %dma_start3A_14 = tpu.memref_slice %arg2[%dma_start3A_12, %dma_start3A_13] : memref<100000x128xf32, #tpu.memory_space<hbm>> -> memref<100000x128xf32, #tpu.memory_space<hbm>>
    tpu.enqueue_indirect_dma source(%dma_start3A_14 : memref<100000x128xf32, #tpu.memory_space<hbm>>) target(%dma_start3A_8 : memref<128x128xf32, #tpu.memory_space<vmem>>) offsets(%dma_start3A_11 : memref<128xi32, #tpu.memory_space<vmem>>) semaphore(%arg9 : memref<!tpu.dma_semaphore, #tpu.memory_space<semaphore_mem>>)
    %dma_start3A_15 = arith.constant 1 : i32
    %dma_start3A_16 = arith.constant 0 : i32
    %dma_start3A_17 = arith.constant 1 : i32
    %dma_start3A_18 = arith.constant 0 : i32
    %dma_start3A_19 = arith.constant 0 : i32
    %dma_start3A_20 = tpu.memref_slice %arg8[%dma_start3A_16, %dma_start3A_17, %dma_start3A_18, %dma_start3A_19] : memref<2x3x128x128xf32, #tpu.memory_space<vmem>> -> memref<1x1x128x128xf32, #tpu.memory_space<vmem>>
    %dma_start3A_21 = tpu.memref_squeeze %dma_start3A_20 : memref<1x1x128x128xf32, #tpu.memory_space<vmem>> -> memref<128x128xf32, #tpu.memory_space<vmem>>
    %dma_start3A_22 = arith.constant 0 : i32
    %dma_start3A_23 = tpu.memref_slice %arg7[%dma_start3A_15, %dma_start3A_22] : memref<6x128xi32, #tpu.memory_space<vmem>> -> memref<1x128xi32, #tpu.memory_space<vmem>>
    %dma_start3A_24 = tpu.memref_squeeze %dma_start3A_23 : memref<1x128xi32, #tpu.memory_space<vmem>> -> memref<128xi32, #tpu.memory_space<vmem>>
    %dma_start3A_25 = arith.constant 0 : i32
    %dma_start3A_26 = arith.constant 0 : i32
    %dma_start3A_27 = tpu.memref_slice %arg3[%dma_start3A_25, %dma_start3A_26] : memref<100000x128xf32, #tpu.memory_space<hbm>> -> memref<100000x128xf32, #tpu.memory_space<hbm>>
    tpu.enqueue_indirect_dma source(%dma_start3A_27 : memref<100000x128xf32, #tpu.memory_space<hbm>>) target(%dma_start3A_21 : memref<128x128xf32, #tpu.memory_space<vmem>>) offsets(%dma_start3A_24 : memref<128xi32, #tpu.memory_space<vmem>>) semaphore(%arg9 : memref<!tpu.dma_semaphore, #tpu.memory_space<semaphore_mem>>)
    %dma_start3A_28 = arith.constant 2 : i32
    %dma_start3A_29 = arith.constant 0 : i32
    %dma_start3A_30 = arith.constant 2 : i32
    %dma_start3A_31 = arith.constant 0 : i32
    %dma_start3A_32 = arith.constant 0 : i32
    %dma_start3A_33 = tpu.memref_slice %arg8[%dma_start3A_29, %dma_start3A_30, %dma_start3A_31, %dma_start3A_32] : memref<2x3x128x128xf32, #tpu.memory_space<vmem>> -> memref<1x1x128x128xf32, #tpu.memory_space<vmem>>
    %dma_start3A_34 = tpu.memref_squeeze %dma_start3A_33 : memref<1x1x128x128xf32, #tpu.memory_space<vmem>> -> memref<128x128xf32, #tpu.memory_space<vmem>>
    %dma_start3A_35 = arith.constant 0 : i32
    %dma_start3A_36 = tpu.memref_slice %arg7[%dma_start3A_28, %dma_start3A_35] : memref<6x128xi32, #tpu.memory_space<vmem>> -> memref<1x128xi32, #tpu.memory_space<vmem>>
    %dma_start3A_37 = tpu.memref_squeeze %dma_start3A_36 : memref<1x128xi32, #tpu.memory_space<vmem>> -> memref<128xi32, #tpu.memory_space<vmem>>
    %dma_start3A_38 = arith.constant 0 : i32
    %dma_start3A_39 = arith.constant 0 : i32
    %dma_start3A_40 = tpu.memref_slice %arg2[%dma_start3A_38, %dma_start3A_39] : memref<100000x128xf32, #tpu.memory_space<hbm>> -> memref<100000x128xf32, #tpu.memory_space<hbm>>
    tpu.enqueue_indirect_dma source(%dma_start3A_40 : memref<100000x128xf32, #tpu.memory_space<hbm>>) target(%dma_start3A_34 : memref<128x128xf32, #tpu.memory_space<vmem>>) offsets(%dma_start3A_37 : memref<128xi32, #tpu.memory_space<vmem>>) semaphore(%arg9 : memref<!tpu.dma_semaphore, #tpu.memory_space<semaphore_mem>>)
    %dma_start3A_41 = arith.constant 3 : i32
    %dma_start3A_42 = arith.constant 1 : i32
    %dma_start3A_43 = arith.constant 0 : i32
    %dma_start3A_44 = arith.constant 0 : i32
    %dma_start3A_45 = arith.constant 0 : i32
    %dma_start3A_46 = tpu.memref_slice %arg8[%dma_start3A_42, %dma_start3A_43, %dma_start3A_44, %dma_start3A_45] : memref<2x3x128x128xf32, #tpu.memory_space<vmem>> -> memref<1x1x128x128xf32, #tpu.memory_space<vmem>>
    %dma_start3A_47 = tpu.memref_squeeze %dma_start3A_46 : memref<1x1x128x128xf32, #tpu.memory_space<vmem>> -> memref<128x128xf32, #tpu.memory_space<vmem>>
    %dma_start3A_48 = arith.constant 0 : i32
    %dma_start3A_49 = tpu.memref_slice %arg7[%dma_start3A_41, %dma_start3A_48] : memref<6x128xi32, #tpu.memory_space<vmem>> -> memref<1x128xi32, #tpu.memory_space<vmem>>
    %dma_start3A_50 = tpu.memref_squeeze %dma_start3A_49 : memref<1x128xi32, #tpu.memory_space<vmem>> -> memref<128xi32, #tpu.memory_space<vmem>>
    %dma_start3A_51 = arith.constant 0 : i32
    %dma_start3A_52 = arith.constant 0 : i32
    %dma_start3A_53 = tpu.memref_slice %arg2[%dma_start3A_51, %dma_start3A_52] : memref<100000x128xf32, #tpu.memory_space<hbm>> -> memref<100000x128xf32, #tpu.memory_space<hbm>>
    tpu.enqueue_indirect_dma source(%dma_start3A_53 : memref<100000x128xf32, #tpu.memory_space<hbm>>) target(%dma_start3A_47 : memref<128x128xf32, #tpu.memory_space<vmem>>) offsets(%dma_start3A_50 : memref<128xi32, #tpu.memory_space<vmem>>) semaphore(%arg10 : memref<!tpu.dma_semaphore, #tpu.memory_space<semaphore_mem>>)
    %dma_start3A_54 = arith.constant 4 : i32
    %dma_start3A_55 = arith.constant 1 : i32
    %dma_start3A_56 = arith.constant 1 : i32
    %dma_start3A_57 = arith.constant 0 : i32
    %dma_start3A_58 = arith.constant 0 : i32
    %dma_start3A_59 = tpu.memref_slice %arg8[%dma_start3A_55, %dma_start3A_56, %dma_start3A_57, %dma_start3A_58] : memref<2x3x128x128xf32, #tpu.memory_space<vmem>> -> memref<1x1x128x128xf32, #tpu.memory_space<vmem>>
    %dma_start3A_60 = tpu.memref_squeeze %dma_start3A_59 : memref<1x1x128x128xf32, #tpu.memory_space<vmem>> -> memref<128x128xf32, #tpu.memory_space<vmem>>
    %dma_start3A_61 = arith.constant 0 : i32
    %dma_start3A_62 = tpu.memref_slice %arg7[%dma_start3A_54, %dma_start3A_61] : memref<6x128xi32, #tpu.memory_space<vmem>> -> memref<1x128xi32, #tpu.memory_space<vmem>>
    %dma_start3A_63 = tpu.memref_squeeze %dma_start3A_62 : memref<1x128xi32, #tpu.memory_space<vmem>> -> memref<128xi32, #tpu.memory_space<vmem>>
    %dma_start3A_64 = arith.constant 0 : i32
    %dma_start3A_65 = arith.constant 0 : i32
    %dma_start3A_66 = tpu.memref_slice %arg3[%dma_start3A_64, %dma_start3A_65] : memref<100000x128xf32, #tpu.memory_space<hbm>> -> memref<100000x128xf32, #tpu.memory_space<hbm>>
    tpu.enqueue_indirect_dma source(%dma_start3A_66 : memref<100000x128xf32, #tpu.memory_space<hbm>>) target(%dma_start3A_60 : memref<128x128xf32, #tpu.memory_space<vmem>>) offsets(%dma_start3A_63 : memref<128xi32, #tpu.memory_space<vmem>>) semaphore(%arg10 : memref<!tpu.dma_semaphore, #tpu.memory_space<semaphore_mem>>)
    %dma_start3A_67 = arith.constant 5 : i32
    %dma_start3A_68 = arith.constant 1 : i32
    %dma_start3A_69 = arith.constant 2 : i32
    %dma_start3A_70 = arith.constant 0 : i32
    %dma_start3A_71 = arith.constant 0 : i32
    %dma_start3A_72 = tpu.memref_slice %arg8[%dma_start3A_68, %dma_start3A_69, %dma_start3A_70, %dma_start3A_71] : memref<2x3x128x128xf32, #tpu.memory_space<vmem>> -> memref<1x1x128x128xf32, #tpu.memory_space<vmem>>
    %dma_start3A_73 = tpu.memref_squeeze %dma_start3A_72 : memref<1x1x128x128xf32, #tpu.memory_space<vmem>> -> memref<128x128xf32, #tpu.memory_space<vmem>>
    %dma_start3A_74 = arith.constant 0 : i32
    %dma_start3A_75 = tpu.memref_slice %arg7[%dma_start3A_67, %dma_start3A_74] : memref<6x128xi32, #tpu.memory_space<vmem>> -> memref<1x128xi32, #tpu.memory_space<vmem>>
    %dma_start3A_76 = tpu.memref_squeeze %dma_start3A_75 : memref<1x128xi32, #tpu.memory_space<vmem>> -> memref<128xi32, #tpu.memory_space<vmem>>
    %dma_start3A_77 = arith.constant 0 : i32
    %dma_start3A_78 = arith.constant 0 : i32
    %dma_start3A_79 = tpu.memref_slice %arg2[%dma_start3A_77, %dma_start3A_78] : memref<100000x128xf32, #tpu.memory_space<hbm>> -> memref<100000x128xf32, #tpu.memory_space<hbm>>
    tpu.enqueue_indirect_dma source(%dma_start3A_79 : memref<100000x128xf32, #tpu.memory_space<hbm>>) target(%dma_start3A_73 : memref<128x128xf32, #tpu.memory_space<vmem>>) offsets(%dma_start3A_76 : memref<128xi32, #tpu.memory_space<vmem>>) semaphore(%arg10 : memref<!tpu.dma_semaphore, #tpu.memory_space<semaphore_mem>>)
    %dma_wait3A = arith.constant 0 : i32
    %dma_wait3A_80 = arith.constant 0 : i32
    %dma_wait3A_81 = arith.constant 0 : i32
    %dma_wait3A_82 = arith.constant 0 : i32
    %dma_wait3A_83 = arith.constant 0 : i32
    %dma_wait3A_84 = tpu.memref_slice %arg8[%dma_wait3A_80, %dma_wait3A_81, %dma_wait3A_82, %dma_wait3A_83] : memref<2x3x128x128xf32, #tpu.memory_space<vmem>> -> memref<1x1x128x128xf32, #tpu.memory_space<vmem>>
    %dma_wait3A_85 = tpu.memref_squeeze %dma_wait3A_84 : memref<1x1x128x128xf32, #tpu.memory_space<vmem>> -> memref<128x128xf32, #tpu.memory_space<vmem>>
    %dma_wait3A_86 = arith.constant 0 : i32
    %dma_wait3A_87 = tpu.memref_slice %arg7[%dma_wait3A, %dma_wait3A_86] : memref<6x128xi32, #tpu.memory_space<vmem>> -> memref<1x128xi32, #tpu.memory_space<vmem>>
    %dma_wait3A_88 = tpu.memref_squeeze %dma_wait3A_87 : memref<1x128xi32, #tpu.memory_space<vmem>> -> memref<128xi32, #tpu.memory_space<vmem>>
    %dma_wait3A_89 = arith.constant 0 : i32
    %dma_wait3A_90 = arith.constant 0 : i32
    %dma_wait3A_91 = tpu.memref_slice %arg2[%dma_wait3A_89, %dma_wait3A_90] : memref<100000x128xf32, #tpu.memory_space<hbm>> -> memref<100000x128xf32, #tpu.memory_space<hbm>>
    tpu.wait_indirect_dma semaphore(%arg9 : memref<!tpu.dma_semaphore, #tpu.memory_space<semaphore_mem>>) src(%dma_wait3A_91 : memref<100000x128xf32, #tpu.memory_space<hbm>>) dst(%dma_wait3A_85 : memref<128x128xf32, #tpu.memory_space<vmem>>)
    %dma_wait3A_92 = arith.constant 1 : i32
    %dma_wait3A_93 = arith.constant 0 : i32
    %dma_wait3A_94 = arith.constant 1 : i32
    %dma_wait3A_95 = arith.constant 0 : i32
    %dma_wait3A_96 = arith.constant 0 : i32
    %dma_wait3A_97 = tpu.memref_slice %arg8[%dma_wait3A_93, %dma_wait3A_94, %dma_wait3A_95, %dma_wait3A_96] : memref<2x3x128x128xf32, #tpu.memory_space<vmem>> -> memref<1x1x128x128xf32, #tpu.memory_space<vmem>>
    %dma_wait3A_98 = tpu.memref_squeeze %dma_wait3A_97 : memref<1x1x128x128xf32, #tpu.memory_space<vmem>> -> memref<128x128xf32, #tpu.memory_space<vmem>>
    %dma_wait3A_99 = arith.constant 0 : i32
    %dma_wait3A_100 = tpu.memref_slice %arg7[%dma_wait3A_92, %dma_wait3A_99] : memref<6x128xi32, #tpu.memory_space<vmem>> -> memref<1x128xi32, #tpu.memory_space<vmem>>
    %dma_wait3A_101 = tpu.memref_squeeze %dma_wait3A_100 : memref<1x128xi32, #tpu.memory_space<vmem>> -> memref<128xi32, #tpu.memory_space<vmem>>
    %dma_wait3A_102 = arith.constant 0 : i32
    %dma_wait3A_103 = arith.constant 0 : i32
    %dma_wait3A_104 = tpu.memref_slice %arg3[%dma_wait3A_102, %dma_wait3A_103] : memref<100000x128xf32, #tpu.memory_space<hbm>> -> memref<100000x128xf32, #tpu.memory_space<hbm>>
    tpu.wait_indirect_dma semaphore(%arg9 : memref<!tpu.dma_semaphore, #tpu.memory_space<semaphore_mem>>) src(%dma_wait3A_104 : memref<100000x128xf32, #tpu.memory_space<hbm>>) dst(%dma_wait3A_98 : memref<128x128xf32, #tpu.memory_space<vmem>>)
    %dma_wait3A_105 = arith.constant 2 : i32
    %dma_wait3A_106 = arith.constant 0 : i32
    %dma_wait3A_107 = arith.constant 2 : i32
    %dma_wait3A_108 = arith.constant 0 : i32
    %dma_wait3A_109 = arith.constant 0 : i32
    %dma_wait3A_110 = tpu.memref_slice %arg8[%dma_wait3A_106, %dma_wait3A_107, %dma_wait3A_108, %dma_wait3A_109] : memref<2x3x128x128xf32, #tpu.memory_space<vmem>> -> memref<1x1x128x128xf32, #tpu.memory_space<vmem>>
    %dma_wait3A_111 = tpu.memref_squeeze %dma_wait3A_110 : memref<1x1x128x128xf32, #tpu.memory_space<vmem>> -> memref<128x128xf32, #tpu.memory_space<vmem>>
    %dma_wait3A_112 = arith.constant 0 : i32
    %dma_wait3A_113 = tpu.memref_slice %arg7[%dma_wait3A_105, %dma_wait3A_112] : memref<6x128xi32, #tpu.memory_space<vmem>> -> memref<1x128xi32, #tpu.memory_space<vmem>>
    %dma_wait3A_114 = tpu.memref_squeeze %dma_wait3A_113 : memref<1x128xi32, #tpu.memory_space<vmem>> -> memref<128xi32, #tpu.memory_space<vmem>>
    %dma_wait3A_115 = arith.constant 0 : i32
    %dma_wait3A_116 = arith.constant 0 : i32
    %dma_wait3A_117 = tpu.memref_slice %arg2[%dma_wait3A_115, %dma_wait3A_116] : memref<100000x128xf32, #tpu.memory_space<hbm>> -> memref<100000x128xf32, #tpu.memory_space<hbm>>
    tpu.wait_indirect_dma semaphore(%arg9 : memref<!tpu.dma_semaphore, #tpu.memory_space<semaphore_mem>>) src(%dma_wait3A_117 : memref<100000x128xf32, #tpu.memory_space<hbm>>) dst(%dma_wait3A_111 : memref<128x128xf32, #tpu.memory_space<vmem>>)
    %scan3A = arith.constant 0 : i32
    %scan3A_118 = arith.constant 0 : i32
    %scan3A_119 = arith.constant 1 : i32
    %scan3A_120 = arith.constant 0 : i32
    %scan3A_121 = arith.constant 2 : i32
    %scan3A_122 = arith.constant 0 : i32
    %scan3A_123 = arith.constant 128 : i32
    %scan3A_124 = arith.addi %scan3A_122, %scan3A_123 : i32
    %scan3A_125 = arith.constant 1 : i32
    scf.for %scan3A_292 = %scan3A_122 to %scan3A_124 step %scan3A_125  : i32 {
      %get3A = arith.constant 0 : i32
      %get3A_293 = arith.constant 0 : i32
      %get3A_294 = tpu.memref_slice %arg8[%scan3A_118, %scan3A_119, %get3A, %get3A_293] : memref<2x3x128x128xf32, #tpu.memory_space<vmem>> -> memref<1x1x128x128xf32, #tpu.memory_space<vmem>>
      %get3A_295 = tpu.memref_squeeze %get3A_294 : memref<1x1x128x128xf32, #tpu.memory_space<vmem>> -> memref<128x128xf32, #tpu.memory_space<vmem>>
      %get3A_296 = arith.index_cast %scan3A_292 : i32 to index
      %get3A_297 = arith.constant 0 : index
      %get3A_298 = tpu.vector_load %get3A_295[%get3A_296, %get3A_297] {strides = array<i32>} : memref<128x128xf32, #tpu.memory_space<vmem>>, vector<1x16xf32>,
      %get3A_299 = vector.shape_cast %get3A_298 : vector<1x16xf32> to vector<16xf32>
      %get3A_300 = arith.constant 0 : i32
      %get3A_301 = arith.constant 0 : i32
      %get3A_302 = tpu.memref_slice %arg8[%scan3A_120, %scan3A_121, %get3A_300, %get3A_301] : memref<2x3x128x128xf32, #tpu.memory_space<vmem>> -> memref<1x1x128x128xf32, #tpu.memory_space<vmem>>
      %get3A_303 = tpu.memref_squeeze %get3A_302 : memref<1x1x128x128xf32, #tpu.memory_space<vmem>> -> memref<128x128xf32, #tpu.memory_space<vmem>>
      %get3A_304 = arith.index_cast %scan3A_292 : i32 to index
      %get3A_305 = arith.constant 0 : index
      %get3A_306 = tpu.vector_load %get3A_303[%get3A_304, %get3A_305] {strides = array<i32>} : memref<128x128xf32, #tpu.memory_space<vmem>>, vector<1x16xf32>,
      %get3A_307 = vector.shape_cast %get3A_306 : vector<1x16xf32> to vector<16xf32>
      %mul3A_308 = arith.mulf %get3A_299, %get3A_307 : vector<16xf32>
      %swap3A = arith.constant 0 : i32
      %swap3A_309 = arith.constant 0 : i32
      %swap3A_310 = tpu.memref_slice %arg8[%scan3A_118, %scan3A_119, %swap3A, %swap3A_309] : memref<2x3x128x128xf32, #tpu.memory_space<vmem>> -> memref<1x1x128x128xf32, #tpu.memory_space<vmem>>
      %swap3A_311 = tpu.memref_squeeze %swap3A_310 : memref<1x1x128x128xf32, #tpu.memory_space<vmem>> -> memref<128x128xf32, #tpu.memory_space<vmem>>
      %swap3A_312 = arith.index_cast %scan3A_292 : i32 to index
      %swap3A_313 = arith.constant 0 : index
      %swap3A_314 = tpu.vector_load %swap3A_311[%swap3A_312, %swap3A_313] {strides = array<i32>} : memref<128x128xf32, #tpu.memory_space<vmem>>, vector<1x16xf32>,
      %swap3A_315 = vector.shape_cast %swap3A_314 : vector<1x16xf32> to vector<16xf32>
      %swap3A_316 = vector.shape_cast %mul3A_308 : vector<16xf32> to vector<1x16xf32>
      tpu.vector_store %swap3A_311[%swap3A_312, %swap3A_313], %swap3A_316 {strides = array<i32>} : memref<128x128xf32, #tpu.memory_space<vmem>>, vector<1x16xf32>,
      %get3A_317 = arith.constant 0 : i32
      %get3A_318 = arith.constant 0 : i32
      %get3A_319 = tpu.memref_slice %arg8[%scan3A_118, %scan3A_119, %get3A_317, %get3A_318] : memref<2x3x128x128xf32, #tpu.memory_space<vmem>> -> memref<1x1x128x128xf32, #tpu.memory_space<vmem>>
      %get3A_320 = tpu.memref_squeeze %get3A_319 : memref<1x1x128x128xf32, #tpu.memory_space<vmem>> -> memref<128x128xf32, #tpu.memory_space<vmem>>
      %get3A_321 = arith.index_cast %scan3A_292 : i32 to index
      %get3A_322 = arith.constant 16 : index
      %get3A_323 = tpu.vector_load %get3A_320[%get3A_321, %get3A_322] {strides = array<i32>} : memref<128x128xf32, #tpu.memory_space<vmem>>, vector<1x16xf32>,
      %get3A_324 = vector.shape_cast %get3A_323 : vector<1x16xf32> to vector<16xf32>
      %get3A_325 = arith.constant 0 : i32
      %get3A_326 = arith.constant 0 : i32
      %get3A_327 = tpu.memref_slice %arg8[%scan3A_120, %scan3A_121, %get3A_325, %get3A_326] : memref<2x3x128x128xf32, #tpu.memory_space<vmem>> -> memref<1x1x128x128xf32, #tpu.memory_space<vmem>>
      %get3A_328 = tpu.memref_squeeze %get3A_327 : memref<1x1x128x128xf32, #tpu.memory_space<vmem>> -> memref<128x128xf32, #tpu.memory_space<vmem>>
      %get3A_329 = arith.index_cast %scan3A_292 : i32 to index
      %get3A_330 = arith.constant 16 : index
      %get3A_331 = tpu.vector_load %get3A_328[%get3A_329, %get3A_330] {strides = array<i32>} : memref<128x128xf32, #tpu.memory_space<vmem>>, vector<1x16xf32>,
      %get3A_332 = vector.shape_cast %get3A_331 : vector<1x16xf32> to vector<16xf32>
      %mul3A_333 = arith.mulf %get3A_324, %get3A_332 : vector<16xf32>
      %swap3A_334 = arith.constant 0 : i32
      %swap3A_335 = arith.constant 0 : i32
      %swap3A_336 = tpu.memref_slice %arg8[%scan3A_118, %scan3A_119, %swap3A_334, %swap3A_335] : memref<2x3x128x128xf32, #tpu.memory_space<vmem>> -> memref<1x1x128x128xf32, #tpu.memory_space<vmem>>
      %swap3A_337 = tpu.memref_squeeze %swap3A_336 : memref<1x1x128x128xf32, #tpu.memory_space<vmem>> -> memref<128x128xf32, #tpu.memory_space<vmem>>
      %swap3A_338 = arith.index_cast %scan3A_292 : i32 to index
      %swap3A_339 = arith.constant 16 : index
      %swap3A_340 = tpu.vector_load %swap3A_337[%swap3A_338, %swap3A_339] {strides = array<i32>} : memref<128x128xf32, #tpu.memory_space<vmem>>, vector<1x16xf32>,
      %swap3A_341 = vector.shape_cast %swap3A_340 : vector<1x16xf32> to vector<16xf32>
      %swap3A_342 = vector.shape_cast %mul3A_333 : vector<16xf32> to vector<1x16xf32>
      tpu.vector_store %swap3A_337[%swap3A_338, %swap3A_339], %swap3A_342 {strides = array<i32>} : memref<128x128xf32, #tpu.memory_space<vmem>>, vector<1x16xf32>,
      %get3A_343 = arith.constant 0 : i32
      %get3A_344 = arith.constant 0 : i32
      %get3A_345 = tpu.memref_slice %arg8[%scan3A_118, %scan3A_119, %get3A_343, %get3A_344] : memref<2x3x128x128xf32, #tpu.memory_space<vmem>> -> memref<1x1x128x128xf32, #tpu.memory_space<vmem>>
      %get3A_346 = tpu.memref_squeeze %get3A_345 : memref<1x1x128x128xf32, #tpu.memory_space<vmem>> -> memref<128x128xf32, #tpu.memory_space<vmem>>
      %get3A_347 = arith.index_cast %scan3A_292 : i32 to index
      %get3A_348 = arith.constant 32 : index
      %get3A_349 = tpu.vector_load %get3A_346[%get3A_347, %get3A_348] {strides = array<i32>} : memref<128x128xf32, #tpu.memory_space<vmem>>, vector<1x16xf32>,
      %get3A_350 = vector.shape_cast %get3A_349 : vector<1x16xf32> to vector<16xf32>
      %get3A_351 = arith.constant 0 : i32
      %get3A_352 = arith.constant 0 : i32
      %get3A_353 = tpu.memref_slice %arg8[%scan3A_120, %scan3A_121, %get3A_351, %get3A_352] : memref<2x3x128x128xf32, #tpu.memory_space<vmem>> -> memref<1x1x128x128xf32, #tpu.memory_space<vmem>>
      %get3A_354 = tpu.memref_squeeze %get3A_353 : memref<1x1x128x128xf32, #tpu.memory_space<vmem>> -> memref<128x128xf32, #tpu.memory_space<vmem>>
      %get3A_355 = arith.index_cast %scan3A_292 : i32 to index
      %get3A_356 = arith.constant 32 : index
      %get3A_357 = tpu.vector_load %get3A_354[%get3A_355, %get3A_356] {strides = array<i32>} : memref<128x128xf32, #tpu.memory_space<vmem>>, vector<1x16xf32>,
      %get3A_358 = vector.shape_cast %get3A_357 : vector<1x16xf32> to vector<16xf32>
      %mul3A_359 = arith.mulf %get3A_350, %get3A_358 : vector<16xf32>
      %swap3A_360 = arith.constant 0 : i32
      %swap3A_361 = arith.constant 0 : i32
      %swap3A_362 = tpu.memref_slice %arg8[%scan3A_118, %scan3A_119, %swap3A_360, %swap3A_361] : memref<2x3x128x128xf32, #tpu.memory_space<vmem>> -> memref<1x1x128x128xf32, #tpu.memory_space<vmem>>
      %swap3A_363 = tpu.memref_squeeze %swap3A_362 : memref<1x1x128x128xf32, #tpu.memory_space<vmem>> -> memref<128x128xf32, #tpu.memory_space<vmem>>
      %swap3A_364 = arith.index_cast %scan3A_292 : i32 to index
      %swap3A_365 = arith.constant 32 : index
      %swap3A_366 = tpu.vector_load %swap3A_363[%swap3A_364, %swap3A_365] {strides = array<i32>} : memref<128x128xf32, #tpu.memory_space<vmem>>, vector<1x16xf32>,
      %swap3A_367 = vector.shape_cast %swap3A_366 : vector<1x16xf32> to vector<16xf32>
      %swap3A_368 = vector.shape_cast %mul3A_359 : vector<16xf32> to vector<1x16xf32>
      tpu.vector_store %swap3A_363[%swap3A_364, %swap3A_365], %swap3A_368 {strides = array<i32>} : memref<128x128xf32, #tpu.memory_space<vmem>>, vector<1x16xf32>,
      %get3A_369 = arith.constant 0 : i32
      %get3A_370 = arith.constant 0 : i32
      %get3A_371 = tpu.memref_slice %arg8[%scan3A_118, %scan3A_119, %get3A_369, %get3A_370] : memref<2x3x128x128xf32, #tpu.memory_space<vmem>> -> memref<1x1x128x128xf32, #tpu.memory_space<vmem>>
      %get3A_372 = tpu.memref_squeeze %get3A_371 : memref<1x1x128x128xf32, #tpu.memory_space<vmem>> -> memref<128x128xf32, #tpu.memory_space<vmem>>
      %get3A_373 = arith.index_cast %scan3A_292 : i32 to index
      %get3A_374 = arith.constant 48 : index
      %get3A_375 = tpu.vector_load %get3A_372[%get3A_373, %get3A_374] {strides = array<i32>} : memref<128x128xf32, #tpu.memory_space<vmem>>, vector<1x16xf32>,
      %get3A_376 = vector.shape_cast %get3A_375 : vector<1x16xf32> to vector<16xf32>
      %get3A_377 = arith.constant 0 : i32
      %get3A_378 = arith.constant 0 : i32
      %get3A_379 = tpu.memref_slice %arg8[%scan3A_120, %scan3A_121, %get3A_377, %get3A_378] : memref<2x3x128x128xf32, #tpu.memory_space<vmem>> -> memref<1x1x128x128xf32, #tpu.memory_space<vmem>>
      %get3A_380 = tpu.memref_squeeze %get3A_379 : memref<1x1x128x128xf32, #tpu.memory_space<vmem>> -> memref<128x128xf32, #tpu.memory_space<vmem>>
      %get3A_381 = arith.index_cast %scan3A_292 : i32 to index
      %get3A_382 = arith.constant 48 : index
      %get3A_383 = tpu.vector_load %get3A_380[%get3A_381, %get3A_382] {strides = array<i32>} : memref<128x128xf32, #tpu.memory_space<vmem>>, vector<1x16xf32>,
      %get3A_384 = vector.shape_cast %get3A_383 : vector<1x16xf32> to vector<16xf32>
      %mul3A_385 = arith.mulf %get3A_376, %get3A_384 : vector<16xf32>
      %swap3A_386 = arith.constant 0 : i32
      %swap3A_387 = arith.constant 0 : i32
      %swap3A_388 = tpu.memref_slice %arg8[%scan3A_118, %scan3A_119, %swap3A_386, %swap3A_387] : memref<2x3x128x128xf32, #tpu.memory_space<vmem>> -> memref<1x1x128x128xf32, #tpu.memory_space<vmem>>
      %swap3A_389 = tpu.memref_squeeze %swap3A_388 : memref<1x1x128x128xf32, #tpu.memory_space<vmem>> -> memref<128x128xf32, #tpu.memory_space<vmem>>
      %swap3A_390 = arith.index_cast %scan3A_292 : i32 to index
      %swap3A_391 = arith.constant 48 : index
      %swap3A_392 = tpu.vector_load %swap3A_389[%swap3A_390, %swap3A_391] {strides = array<i32>} : memref<128x128xf32, #tpu.memory_space<vmem>>, vector<1x16xf32>,
      %swap3A_393 = vector.shape_cast %swap3A_392 : vector<1x16xf32> to vector<16xf32>
      %swap3A_394 = vector.shape_cast %mul3A_385 : vector<16xf32> to vector<1x16xf32>
      tpu.vector_store %swap3A_389[%swap3A_390, %swap3A_391], %swap3A_394 {strides = array<i32>} : memref<128x128xf32, #tpu.memory_space<vmem>>, vector<1x16xf32>,
      %get3A_395 = arith.constant 0 : i32
      %get3A_396 = arith.constant 0 : i32
      %get3A_397 = tpu.memref_slice %arg8[%scan3A_118, %scan3A_119, %get3A_395, %get3A_396] : memref<2x3x128x128xf32, #tpu.memory_space<vmem>> -> memref<1x1x128x128xf32, #tpu.memory_space<vmem>>
      %get3A_398 = tpu.memref_squeeze %get3A_397 : memref<1x1x128x128xf32, #tpu.memory_space<vmem>> -> memref<128x128xf32, #tpu.memory_space<vmem>>
      %get3A_399 = arith.index_cast %scan3A_292 : i32 to index
      %get3A_400 = arith.constant 64 : index
      %get3A_401 = tpu.vector_load %get3A_398[%get3A_399, %get3A_400] {strides = array<i32>} : memref<128x128xf32, #tpu.memory_space<vmem>>, vector<1x16xf32>,
      %get3A_402 = vector.shape_cast %get3A_401 : vector<1x16xf32> to vector<16xf32>
      %get3A_403 = arith.constant 0 : i32
      %get3A_404 = arith.constant 0 : i32
      %get3A_405 = tpu.memref_slice %arg8[%scan3A_120, %scan3A_121, %get3A_403, %get3A_404] : memref<2x3x128x128xf32, #tpu.memory_space<vmem>> -> memref<1x1x128x128xf32, #tpu.memory_space<vmem>>
      %get3A_406 = tpu.memref_squeeze %get3A_405 : memref<1x1x128x128xf32, #tpu.memory_space<vmem>> -> memref<128x128xf32, #tpu.memory_space<vmem>>
      %get3A_407 = arith.index_cast %scan3A_292 : i32 to index
      %get3A_408 = arith.constant 64 : index
      %get3A_409 = tpu.vector_load %get3A_406[%get3A_407, %get3A_408] {strides = array<i32>} : memref<128x128xf32, #tpu.memory_space<vmem>>, vector<1x16xf32>,
      %get3A_410 = vector.shape_cast %get3A_409 : vector<1x16xf32> to vector<16xf32>
      %mul3A_411 = arith.mulf %get3A_402, %get3A_410 : vector<16xf32>
      %swap3A_412 = arith.constant 0 : i32
      %swap3A_413 = arith.constant 0 : i32
      %swap3A_414 = tpu.memref_slice %arg8[%scan3A_118, %scan3A_119, %swap3A_412, %swap3A_413] : memref<2x3x128x128xf32, #tpu.memory_space<vmem>> -> memref<1x1x128x128xf32, #tpu.memory_space<vmem>>
      %swap3A_415 = tpu.memref_squeeze %swap3A_414 : memref<1x1x128x128xf32, #tpu.memory_space<vmem>> -> memref<128x128xf32, #tpu.memory_space<vmem>>
      %swap3A_416 = arith.index_cast %scan3A_292 : i32 to index
      %swap3A_417 = arith.constant 64 : index
      %swap3A_418 = tpu.vector_load %swap3A_415[%swap3A_416, %swap3A_417] {strides = array<i32>} : memref<128x128xf32, #tpu.memory_space<vmem>>, vector<1x16xf32>,
      %swap3A_419 = vector.shape_cast %swap3A_418 : vector<1x16xf32> to vector<16xf32>
      %swap3A_420 = vector.shape_cast %mul3A_411 : vector<16xf32> to vector<1x16xf32>
      tpu.vector_store %swap3A_415[%swap3A_416, %swap3A_417], %swap3A_420 {strides = array<i32>} : memref<128x128xf32, #tpu.memory_space<vmem>>, vector<1x16xf32>,
      %get3A_421 = arith.constant 0 : i32
      %get3A_422 = arith.constant 0 : i32
      %get3A_423 = tpu.memref_slice %arg8[%scan3A_118, %scan3A_119, %get3A_421, %get3A_422] : memref<2x3x128x128xf32, #tpu.memory_space<vmem>> -> memref<1x1x128x128xf32, #tpu.memory_space<vmem>>
      %get3A_424 = tpu.memref_squeeze %get3A_423 : memref<1x1x128x128xf32, #tpu.memory_space<vmem>> -> memref<128x128xf32, #tpu.memory_space<vmem>>
      %get3A_425 = arith.index_cast %scan3A_292 : i32 to index
      %get3A_426 = arith.constant 80 : index
      %get3A_427 = tpu.vector_load %get3A_424[%get3A_425, %get3A_426] {strides = array<i32>} : memref<128x128xf32, #tpu.memory_space<vmem>>, vector<1x16xf32>,
      %get3A_428 = vector.shape_cast %get3A_427 : vector<1x16xf32> to vector<16xf32>
      %get3A_429 = arith.constant 0 : i32
      %get3A_430 = arith.constant 0 : i32
      %get3A_431 = tpu.memref_slice %arg8[%scan3A_120, %scan3A_121, %get3A_429, %get3A_430] : memref<2x3x128x128xf32, #tpu.memory_space<vmem>> -> memref<1x1x128x128xf32, #tpu.memory_space<vmem>>
      %get3A_432 = tpu.memref_squeeze %get3A_431 : memref<1x1x128x128xf32, #tpu.memory_space<vmem>> -> memref<128x128xf32, #tpu.memory_space<vmem>>
      %get3A_433 = arith.index_cast %scan3A_292 : i32 to index
      %get3A_434 = arith.constant 80 : index
      %get3A_435 = tpu.vector_load %get3A_432[%get3A_433, %get3A_434] {strides = array<i32>} : memref<128x128xf32, #tpu.memory_space<vmem>>, vector<1x16xf32>,
      %get3A_436 = vector.shape_cast %get3A_435 : vector<1x16xf32> to vector<16xf32>
      %mul3A_437 = arith.mulf %get3A_428, %get3A_436 : vector<16xf32>
      %swap3A_438 = arith.constant 0 : i32
      %swap3A_439 = arith.constant 0 : i32
      %swap3A_440 = tpu.memref_slice %arg8[%scan3A_118, %scan3A_119, %swap3A_438, %swap3A_439] : memref<2x3x128x128xf32, #tpu.memory_space<vmem>> -> memref<1x1x128x128xf32, #tpu.memory_space<vmem>>
      %swap3A_441 = tpu.memref_squeeze %swap3A_440 : memref<1x1x128x128xf32, #tpu.memory_space<vmem>> -> memref<128x128xf32, #tpu.memory_space<vmem>>
      %swap3A_442 = arith.index_cast %scan3A_292 : i32 to index
      %swap3A_443 = arith.constant 80 : index
      %swap3A_444 = tpu.vector_load %swap3A_441[%swap3A_442, %swap3A_443] {strides = array<i32>} : memref<128x128xf32, #tpu.memory_space<vmem>>, vector<1x16xf32>,
      %swap3A_445 = vector.shape_cast %swap3A_444 : vector<1x16xf32> to vector<16xf32>
      %swap3A_446 = vector.shape_cast %mul3A_437 : vector<16xf32> to vector<1x16xf32>
      tpu.vector_store %swap3A_441[%swap3A_442, %swap3A_443], %swap3A_446 {strides = array<i32>} : memref<128x128xf32, #tpu.memory_space<vmem>>, vector<1x16xf32>,
      %get3A_447 = arith.constant 0 : i32
      %get3A_448 = arith.constant 0 : i32
      %get3A_449 = tpu.memref_slice %arg8[%scan3A_118, %scan3A_119, %get3A_447, %get3A_448] : memref<2x3x128x128xf32, #tpu.memory_space<vmem>> -> memref<1x1x128x128xf32, #tpu.memory_space<vmem>>
      %get3A_450 = tpu.memref_squeeze %get3A_449 : memref<1x1x128x128xf32, #tpu.memory_space<vmem>> -> memref<128x128xf32, #tpu.memory_space<vmem>>
      %get3A_451 = arith.index_cast %scan3A_292 : i32 to index
      %get3A_452 = arith.constant 96 : index
      %get3A_453 = tpu.vector_load %get3A_450[%get3A_451, %get3A_452] {strides = array<i32>} : memref<128x128xf32, #tpu.memory_space<vmem>>, vector<1x16xf32>,
      %get3A_454 = vector.shape_cast %get3A_453 : vector<1x16xf32> to vector<16xf32>
      %get3A_455 = arith.constant 0 : i32
      %get3A_456 = arith.constant 0 : i32
      %get3A_457 = tpu.memref_slice %arg8[%scan3A_120, %scan3A_121, %get3A_455, %get3A_456] : memref<2x3x128x128xf32, #tpu.memory_space<vmem>> -> memref<1x1x128x128xf32, #tpu.memory_space<vmem>>
      %get3A_458 = tpu.memref_squeeze %get3A_457 : memref<1x1x128x128xf32, #tpu.memory_space<vmem>> -> memref<128x128xf32, #tpu.memory_space<vmem>>
      %get3A_459 = arith.index_cast %scan3A_292 : i32 to index
      %get3A_460 = arith.constant 96 : index
      %get3A_461 = tpu.vector_load %get3A_458[%get3A_459, %get3A_460] {strides = array<i32>} : memref<128x128xf32, #tpu.memory_space<vmem>>, vector<1x16xf32>,
      %get3A_462 = vector.shape_cast %get3A_461 : vector<1x16xf32> to vector<16xf32>
      %mul3A_463 = arith.mulf %get3A_454, %get3A_462 : vector<16xf32>
      %swap3A_464 = arith.constant 0 : i32
      %swap3A_465 = arith.constant 0 : i32
      %swap3A_466 = tpu.memref_slice %arg8[%scan3A_118, %scan3A_119, %swap3A_464, %swap3A_465] : memref<2x3x128x128xf32, #tpu.memory_space<vmem>> -> memref<1x1x128x128xf32, #tpu.memory_space<vmem>>
      %swap3A_467 = tpu.memref_squeeze %swap3A_466 : memref<1x1x128x128xf32, #tpu.memory_space<vmem>> -> memref<128x128xf32, #tpu.memory_space<vmem>>
      %swap3A_468 = arith.index_cast %scan3A_292 : i32 to index
      %swap3A_469 = arith.constant 96 : index
      %swap3A_470 = tpu.vector_load %swap3A_467[%swap3A_468, %swap3A_469] {strides = array<i32>} : memref<128x128xf32, #tpu.memory_space<vmem>>, vector<1x16xf32>,
      %swap3A_471 = vector.shape_cast %swap3A_470 : vector<1x16xf32> to vector<16xf32>
      %swap3A_472 = vector.shape_cast %mul3A_463 : vector<16xf32> to vector<1x16xf32>
      tpu.vector_store %swap3A_467[%swap3A_468, %swap3A_469], %swap3A_472 {strides = array<i32>} : memref<128x128xf32, #tpu.memory_space<vmem>>, vector<1x16xf32>,
      %get3A_473 = arith.constant 0 : i32
      %get3A_474 = arith.constant 0 : i32
      %get3A_475 = tpu.memref_slice %arg8[%scan3A_118, %scan3A_119, %get3A_473, %get3A_474] : memref<2x3x128x128xf32, #tpu.memory_space<vmem>> -> memref<1x1x128x128xf32, #tpu.memory_space<vmem>>
      %get3A_476 = tpu.memref_squeeze %get3A_475 : memref<1x1x128x128xf32, #tpu.memory_space<vmem>> -> memref<128x128xf32, #tpu.memory_space<vmem>>
      %get3A_477 = arith.index_cast %scan3A_292 : i32 to index
      %get3A_478 = arith.constant 112 : index
      %get3A_479 = tpu.vector_load %get3A_476[%get3A_477, %get3A_478] {strides = array<i32>} : memref<128x128xf32, #tpu.memory_space<vmem>>, vector<1x16xf32>,
      %get3A_480 = vector.shape_cast %get3A_479 : vector<1x16xf32> to vector<16xf32>
      %get3A_481 = arith.constant 0 : i32
      %get3A_482 = arith.constant 0 : i32
      %get3A_483 = tpu.memref_slice %arg8[%scan3A_120, %scan3A_121, %get3A_481, %get3A_482] : memref<2x3x128x128xf32, #tpu.memory_space<vmem>> -> memref<1x1x128x128xf32, #tpu.memory_space<vmem>>
      %get3A_484 = tpu.memref_squeeze %get3A_483 : memref<1x1x128x128xf32, #tpu.memory_space<vmem>> -> memref<128x128xf32, #tpu.memory_space<vmem>>
      %get3A_485 = arith.index_cast %scan3A_292 : i32 to index
      %get3A_486 = arith.constant 112 : index
      %get3A_487 = tpu.vector_load %get3A_484[%get3A_485, %get3A_486] {strides = array<i32>} : memref<128x128xf32, #tpu.memory_space<vmem>>, vector<1x16xf32>,
      %get3A_488 = vector.shape_cast %get3A_487 : vector<1x16xf32> to vector<16xf32>
      %mul3A_489 = arith.mulf %get3A_480, %get3A_488 : vector<16xf32>
      %swap3A_490 = arith.constant 0 : i32
      %swap3A_491 = arith.constant 0 : i32
      %swap3A_492 = tpu.memref_slice %arg8[%scan3A_118, %scan3A_119, %swap3A_490, %swap3A_491] : memref<2x3x128x128xf32, #tpu.memory_space<vmem>> -> memref<1x1x128x128xf32, #tpu.memory_space<vmem>>
      %swap3A_493 = tpu.memref_squeeze %swap3A_492 : memref<1x1x128x128xf32, #tpu.memory_space<vmem>> -> memref<128x128xf32, #tpu.memory_space<vmem>>
      %swap3A_494 = arith.index_cast %scan3A_292 : i32 to index
      %swap3A_495 = arith.constant 112 : index
      %swap3A_496 = tpu.vector_load %swap3A_493[%swap3A_494, %swap3A_495] {strides = array<i32>} : memref<128x128xf32, #tpu.memory_space<vmem>>, vector<1x16xf32>,
      %swap3A_497 = vector.shape_cast %swap3A_496 : vector<1x16xf32> to vector<16xf32>
      %swap3A_498 = vector.shape_cast %mul3A_489 : vector<16xf32> to vector<1x16xf32>
      tpu.vector_store %swap3A_493[%swap3A_494, %swap3A_495], %swap3A_498 {strides = array<i32>} : memref<128x128xf32, #tpu.memory_space<vmem>>, vector<1x16xf32>,
    }
    %scan3A_126 = arith.constant 128 : i32
    %add3A_127 = arith.constant 0 : i32
    %add3A_128 = arith.addi %mul3A_2, %add3A_127 : i32
    %dma_start3A_129 = arith.constant 0 : i32
    %dma_start3A_130 = arith.constant 0 : i32
    %dma_start3A_131 = arith.constant 0 : i32
    %dma_start3A_132 = arith.constant 0 : i32
    %dma_start3A_133 = tpu.memref_slice %arg8[%dma_start3A_129, %dma_start3A_130, %dma_start3A_131, %dma_start3A_132] : memref<2x3x128x128xf32, #tpu.memory_space<vmem>> -> memref<1x1x128x128xf32, #tpu.memory_space<vmem>>
    %dma_start3A_134 = tpu.memref_squeeze %dma_start3A_133 : memref<1x1x128x128xf32, #tpu.memory_space<vmem>> -> memref<128x128xf32, #tpu.memory_space<vmem>>
    %dma_start3A_135 = arith.constant 0 : i32
    %dma_start3A_136 = tpu.memref_slice %arg5[%add3A_128, %dma_start3A_135] : memref<8192x128xf32, #tpu.memory_space<hbm>> -> memref<128x128xf32, #tpu.memory_space<hbm>>
    %dma_start3A_137 = arith.constant 0 : i32
    %dma_start3A_138 = tpu.memref_slice %arg5[%add3A_128, %dma_start3A_137] : memref<8192x128xf32, #tpu.memory_space<hbm>> -> memref<128x128xf32, #tpu.memory_space<hbm>>
    %dma_start3A_139 = arith.constant 0 : i32
    %dma_start3A_140 = arith.constant 0 : i32
    %dma_start3A_141 = tpu.memref_slice %arg8[%dma_start3A_129, %dma_start3A_130, %dma_start3A_139, %dma_start3A_140] : memref<2x3x128x128xf32, #tpu.memory_space<vmem>> -> memref<1x1x128x128xf32, #tpu.memory_space<vmem>>
    %dma_start3A_142 = tpu.memref_squeeze %dma_start3A_141 : memref<1x1x128x128xf32, #tpu.memory_space<vmem>> -> memref<128x128xf32, #tpu.memory_space<vmem>>
    tpu.enqueue_dma source(%dma_start3A_142 : memref<128x128xf32, #tpu.memory_space<vmem>>) target(%dma_start3A_138 : memref<128x128xf32, #tpu.memory_space<hbm>>) target_semaphore(%arg11 : memref<!tpu.dma_semaphore, #tpu.memory_space<semaphore_mem>>)
    %dma_start3A_143 = arith.constant 0 : i32
    %dma_start3A_144 = arith.constant 1 : i32
    %dma_start3A_145 = arith.constant 0 : i32
    %dma_start3A_146 = arith.constant 0 : i32
    %dma_start3A_147 = tpu.memref_slice %arg8[%dma_start3A_143, %dma_start3A_144, %dma_start3A_145, %dma_start3A_146] : memref<2x3x128x128xf32, #tpu.memory_space<vmem>> -> memref<1x1x128x128xf32, #tpu.memory_space<vmem>>
    %dma_start3A_148 = tpu.memref_squeeze %dma_start3A_147 : memref<1x1x128x128xf32, #tpu.memory_space<vmem>> -> memref<128x128xf32, #tpu.memory_space<vmem>>
    %dma_start3A_149 = arith.constant 0 : i32
    %dma_start3A_150 = tpu.memref_slice %arg6[%add3A_128, %dma_start3A_149] : memref<8192x128xf32, #tpu.memory_space<hbm>> -> memref<128x128xf32, #tpu.memory_space<hbm>>
    %dma_start3A_151 = arith.constant 0 : i32
    %dma_start3A_152 = tpu.memref_slice %arg6[%add3A_128, %dma_start3A_151] : memref<8192x128xf32, #tpu.memory_space<hbm>> -> memref<128x128xf32, #tpu.memory_space<hbm>>
    %dma_start3A_153 = arith.constant 0 : i32
    %dma_start3A_154 = arith.constant 0 : i32
    %dma_start3A_155 = tpu.memref_slice %arg8[%dma_start3A_143, %dma_start3A_144, %dma_start3A_153, %dma_start3A_154] : memref<2x3x128x128xf32, #tpu.memory_space<vmem>> -> memref<1x1x128x128xf32, #tpu.memory_space<vmem>>
    %dma_start3A_156 = tpu.memref_squeeze %dma_start3A_155 : memref<1x1x128x128xf32, #tpu.memory_space<vmem>> -> memref<128x128xf32, #tpu.memory_space<vmem>>
    tpu.enqueue_dma source(%dma_start3A_156 : memref<128x128xf32, #tpu.memory_space<vmem>>) target(%dma_start3A_152 : memref<128x128xf32, #tpu.memory_space<hbm>>) target_semaphore(%arg11 : memref<!tpu.dma_semaphore, #tpu.memory_space<semaphore_mem>>)
    %dma_wait3A_157 = arith.constant 3 : i32
    %dma_wait3A_158 = arith.constant 1 : i32
    %dma_wait3A_159 = arith.constant 0 : i32
    %dma_wait3A_160 = arith.constant 0 : i32
    %dma_wait3A_161 = arith.constant 0 : i32
    %dma_wait3A_162 = tpu.memref_slice %arg8[%dma_wait3A_158, %dma_wait3A_159, %dma_wait3A_160, %dma_wait3A_161] : memref<2x3x128x128xf32, #tpu.memory_space<vmem>> -> memref<1x1x128x128xf32, #tpu.memory_space<vmem>>
    %dma_wait3A_163 = tpu.memref_squeeze %dma_wait3A_162 : memref<1x1x128x128xf32, #tpu.memory_space<vmem>> -> memref<128x128xf32, #tpu.memory_space<vmem>>
    %dma_wait3A_164 = arith.constant 0 : i32
    %dma_wait3A_165 = tpu.memref_slice %arg7[%dma_wait3A_157, %dma_wait3A_164] : memref<6x128xi32, #tpu.memory_space<vmem>> -> memref<1x128xi32, #tpu.memory_space<vmem>>
    %dma_wait3A_166 = tpu.memref_squeeze %dma_wait3A_165 : memref<1x128xi32, #tpu.memory_space<vmem>> -> memref<128xi32, #tpu.memory_space<vmem>>
    %dma_wait3A_167 = arith.constant 0 : i32
    %dma_wait3A_168 = arith.constant 0 : i32
    %dma_wait3A_169 = tpu.memref_slice %arg2[%dma_wait3A_167, %dma_wait3A_168] : memref<100000x128xf32, #tpu.memory_space<hbm>> -> memref<100000x128xf32, #tpu.memory_space<hbm>>
    tpu.wait_indirect_dma semaphore(%arg10 : memref<!tpu.dma_semaphore, #tpu.memory_space<semaphore_mem>>) src(%dma_wait3A_169 : memref<100000x128xf32, #tpu.memory_space<hbm>>) dst(%dma_wait3A_163 : memref<128x128xf32, #tpu.memory_space<vmem>>)
    %dma_wait3A_170 = arith.constant 4 : i32
    %dma_wait3A_171 = arith.constant 1 : i32
    %dma_wait3A_172 = arith.constant 1 : i32
    %dma_wait3A_173 = arith.constant 0 : i32
    %dma_wait3A_174 = arith.constant 0 : i32
    %dma_wait3A_175 = tpu.memref_slice %arg8[%dma_wait3A_171, %dma_wait3A_172, %dma_wait3A_173, %dma_wait3A_174] : memref<2x3x128x128xf32, #tpu.memory_space<vmem>> -> memref<1x1x128x128xf32, #tpu.memory_space<vmem>>
    %dma_wait3A_176 = tpu.memref_squeeze %dma_wait3A_175 : memref<1x1x128x128xf32, #tpu.memory_space<vmem>> -> memref<128x128xf32, #tpu.memory_space<vmem>>
    %dma_wait3A_177 = arith.constant 0 : i32
    %dma_wait3A_178 = tpu.memref_slice %arg7[%dma_wait3A_170, %dma_wait3A_177] : memref<6x128xi32, #tpu.memory_space<vmem>> -> memref<1x128xi32, #tpu.memory_space<vmem>>
    %dma_wait3A_179 = tpu.memref_squeeze %dma_wait3A_178 : memref<1x128xi32, #tpu.memory_space<vmem>> -> memref<128xi32, #tpu.memory_space<vmem>>
    %dma_wait3A_180 = arith.constant 0 : i32
    %dma_wait3A_181 = arith.constant 0 : i32
    %dma_wait3A_182 = tpu.memref_slice %arg3[%dma_wait3A_180, %dma_wait3A_181] : memref<100000x128xf32, #tpu.memory_space<hbm>> -> memref<100000x128xf32, #tpu.memory_space<hbm>>
    tpu.wait_indirect_dma semaphore(%arg10 : memref<!tpu.dma_semaphore, #tpu.memory_space<semaphore_mem>>) src(%dma_wait3A_182 : memref<100000x128xf32, #tpu.memory_space<hbm>>) dst(%dma_wait3A_176 : memref<128x128xf32, #tpu.memory_space<vmem>>)
    %dma_wait3A_183 = arith.constant 5 : i32
    %dma_wait3A_184 = arith.constant 1 : i32
    %dma_wait3A_185 = arith.constant 2 : i32
    %dma_wait3A_186 = arith.constant 0 : i32
    %dma_wait3A_187 = arith.constant 0 : i32
    %dma_wait3A_188 = tpu.memref_slice %arg8[%dma_wait3A_184, %dma_wait3A_185, %dma_wait3A_186, %dma_wait3A_187] : memref<2x3x128x128xf32, #tpu.memory_space<vmem>> -> memref<1x1x128x128xf32, #tpu.memory_space<vmem>>
    %dma_wait3A_189 = tpu.memref_squeeze %dma_wait3A_188 : memref<1x1x128x128xf32, #tpu.memory_space<vmem>> -> memref<128x128xf32, #tpu.memory_space<vmem>>
    %dma_wait3A_190 = arith.constant 0 : i32
    %dma_wait3A_191 = tpu.memref_slice %arg7[%dma_wait3A_183, %dma_wait3A_190] : memref<6x128xi32, #tpu.memory_space<vmem>> -> memref<1x128xi32, #tpu.memory_space<vmem>>
    %dma_wait3A_192 = tpu.memref_squeeze %dma_wait3A_191 : memref<1x128xi32, #tpu.memory_space<vmem>> -> memref<128xi32, #tpu.memory_space<vmem>>
    %dma_wait3A_193 = arith.constant 0 : i32
    %dma_wait3A_194 = arith.constant 0 : i32
    %dma_wait3A_195 = tpu.memref_slice %arg2[%dma_wait3A_193, %dma_wait3A_194] : memref<100000x128xf32, #tpu.memory_space<hbm>> -> memref<100000x128xf32, #tpu.memory_space<hbm>>
    tpu.wait_indirect_dma semaphore(%arg10 : memref<!tpu.dma_semaphore, #tpu.memory_space<semaphore_mem>>) src(%dma_wait3A_195 : memref<100000x128xf32, #tpu.memory_space<hbm>>) dst(%dma_wait3A_189 : memref<128x128xf32, #tpu.memory_space<vmem>>)
    %scan3A_196 = arith.constant 0 : i32
    %scan3A_197 = arith.constant 1 : i32
    %scan3A_198 = arith.constant 1 : i32
    %scan3A_199 = arith.constant 1 : i32
    %scan3A_200 = arith.constant 2 : i32
    %scan3A_201 = arith.constant 0 : i32
    %scan3A_202 = arith.constant 128 : i32
    %scan3A_203 = arith.addi %scan3A_201, %scan3A_202 : i32
    %scan3A_204 = arith.constant 1 : i32
    scf.for %scan3A_292 = %scan3A_201 to %scan3A_203 step %scan3A_204  : i32 {
      %get3A = arith.constant 0 : i32
      %get3A_293 = arith.constant 0 : i32
      %get3A_294 = tpu.memref_slice %arg8[%scan3A_197, %scan3A_198, %get3A, %get3A_293] : memref<2x3x128x128xf32, #tpu.memory_space<vmem>> -> memref<1x1x128x128xf32, #tpu.memory_space<vmem>>
      %get3A_295 = tpu.memref_squeeze %get3A_294 : memref<1x1x128x128xf32, #tpu.memory_space<vmem>> -> memref<128x128xf32, #tpu.memory_space<vmem>>
      %get3A_296 = arith.index_cast %scan3A_292 : i32 to index
      %get3A_297 = arith.constant 0 : index
      %get3A_298 = tpu.vector_load %get3A_295[%get3A_296, %get3A_297] {strides = array<i32>} : memref<128x128xf32, #tpu.memory_space<vmem>>, vector<1x16xf32>,
      %get3A_299 = vector.shape_cast %get3A_298 : vector<1x16xf32> to vector<16xf32>
      %get3A_300 = arith.constant 0 : i32
      %get3A_301 = arith.constant 0 : i32
      %get3A_302 = tpu.memref_slice %arg8[%scan3A_199, %scan3A_200, %get3A_300, %get3A_301] : memref<2x3x128x128xf32, #tpu.memory_space<vmem>> -> memref<1x1x128x128xf32, #tpu.memory_space<vmem>>
      %get3A_303 = tpu.memref_squeeze %get3A_302 : memref<1x1x128x128xf32, #tpu.memory_space<vmem>> -> memref<128x128xf32, #tpu.memory_space<vmem>>
      %get3A_304 = arith.index_cast %scan3A_292 : i32 to index
      %get3A_305 = arith.constant 0 : index
      %get3A_306 = tpu.vector_load %get3A_303[%get3A_304, %get3A_305] {strides = array<i32>} : memref<128x128xf32, #tpu.memory_space<vmem>>, vector<1x16xf32>,
      %get3A_307 = vector.shape_cast %get3A_306 : vector<1x16xf32> to vector<16xf32>
      %mul3A_308 = arith.mulf %get3A_299, %get3A_307 : vector<16xf32>
      %swap3A = arith.constant 0 : i32
      %swap3A_309 = arith.constant 0 : i32
      %swap3A_310 = tpu.memref_slice %arg8[%scan3A_197, %scan3A_198, %swap3A, %swap3A_309] : memref<2x3x128x128xf32, #tpu.memory_space<vmem>> -> memref<1x1x128x128xf32, #tpu.memory_space<vmem>>
      %swap3A_311 = tpu.memref_squeeze %swap3A_310 : memref<1x1x128x128xf32, #tpu.memory_space<vmem>> -> memref<128x128xf32, #tpu.memory_space<vmem>>
      %swap3A_312 = arith.index_cast %scan3A_292 : i32 to index
      %swap3A_313 = arith.constant 0 : index
      %swap3A_314 = tpu.vector_load %swap3A_311[%swap3A_312, %swap3A_313] {strides = array<i32>} : memref<128x128xf32, #tpu.memory_space<vmem>>, vector<1x16xf32>,
      %swap3A_315 = vector.shape_cast %swap3A_314 : vector<1x16xf32> to vector<16xf32>
      %swap3A_316 = vector.shape_cast %mul3A_308 : vector<16xf32> to vector<1x16xf32>
      tpu.vector_store %swap3A_311[%swap3A_312, %swap3A_313], %swap3A_316 {strides = array<i32>} : memref<128x128xf32, #tpu.memory_space<vmem>>, vector<1x16xf32>,
      %get3A_317 = arith.constant 0 : i32
      %get3A_318 = arith.constant 0 : i32
      %get3A_319 = tpu.memref_slice %arg8[%scan3A_197, %scan3A_198, %get3A_317, %get3A_318] : memref<2x3x128x128xf32, #tpu.memory_space<vmem>> -> memref<1x1x128x128xf32, #tpu.memory_space<vmem>>
      %get3A_320 = tpu.memref_squeeze %get3A_319 : memref<1x1x128x128xf32, #tpu.memory_space<vmem>> -> memref<128x128xf32, #tpu.memory_space<vmem>>
      %get3A_321 = arith.index_cast %scan3A_292 : i32 to index
      %get3A_322 = arith.constant 16 : index
      %get3A_323 = tpu.vector_load %get3A_320[%get3A_321, %get3A_322] {strides = array<i32>} : memref<128x128xf32, #tpu.memory_space<vmem>>, vector<1x16xf32>,
      %get3A_324 = vector.shape_cast %get3A_323 : vector<1x16xf32> to vector<16xf32>
      %get3A_325 = arith.constant 0 : i32
      %get3A_326 = arith.constant 0 : i32
      %get3A_327 = tpu.memref_slice %arg8[%scan3A_199, %scan3A_200, %get3A_325, %get3A_326] : memref<2x3x128x128xf32, #tpu.memory_space<vmem>> -> memref<1x1x128x128xf32, #tpu.memory_space<vmem>>
      %get3A_328 = tpu.memref_squeeze %get3A_327 : memref<1x1x128x128xf32, #tpu.memory_space<vmem>> -> memref<128x128xf32, #tpu.memory_space<vmem>>
      %get3A_329 = arith.index_cast %scan3A_292 : i32 to index
      %get3A_330 = arith.constant 16 : index
      %get3A_331 = tpu.vector_load %get3A_328[%get3A_329, %get3A_330] {strides = array<i32>} : memref<128x128xf32, #tpu.memory_space<vmem>>, vector<1x16xf32>,
      %get3A_332 = vector.shape_cast %get3A_331 : vector<1x16xf32> to vector<16xf32>
      %mul3A_333 = arith.mulf %get3A_324, %get3A_332 : vector<16xf32>
      %swap3A_334 = arith.constant 0 : i32
      %swap3A_335 = arith.constant 0 : i32
      %swap3A_336 = tpu.memref_slice %arg8[%scan3A_197, %scan3A_198, %swap3A_334, %swap3A_335] : memref<2x3x128x128xf32, #tpu.memory_space<vmem>> -> memref<1x1x128x128xf32, #tpu.memory_space<vmem>>
      %swap3A_337 = tpu.memref_squeeze %swap3A_336 : memref<1x1x128x128xf32, #tpu.memory_space<vmem>> -> memref<128x128xf32, #tpu.memory_space<vmem>>
      %swap3A_338 = arith.index_cast %scan3A_292 : i32 to index
      %swap3A_339 = arith.constant 16 : index
      %swap3A_340 = tpu.vector_load %swap3A_337[%swap3A_338, %swap3A_339] {strides = array<i32>} : memref<128x128xf32, #tpu.memory_space<vmem>>, vector<1x16xf32>,
      %swap3A_341 = vector.shape_cast %swap3A_340 : vector<1x16xf32> to vector<16xf32>
      %swap3A_342 = vector.shape_cast %mul3A_333 : vector<16xf32> to vector<1x16xf32>
      tpu.vector_store %swap3A_337[%swap3A_338, %swap3A_339], %swap3A_342 {strides = array<i32>} : memref<128x128xf32, #tpu.memory_space<vmem>>, vector<1x16xf32>,
      %get3A_343 = arith.constant 0 : i32
      %get3A_344 = arith.constant 0 : i32
      %get3A_345 = tpu.memref_slice %arg8[%scan3A_197, %scan3A_198, %get3A_343, %get3A_344] : memref<2x3x128x128xf32, #tpu.memory_space<vmem>> -> memref<1x1x128x128xf32, #tpu.memory_space<vmem>>
      %get3A_346 = tpu.memref_squeeze %get3A_345 : memref<1x1x128x128xf32, #tpu.memory_space<vmem>> -> memref<128x128xf32, #tpu.memory_space<vmem>>
      %get3A_347 = arith.index_cast %scan3A_292 : i32 to index
      %get3A_348 = arith.constant 32 : index
      %get3A_349 = tpu.vector_load %get3A_346[%get3A_347, %get3A_348] {strides = array<i32>} : memref<128x128xf32, #tpu.memory_space<vmem>>, vector<1x16xf32>,
      %get3A_350 = vector.shape_cast %get3A_349 : vector<1x16xf32> to vector<16xf32>
      %get3A_351 = arith.constant 0 : i32
      %get3A_352 = arith.constant 0 : i32
      %get3A_353 = tpu.memref_slice %arg8[%scan3A_199, %scan3A_200, %get3A_351, %get3A_352] : memref<2x3x128x128xf32, #tpu.memory_space<vmem>> -> memref<1x1x128x128xf32, #tpu.memory_space<vmem>>
      %get3A_354 = tpu.memref_squeeze %get3A_353 : memref<1x1x128x128xf32, #tpu.memory_space<vmem>> -> memref<128x128xf32, #tpu.memory_space<vmem>>
      %get3A_355 = arith.index_cast %scan3A_292 : i32 to index
      %get3A_356 = arith.constant 32 : index
      %get3A_357 = tpu.vector_load %get3A_354[%get3A_355, %get3A_356] {strides = array<i32>} : memref<128x128xf32, #tpu.memory_space<vmem>>, vector<1x16xf32>,
      %get3A_358 = vector.shape_cast %get3A_357 : vector<1x16xf32> to vector<16xf32>
      %mul3A_359 = arith.mulf %get3A_350, %get3A_358 : vector<16xf32>
      %swap3A_360 = arith.constant 0 : i32
      %swap3A_361 = arith.constant 0 : i32
      %swap3A_362 = tpu.memref_slice %arg8[%scan3A_197, %scan3A_198, %swap3A_360, %swap3A_361] : memref<2x3x128x128xf32, #tpu.memory_space<vmem>> -> memref<1x1x128x128xf32, #tpu.memory_space<vmem>>
      %swap3A_363 = tpu.memref_squeeze %swap3A_362 : memref<1x1x128x128xf32, #tpu.memory_space<vmem>> -> memref<128x128xf32, #tpu.memory_space<vmem>>
      %swap3A_364 = arith.index_cast %scan3A_292 : i32 to index
      %swap3A_365 = arith.constant 32 : index
      %swap3A_366 = tpu.vector_load %swap3A_363[%swap3A_364, %swap3A_365] {strides = array<i32>} : memref<128x128xf32, #tpu.memory_space<vmem>>, vector<1x16xf32>,
      %swap3A_367 = vector.shape_cast %swap3A_366 : vector<1x16xf32> to vector<16xf32>
      %swap3A_368 = vector.shape_cast %mul3A_359 : vector<16xf32> to vector<1x16xf32>
      tpu.vector_store %swap3A_363[%swap3A_364, %swap3A_365], %swap3A_368 {strides = array<i32>} : memref<128x128xf32, #tpu.memory_space<vmem>>, vector<1x16xf32>,
      %get3A_369 = arith.constant 0 : i32
      %get3A_370 = arith.constant 0 : i32
      %get3A_371 = tpu.memref_slice %arg8[%scan3A_197, %scan3A_198, %get3A_369, %get3A_370] : memref<2x3x128x128xf32, #tpu.memory_space<vmem>> -> memref<1x1x128x128xf32, #tpu.memory_space<vmem>>
      %get3A_372 = tpu.memref_squeeze %get3A_371 : memref<1x1x128x128xf32, #tpu.memory_space<vmem>> -> memref<128x128xf32, #tpu.memory_space<vmem>>
      %get3A_373 = arith.index_cast %scan3A_292 : i32 to index
      %get3A_374 = arith.constant 48 : index
      %get3A_375 = tpu.vector_load %get3A_372[%get3A_373, %get3A_374] {strides = array<i32>} : memref<128x128xf32, #tpu.memory_space<vmem>>, vector<1x16xf32>,
      %get3A_376 = vector.shape_cast %get3A_375 : vector<1x16xf32> to vector<16xf32>
      %get3A_377 = arith.constant 0 : i32
      %get3A_378 = arith.constant 0 : i32
      %get3A_379 = tpu.memref_slice %arg8[%scan3A_199, %scan3A_200, %get3A_377, %get3A_378] : memref<2x3x128x128xf32, #tpu.memory_space<vmem>> -> memref<1x1x128x128xf32, #tpu.memory_space<vmem>>
      %get3A_380 = tpu.memref_squeeze %get3A_379 : memref<1x1x128x128xf32, #tpu.memory_space<vmem>> -> memref<128x128xf32, #tpu.memory_space<vmem>>
      %get3A_381 = arith.index_cast %scan3A_292 : i32 to index
      %get3A_382 = arith.constant 48 : index
      %get3A_383 = tpu.vector_load %get3A_380[%get3A_381, %get3A_382] {strides = array<i32>} : memref<128x128xf32, #tpu.memory_space<vmem>>, vector<1x16xf32>,
      %get3A_384 = vector.shape_cast %get3A_383 : vector<1x16xf32> to vector<16xf32>
      %mul3A_385 = arith.mulf %get3A_376, %get3A_384 : vector<16xf32>
      %swap3A_386 = arith.constant 0 : i32
      %swap3A_387 = arith.constant 0 : i32
      %swap3A_388 = tpu.memref_slice %arg8[%scan3A_197, %scan3A_198, %swap3A_386, %swap3A_387] : memref<2x3x128x128xf32, #tpu.memory_space<vmem>> -> memref<1x1x128x128xf32, #tpu.memory_space<vmem>>
      %swap3A_389 = tpu.memref_squeeze %swap3A_388 : memref<1x1x128x128xf32, #tpu.memory_space<vmem>> -> memref<128x128xf32, #tpu.memory_space<vmem>>
      %swap3A_390 = arith.index_cast %scan3A_292 : i32 to index
      %swap3A_391 = arith.constant 48 : index
      %swap3A_392 = tpu.vector_load %swap3A_389[%swap3A_390, %swap3A_391] {strides = array<i32>} : memref<128x128xf32, #tpu.memory_space<vmem>>, vector<1x16xf32>,
      %swap3A_393 = vector.shape_cast %swap3A_392 : vector<1x16xf32> to vector<16xf32>
      %swap3A_394 = vector.shape_cast %mul3A_385 : vector<16xf32> to vector<1x16xf32>
      tpu.vector_store %swap3A_389[%swap3A_390, %swap3A_391], %swap3A_394 {strides = array<i32>} : memref<128x128xf32, #tpu.memory_space<vmem>>, vector<1x16xf32>,
      %get3A_395 = arith.constant 0 : i32
      %get3A_396 = arith.constant 0 : i32
      %get3A_397 = tpu.memref_slice %arg8[%scan3A_197, %scan3A_198, %get3A_395, %get3A_396] : memref<2x3x128x128xf32, #tpu.memory_space<vmem>> -> memref<1x1x128x128xf32, #tpu.memory_space<vmem>>
      %get3A_398 = tpu.memref_squeeze %get3A_397 : memref<1x1x128x128xf32, #tpu.memory_space<vmem>> -> memref<128x128xf32, #tpu.memory_space<vmem>>
      %get3A_399 = arith.index_cast %scan3A_292 : i32 to index
      %get3A_400 = arith.constant 64 : index
      %get3A_401 = tpu.vector_load %get3A_398[%get3A_399, %get3A_400] {strides = array<i32>} : memref<128x128xf32, #tpu.memory_space<vmem>>, vector<1x16xf32>,
      %get3A_402 = vector.shape_cast %get3A_401 : vector<1x16xf32> to vector<16xf32>
      %get3A_403 = arith.constant 0 : i32
      %get3A_404 = arith.constant 0 : i32
      %get3A_405 = tpu.memref_slice %arg8[%scan3A_199, %scan3A_200, %get3A_403, %get3A_404] : memref<2x3x128x128xf32, #tpu.memory_space<vmem>> -> memref<1x1x128x128xf32, #tpu.memory_space<vmem>>
      %get3A_406 = tpu.memref_squeeze %get3A_405 : memref<1x1x128x128xf32, #tpu.memory_space<vmem>> -> memref<128x128xf32, #tpu.memory_space<vmem>>
      %get3A_407 = arith.index_cast %scan3A_292 : i32 to index
      %get3A_408 = arith.constant 64 : index
      %get3A_409 = tpu.vector_load %get3A_406[%get3A_407, %get3A_408] {strides = array<i32>} : memref<128x128xf32, #tpu.memory_space<vmem>>, vector<1x16xf32>,
      %get3A_410 = vector.shape_cast %get3A_409 : vector<1x16xf32> to vector<16xf32>
      %mul3A_411 = arith.mulf %get3A_402, %get3A_410 : vector<16xf32>
      %swap3A_412 = arith.constant 0 : i32
      %swap3A_413 = arith.constant 0 : i32
      %swap3A_414 = tpu.memref_slice %arg8[%scan3A_197, %scan3A_198, %swap3A_412, %swap3A_413] : memref<2x3x128x128xf32, #tpu.memory_space<vmem>> -> memref<1x1x128x128xf32, #tpu.memory_space<vmem>>
      %swap3A_415 = tpu.memref_squeeze %swap3A_414 : memref<1x1x128x128xf32, #tpu.memory_space<vmem>> -> memref<128x128xf32, #tpu.memory_space<vmem>>
      %swap3A_416 = arith.index_cast %scan3A_292 : i32 to index
      %swap3A_417 = arith.constant 64 : index
      %swap3A_418 = tpu.vector_load %swap3A_415[%swap3A_416, %swap3A_417] {strides = array<i32>} : memref<128x128xf32, #tpu.memory_space<vmem>>, vector<1x16xf32>,
      %swap3A_419 = vector.shape_cast %swap3A_418 : vector<1x16xf32> to vector<16xf32>
      %swap3A_420 = vector.shape_cast %mul3A_411 : vector<16xf32> to vector<1x16xf32>
      tpu.vector_store %swap3A_415[%swap3A_416, %swap3A_417], %swap3A_420 {strides = array<i32>} : memref<128x128xf32, #tpu.memory_space<vmem>>, vector<1x16xf32>,
      %get3A_421 = arith.constant 0 : i32
      %get3A_422 = arith.constant 0 : i32
      %get3A_423 = tpu.memref_slice %arg8[%scan3A_197, %scan3A_198, %get3A_421, %get3A_422] : memref<2x3x128x128xf32, #tpu.memory_space<vmem>> -> memref<1x1x128x128xf32, #tpu.memory_space<vmem>>
      %get3A_424 = tpu.memref_squeeze %get3A_423 : memref<1x1x128x128xf32, #tpu.memory_space<vmem>> -> memref<128x128xf32, #tpu.memory_space<vmem>>
      %get3A_425 = arith.index_cast %scan3A_292 : i32 to index
      %get3A_426 = arith.constant 80 : index
      %get3A_427 = tpu.vector_load %get3A_424[%get3A_425, %get3A_426] {strides = array<i32>} : memref<128x128xf32, #tpu.memory_space<vmem>>, vector<1x16xf32>,
      %get3A_428 = vector.shape_cast %get3A_427 : vector<1x16xf32> to vector<16xf32>
      %get3A_429 = arith.constant 0 : i32
      %get3A_430 = arith.constant 0 : i32
      %get3A_431 = tpu.memref_slice %arg8[%scan3A_199, %scan3A_200, %get3A_429, %get3A_430] : memref<2x3x128x128xf32, #tpu.memory_space<vmem>> -> memref<1x1x128x128xf32, #tpu.memory_space<vmem>>
      %get3A_432 = tpu.memref_squeeze %get3A_431 : memref<1x1x128x128xf32, #tpu.memory_space<vmem>> -> memref<128x128xf32, #tpu.memory_space<vmem>>
      %get3A_433 = arith.index_cast %scan3A_292 : i32 to index
      %get3A_434 = arith.constant 80 : index
      %get3A_435 = tpu.vector_load %get3A_432[%get3A_433, %get3A_434] {strides = array<i32>} : memref<128x128xf32, #tpu.memory_space<vmem>>, vector<1x16xf32>,
      %get3A_436 = vector.shape_cast %get3A_435 : vector<1x16xf32> to vector<16xf32>
      %mul3A_437 = arith.mulf %get3A_428, %get3A_436 : vector<16xf32>
      %swap3A_438 = arith.constant 0 : i32
      %swap3A_439 = arith.constant 0 : i32
      %swap3A_440 = tpu.memref_slice %arg8[%scan3A_197, %scan3A_198, %swap3A_438, %swap3A_439] : memref<2x3x128x128xf32, #tpu.memory_space<vmem>> -> memref<1x1x128x128xf32, #tpu.memory_space<vmem>>
      %swap3A_441 = tpu.memref_squeeze %swap3A_440 : memref<1x1x128x128xf32, #tpu.memory_space<vmem>> -> memref<128x128xf32, #tpu.memory_space<vmem>>
      %swap3A_442 = arith.index_cast %scan3A_292 : i32 to index
      %swap3A_443 = arith.constant 80 : index
      %swap3A_444 = tpu.vector_load %swap3A_441[%swap3A_442, %swap3A_443] {strides = array<i32>} : memref<128x128xf32, #tpu.memory_space<vmem>>, vector<1x16xf32>,
      %swap3A_445 = vector.shape_cast %swap3A_444 : vector<1x16xf32> to vector<16xf32>
      %swap3A_446 = vector.shape_cast %mul3A_437 : vector<16xf32> to vector<1x16xf32>
      tpu.vector_store %swap3A_441[%swap3A_442, %swap3A_443], %swap3A_446 {strides = array<i32>} : memref<128x128xf32, #tpu.memory_space<vmem>>, vector<1x16xf32>,
      %get3A_447 = arith.constant 0 : i32
      %get3A_448 = arith.constant 0 : i32
      %get3A_449 = tpu.memref_slice %arg8[%scan3A_197, %scan3A_198, %get3A_447, %get3A_448] : memref<2x3x128x128xf32, #tpu.memory_space<vmem>> -> memref<1x1x128x128xf32, #tpu.memory_space<vmem>>
      %get3A_450 = tpu.memref_squeeze %get3A_449 : memref<1x1x128x128xf32, #tpu.memory_space<vmem>> -> memref<128x128xf32, #tpu.memory_space<vmem>>
      %get3A_451 = arith.index_cast %scan3A_292 : i32 to index
      %get3A_452 = arith.constant 96 : index
      %get3A_453 = tpu.vector_load %get3A_450[%get3A_451, %get3A_452] {strides = array<i32>} : memref<128x128xf32, #tpu.memory_space<vmem>>, vector<1x16xf32>,
      %get3A_454 = vector.shape_cast %get3A_453 : vector<1x16xf32> to vector<16xf32>
      %get3A_455 = arith.constant 0 : i32
      %get3A_456 = arith.constant 0 : i32
      %get3A_457 = tpu.memref_slice %arg8[%scan3A_199, %scan3A_200, %get3A_455, %get3A_456] : memref<2x3x128x128xf32, #tpu.memory_space<vmem>> -> memref<1x1x128x128xf32, #tpu.memory_space<vmem>>
      %get3A_458 = tpu.memref_squeeze %get3A_457 : memref<1x1x128x128xf32, #tpu.memory_space<vmem>> -> memref<128x128xf32, #tpu.memory_space<vmem>>
      %get3A_459 = arith.index_cast %scan3A_292 : i32 to index
      %get3A_460 = arith.constant 96 : index
      %get3A_461 = tpu.vector_load %get3A_458[%get3A_459, %get3A_460] {strides = array<i32>} : memref<128x128xf32, #tpu.memory_space<vmem>>, vector<1x16xf32>,
      %get3A_462 = vector.shape_cast %get3A_461 : vector<1x16xf32> to vector<16xf32>
      %mul3A_463 = arith.mulf %get3A_454, %get3A_462 : vector<16xf32>
      %swap3A_464 = arith.constant 0 : i32
      %swap3A_465 = arith.constant 0 : i32
      %swap3A_466 = tpu.memref_slice %arg8[%scan3A_197, %scan3A_198, %swap3A_464, %swap3A_465] : memref<2x3x128x128xf32, #tpu.memory_space<vmem>> -> memref<1x1x128x128xf32, #tpu.memory_space<vmem>>
      %swap3A_467 = tpu.memref_squeeze %swap3A_466 : memref<1x1x128x128xf32, #tpu.memory_space<vmem>> -> memref<128x128xf32, #tpu.memory_space<vmem>>
      %swap3A_468 = arith.index_cast %scan3A_292 : i32 to index
      %swap3A_469 = arith.constant 96 : index
      %swap3A_470 = tpu.vector_load %swap3A_467[%swap3A_468, %swap3A_469] {strides = array<i32>} : memref<128x128xf32, #tpu.memory_space<vmem>>, vector<1x16xf32>,
      %swap3A_471 = vector.shape_cast %swap3A_470 : vector<1x16xf32> to vector<16xf32>
      %swap3A_472 = vector.shape_cast %mul3A_463 : vector<16xf32> to vector<1x16xf32>
      tpu.vector_store %swap3A_467[%swap3A_468, %swap3A_469], %swap3A_472 {strides = array<i32>} : memref<128x128xf32, #tpu.memory_space<vmem>>, vector<1x16xf32>,
      %get3A_473 = arith.constant 0 : i32
      %get3A_474 = arith.constant 0 : i32
      %get3A_475 = tpu.memref_slice %arg8[%scan3A_197, %scan3A_198, %get3A_473, %get3A_474] : memref<2x3x128x128xf32, #tpu.memory_space<vmem>> -> memref<1x1x128x128xf32, #tpu.memory_space<vmem>>
      %get3A_476 = tpu.memref_squeeze %get3A_475 : memref<1x1x128x128xf32, #tpu.memory_space<vmem>> -> memref<128x128xf32, #tpu.memory_space<vmem>>
      %get3A_477 = arith.index_cast %scan3A_292 : i32 to index
      %get3A_478 = arith.constant 112 : index
      %get3A_479 = tpu.vector_load %get3A_476[%get3A_477, %get3A_478] {strides = array<i32>} : memref<128x128xf32, #tpu.memory_space<vmem>>, vector<1x16xf32>,
      %get3A_480 = vector.shape_cast %get3A_479 : vector<1x16xf32> to vector<16xf32>
      %get3A_481 = arith.constant 0 : i32
      %get3A_482 = arith.constant 0 : i32
      %get3A_483 = tpu.memref_slice %arg8[%scan3A_199, %scan3A_200, %get3A_481, %get3A_482] : memref<2x3x128x128xf32, #tpu.memory_space<vmem>> -> memref<1x1x128x128xf32, #tpu.memory_space<vmem>>
      %get3A_484 = tpu.memref_squeeze %get3A_483 : memref<1x1x128x128xf32, #tpu.memory_space<vmem>> -> memref<128x128xf32, #tpu.memory_space<vmem>>
      %get3A_485 = arith.index_cast %scan3A_292 : i32 to index
      %get3A_486 = arith.constant 112 : index
      %get3A_487 = tpu.vector_load %get3A_484[%get3A_485, %get3A_486] {strides = array<i32>} : memref<128x128xf32, #tpu.memory_space<vmem>>, vector<1x16xf32>,
      %get3A_488 = vector.shape_cast %get3A_487 : vector<1x16xf32> to vector<16xf32>
      %mul3A_489 = arith.mulf %get3A_480, %get3A_488 : vector<16xf32>
      %swap3A_490 = arith.constant 0 : i32
      %swap3A_491 = arith.constant 0 : i32
      %swap3A_492 = tpu.memref_slice %arg8[%scan3A_197, %scan3A_198, %swap3A_490, %swap3A_491] : memref<2x3x128x128xf32, #tpu.memory_space<vmem>> -> memref<1x1x128x128xf32, #tpu.memory_space<vmem>>
      %swap3A_493 = tpu.memref_squeeze %swap3A_492 : memref<1x1x128x128xf32, #tpu.memory_space<vmem>> -> memref<128x128xf32, #tpu.memory_space<vmem>>
      %swap3A_494 = arith.index_cast %scan3A_292 : i32 to index
      %swap3A_495 = arith.constant 112 : index
      %swap3A_496 = tpu.vector_load %swap3A_493[%swap3A_494, %swap3A_495] {strides = array<i32>} : memref<128x128xf32, #tpu.memory_space<vmem>>, vector<1x16xf32>,
      %swap3A_497 = vector.shape_cast %swap3A_496 : vector<1x16xf32> to vector<16xf32>
      %swap3A_498 = vector.shape_cast %mul3A_489 : vector<16xf32> to vector<1x16xf32>
      tpu.vector_store %swap3A_493[%swap3A_494, %swap3A_495], %swap3A_498 {strides = array<i32>} : memref<128x128xf32, #tpu.memory_space<vmem>>, vector<1x16xf32>,
    }
    %scan3A_205 = arith.constant 128 : i32
    %add3A_206 = arith.constant 128 : i32
    %add3A_207 = arith.addi %mul3A_2, %add3A_206 : i32
    %dma_start3A_208 = arith.constant 1 : i32
    %dma_start3A_209 = arith.constant 0 : i32
    %dma_start3A_210 = arith.constant 0 : i32
    %dma_start3A_211 = arith.constant 0 : i32
    %dma_start3A_212 = tpu.memref_slice %arg8[%dma_start3A_208, %dma_start3A_209, %dma_start3A_210, %dma_start3A_211] : memref<2x3x128x128xf32, #tpu.memory_space<vmem>> -> memref<1x1x128x128xf32, #tpu.memory_space<vmem>>
    %dma_start3A_213 = tpu.memref_squeeze %dma_start3A_212 : memref<1x1x128x128xf32, #tpu.memory_space<vmem>> -> memref<128x128xf32, #tpu.memory_space<vmem>>
    %dma_start3A_214 = arith.constant 0 : i32
    %dma_start3A_215 = tpu.memref_slice %arg5[%add3A_207, %dma_start3A_214] : memref<8192x128xf32, #tpu.memory_space<hbm>> -> memref<128x128xf32, #tpu.memory_space<hbm>>
    %dma_start3A_216 = arith.constant 0 : i32
    %dma_start3A_217 = tpu.memref_slice %arg5[%add3A_207, %dma_start3A_216] : memref<8192x128xf32, #tpu.memory_space<hbm>> -> memref<128x128xf32, #tpu.memory_space<hbm>>
    %dma_start3A_218 = arith.constant 0 : i32
    %dma_start3A_219 = arith.constant 0 : i32
    %dma_start3A_220 = tpu.memref_slice %arg8[%dma_start3A_208, %dma_start3A_209, %dma_start3A_218, %dma_start3A_219] : memref<2x3x128x128xf32, #tpu.memory_space<vmem>> -> memref<1x1x128x128xf32, #tpu.memory_space<vmem>>
    %dma_start3A_221 = tpu.memref_squeeze %dma_start3A_220 : memref<1x1x128x128xf32, #tpu.memory_space<vmem>> -> memref<128x128xf32, #tpu.memory_space<vmem>>
    tpu.enqueue_dma source(%dma_start3A_221 : memref<128x128xf32, #tpu.memory_space<vmem>>) target(%dma_start3A_217 : memref<128x128xf32, #tpu.memory_space<hbm>>) target_semaphore(%arg12 : memref<!tpu.dma_semaphore, #tpu.memory_space<semaphore_mem>>)
    %dma_start3A_222 = arith.constant 1 : i32
    %dma_start3A_223 = arith.constant 1 : i32
    %dma_start3A_224 = arith.constant 0 : i32
    %dma_start3A_225 = arith.constant 0 : i32
    %dma_start3A_226 = tpu.memref_slice %arg8[%dma_start3A_222, %dma_start3A_223, %dma_start3A_224, %dma_start3A_225] : memref<2x3x128x128xf32, #tpu.memory_space<vmem>> -> memref<1x1x128x128xf32, #tpu.memory_space<vmem>>
    %dma_start3A_227 = tpu.memref_squeeze %dma_start3A_226 : memref<1x1x128x128xf32, #tpu.memory_space<vmem>> -> memref<128x128xf32, #tpu.memory_space<vmem>>
    %dma_start3A_228 = arith.constant 0 : i32
    %dma_start3A_229 = tpu.memref_slice %arg6[%add3A_207, %dma_start3A_228] : memref<8192x128xf32, #tpu.memory_space<hbm>> -> memref<128x128xf32, #tpu.memory_space<hbm>>
    %dma_start3A_230 = arith.constant 0 : i32
    %dma_start3A_231 = tpu.memref_slice %arg6[%add3A_207, %dma_start3A_230] : memref<8192x128xf32, #tpu.memory_space<hbm>> -> memref<128x128xf32, #tpu.memory_space<hbm>>
    %dma_start3A_232 = arith.constant 0 : i32
    %dma_start3A_233 = arith.constant 0 : i32
    %dma_start3A_234 = tpu.memref_slice %arg8[%dma_start3A_222, %dma_start3A_223, %dma_start3A_232, %dma_start3A_233] : memref<2x3x128x128xf32, #tpu.memory_space<vmem>> -> memref<1x1x128x128xf32, #tpu.memory_space<vmem>>
    %dma_start3A_235 = tpu.memref_squeeze %dma_start3A_234 : memref<1x1x128x128xf32, #tpu.memory_space<vmem>> -> memref<128x128xf32, #tpu.memory_space<vmem>>
    tpu.enqueue_dma source(%dma_start3A_235 : memref<128x128xf32, #tpu.memory_space<vmem>>) target(%dma_start3A_231 : memref<128x128xf32, #tpu.memory_space<hbm>>) target_semaphore(%arg12 : memref<!tpu.dma_semaphore, #tpu.memory_space<semaphore_mem>>)
    %dma_wait3A_236 = arith.constant 0 : i32
    %dma_wait3A_237 = arith.constant 0 : i32
    %dma_wait3A_238 = arith.constant 0 : i32
    %dma_wait3A_239 = arith.constant 0 : i32
    %dma_wait3A_240 = tpu.memref_slice %arg8[%dma_wait3A_236, %dma_wait3A_237, %dma_wait3A_238, %dma_wait3A_239] : memref<2x3x128x128xf32, #tpu.memory_space<vmem>> -> memref<1x1x128x128xf32, #tpu.memory_space<vmem>>
    %dma_wait3A_241 = tpu.memref_squeeze %dma_wait3A_240 : memref<1x1x128x128xf32, #tpu.memory_space<vmem>> -> memref<128x128xf32, #tpu.memory_space<vmem>>
    %dma_wait3A_242 = arith.constant 0 : i32
    %dma_wait3A_243 = tpu.memref_slice %arg5[%add3A_128, %dma_wait3A_242] : memref<8192x128xf32, #tpu.memory_space<hbm>> -> memref<128x128xf32, #tpu.memory_space<hbm>>
    %dma_wait3A_244 = arith.constant 0 : i32
    %dma_wait3A_245 = tpu.memref_slice %arg5[%add3A_128, %dma_wait3A_244] : memref<8192x128xf32, #tpu.memory_space<hbm>> -> memref<128x128xf32, #tpu.memory_space<hbm>>
    %dma_wait3A_246 = arith.constant 0 : i32
    %dma_wait3A_247 = arith.constant 0 : i32
    %dma_wait3A_248 = tpu.memref_slice %arg8[%dma_wait3A_236, %dma_wait3A_237, %dma_wait3A_246, %dma_wait3A_247] : memref<2x3x128x128xf32, #tpu.memory_space<vmem>> -> memref<1x1x128x128xf32, #tpu.memory_space<vmem>>
    %dma_wait3A_249 = tpu.memref_squeeze %dma_wait3A_248 : memref<1x1x128x128xf32, #tpu.memory_space<vmem>> -> memref<128x128xf32, #tpu.memory_space<vmem>>
    tpu.wait_dma2 semaphore(%arg11 : memref<!tpu.dma_semaphore, #tpu.memory_space<semaphore_mem>>) src(%dma_wait3A_249 : memref<128x128xf32, #tpu.memory_space<vmem>>) dst(%dma_wait3A_245 : memref<128x128xf32, #tpu.memory_space<hbm>>)
    %dma_wait3A_250 = arith.constant 0 : i32
    %dma_wait3A_251 = arith.constant 1 : i32
    %dma_wait3A_252 = arith.constant 0 : i32
    %dma_wait3A_253 = arith.constant 0 : i32
    %dma_wait3A_254 = tpu.memref_slice %arg8[%dma_wait3A_250, %dma_wait3A_251, %dma_wait3A_252, %dma_wait3A_253] : memref<2x3x128x128xf32, #tpu.memory_space<vmem>> -> memref<1x1x128x128xf32, #tpu.memory_space<vmem>>
    %dma_wait3A_255 = tpu.memref_squeeze %dma_wait3A_254 : memref<1x1x128x128xf32, #tpu.memory_space<vmem>> -> memref<128x128xf32, #tpu.memory_space<vmem>>
    %dma_wait3A_256 = arith.constant 0 : i32
    %dma_wait3A_257 = tpu.memref_slice %arg6[%add3A_128, %dma_wait3A_256] : memref<8192x128xf32, #tpu.memory_space<hbm>> -> memref<128x128xf32, #tpu.memory_space<hbm>>
    %dma_wait3A_258 = arith.constant 0 : i32
    %dma_wait3A_259 = tpu.memref_slice %arg6[%add3A_128, %dma_wait3A_258] : memref<8192x128xf32, #tpu.memory_space<hbm>> -> memref<128x128xf32, #tpu.memory_space<hbm>>
    %dma_wait3A_260 = arith.constant 0 : i32
    %dma_wait3A_261 = arith.constant 0 : i32
    %dma_wait3A_262 = tpu.memref_slice %arg8[%dma_wait3A_250, %dma_wait3A_251, %dma_wait3A_260, %dma_wait3A_261] : memref<2x3x128x128xf32, #tpu.memory_space<vmem>> -> memref<1x1x128x128xf32, #tpu.memory_space<vmem>>
    %dma_wait3A_263 = tpu.memref_squeeze %dma_wait3A_262 : memref<1x1x128x128xf32, #tpu.memory_space<vmem>> -> memref<128x128xf32, #tpu.memory_space<vmem>>
    tpu.wait_dma2 semaphore(%arg11 : memref<!tpu.dma_semaphore, #tpu.memory_space<semaphore_mem>>) src(%dma_wait3A_263 : memref<128x128xf32, #tpu.memory_space<vmem>>) dst(%dma_wait3A_259 : memref<128x128xf32, #tpu.memory_space<hbm>>)
    %dma_wait3A_264 = arith.constant 1 : i32
    %dma_wait3A_265 = arith.constant 0 : i32
    %dma_wait3A_266 = arith.constant 0 : i32
    %dma_wait3A_267 = arith.constant 0 : i32
    %dma_wait3A_268 = tpu.memref_slice %arg8[%dma_wait3A_264, %dma_wait3A_265, %dma_wait3A_266, %dma_wait3A_267] : memref<2x3x128x128xf32, #tpu.memory_space<vmem>> -> memref<1x1x128x128xf32, #tpu.memory_space<vmem>>
    %dma_wait3A_269 = tpu.memref_squeeze %dma_wait3A_268 : memref<1x1x128x128xf32, #tpu.memory_space<vmem>> -> memref<128x128xf32, #tpu.memory_space<vmem>>
    %dma_wait3A_270 = arith.constant 0 : i32
    %dma_wait3A_271 = tpu.memref_slice %arg5[%add3A_207, %dma_wait3A_270] : memref<8192x128xf32, #tpu.memory_space<hbm>> -> memref<128x128xf32, #tpu.memory_space<hbm>>
    %dma_wait3A_272 = arith.constant 0 : i32
    %dma_wait3A_273 = tpu.memref_slice %arg5[%add3A_207, %dma_wait3A_272] : memref<8192x128xf32, #tpu.memory_space<hbm>> -> memref<128x128xf32, #tpu.memory_space<hbm>>
    %dma_wait3A_274 = arith.constant 0 : i32
    %dma_wait3A_275 = arith.constant 0 : i32
    %dma_wait3A_276 = tpu.memref_slice %arg8[%dma_wait3A_264, %dma_wait3A_265, %dma_wait3A_274, %dma_wait3A_275] : memref<2x3x128x128xf32, #tpu.memory_space<vmem>> -> memref<1x1x128x128xf32, #tpu.memory_space<vmem>>
    %dma_wait3A_277 = tpu.memref_squeeze %dma_wait3A_276 : memref<1x1x128x128xf32, #tpu.memory_space<vmem>> -> memref<128x128xf32, #tpu.memory_space<vmem>>
    tpu.wait_dma2 semaphore(%arg12 : memref<!tpu.dma_semaphore, #tpu.memory_space<semaphore_mem>>) src(%dma_wait3A_277 : memref<128x128xf32, #tpu.memory_space<vmem>>) dst(%dma_wait3A_273 : memref<128x128xf32, #tpu.memory_space<hbm>>)
    %dma_wait3A_278 = arith.constant 1 : i32
    %dma_wait3A_279 = arith.constant 1 : i32
    %dma_wait3A_280 = arith.constant 0 : i32
    %dma_wait3A_281 = arith.constant 0 : i32
    %dma_wait3A_282 = tpu.memref_slice %arg8[%dma_wait3A_278, %dma_wait3A_279, %dma_wait3A_280, %dma_wait3A_281] : memref<2x3x128x128xf32, #tpu.memory_space<vmem>> -> memref<1x1x128x128xf32, #tpu.memory_space<vmem>>
    %dma_wait3A_283 = tpu.memref_squeeze %dma_wait3A_282 : memref<1x1x128x128xf32, #tpu.memory_space<vmem>> -> memref<128x128xf32, #tpu.memory_space<vmem>>
    %dma_wait3A_284 = arith.constant 0 : i32
    %dma_wait3A_285 = tpu.memref_slice %arg6[%add3A_207, %dma_wait3A_284] : memref<8192x128xf32, #tpu.memory_space<hbm>> -> memref<128x128xf32, #tpu.memory_space<hbm>>
    %dma_wait3A_286 = arith.constant 0 : i32
    %dma_wait3A_287 = tpu.memref_slice %arg6[%add3A_207, %dma_wait3A_286] : memref<8192x128xf32, #tpu.memory_space<hbm>> -> memref<128x128xf32, #tpu.memory_space<hbm>>
    %dma_wait3A_288 = arith.constant 0 : i32
    %dma_wait3A_289 = arith.constant 0 : i32
    %dma_wait3A_290 = tpu.memref_slice %arg8[%dma_wait3A_278, %dma_wait3A_279, %dma_wait3A_288, %dma_wait3A_289] : memref<2x3x128x128xf32, #tpu.memory_space<vmem>> -> memref<1x1x128x128xf32, #tpu.memory_space<vmem>>
    %dma_wait3A_291 = tpu.memref_squeeze %dma_wait3A_290 : memref<1x1x128x128xf32, #tpu.memory_space<vmem>> -> memref<128x128xf32, #tpu.memory_space<vmem>>
    tpu.wait_dma2 semaphore(%arg12 : memref<!tpu.dma_semaphore, #tpu.memory_space<semaphore_mem>>) src(%dma_wait3A_291 : memref<128x128xf32, #tpu.memory_space<vmem>>) dst(%dma_wait3A_287 : memref<128x128xf32, #tpu.memory_space<hbm>>)
    return
  }
}

#map = affine_map<(d0, d1) -> (0, 0)>
#map1 = affine_map<(d0, d1) -> (0, 0, 0)>
module attributes {stable_mosaic.version = 14 : i64} {
  func.func @gather_kernel(%arg0: i32, %arg1: i32, %arg2: memref<100000x128xf32, #tpu.memory_space<hbm>>, %arg3: memref<100000x128xf32, #tpu.memory_space<hbm>>, %arg4: memref<32x6x128xi32, #tpu.memory_space<hbm>>, %arg5: memref<8192x128xf32, #tpu.memory_space<hbm>>, %arg6: memref<8192x128xf32, #tpu.memory_space<hbm>>, %arg7: memref<6x128xi32, #tpu.memory_space<vmem>>, %arg8: memref<2x3x128x128xf32, #tpu.memory_space<vmem>>, %arg9: memref<!tpu.dma_semaphore, #tpu.memory_space<semaphore_mem>>, %arg10: memref<!tpu.dma_semaphore, #tpu.memory_space<semaphore_mem>>, %arg11: memref<!tpu.dma_semaphore, #tpu.memory_space<semaphore_mem>>, %arg12: memref<!tpu.dma_semaphore, #tpu.memory_space<semaphore_mem>>) attributes {dimension_semantics = [#tpu.dimension_semantics<core_parallel>, #tpu.dimension_semantics<subcore_parallel>], iteration_bounds = array<i64: 2, 16>, scalar_prefetch = 0 : i64, scratch_operands = 6 : i64, tpu.core_type = #tpu.core_type<sc_vector_subcore>, window_params = [{transform_indices = #map}, {transform_indices = #map}, {transform_indices = #map1}, {transform_indices = #map}, {transform_indices = #map}]} {
    %mul3A = arith.constant 2 : i32
    %mul3A_0 = arith.muli %arg1, %mul3A : i32
    %add3A = arith.addi %mul3A_0, %arg0 : i32
    %mul3A_1 = arith.constant 256 : i32
    %mul3A_2 = arith.muli %add3A, %mul3A_1 : i32
    "tpu.region"() ({
      %run_scoped3A = tpu.sem_alloc : memref<!tpu.dma_semaphore, #tpu.memory_space<semaphore_mem>>
      %dma_start3A_292 = arith.constant 0 : i32
      %dma_start3A_293 = arith.constant 0 : i32
      %dma_start3A_294 = tpu.memref_slice %arg4[%add3A, %dma_start3A_292, %dma_start3A_293] : memref<32x6x128xi32, #tpu.memory_space<hbm>> -> memref<1x6x128xi32, #tpu.memory_space<hbm>>
      %dma_start3A_295 = tpu.memref_squeeze %dma_start3A_294 : memref<1x6x128xi32, #tpu.memory_space<hbm>> -> memref<6x128xi32, #tpu.memory_space<hbm>>
      %dma_start3A_296 = arith.constant 0 : i32
      %dma_start3A_297 = arith.constant 0 : i32
      %dma_start3A_298 = tpu.memref_slice %arg4[%add3A, %dma_start3A_296, %dma_start3A_297] : memref<32x6x128xi32, #tpu.memory_space<hbm>> -> memref<1x6x128xi32, #tpu.memory_space<hbm>>
      %dma_start3A_299 = tpu.memref_squeeze %dma_start3A_298 : memref<1x6x128xi32, #tpu.memory_space<hbm>> -> memref<6x128xi32, #tpu.memory_space<hbm>>
      tpu.enqueue_dma source(%dma_start3A_299 : memref<6x128xi32, #tpu.memory_space<hbm>>) target(%arg7 : memref<6x128xi32, #tpu.memory_space<vmem>>) target_semaphore(%run_scoped3A : memref<!tpu.dma_semaphore, #tpu.memory_space<semaphore_mem>>)
      %dma_wait3A_300 = arith.constant 0 : i32
      %dma_wait3A_301 = arith.constant 0 : i32
      %dma_wait3A_302 = tpu.memref_slice %arg4[%add3A, %dma_wait3A_300, %dma_wait3A_301] : memref<32x6x128xi32, #tpu.memory_space<hbm>> -> memref<1x6x128xi32, #tpu.memory_space<hbm>>
      %dma_wait3A_303 = tpu.memref_squeeze %dma_wait3A_302 : memref<1x6x128xi32, #tpu.memory_space<hbm>> -> memref<6x128xi32, #tpu.memory_space<hbm>>
      %dma_wait3A_304 = arith.constant 0 : i32
      %dma_wait3A_305 = arith.constant 0 : i32
      %dma_wait3A_306 = tpu.memref_slice %arg4[%add3A, %dma_wait3A_304, %dma_wait3A_305] : memref<32x6x128xi32, #tpu.memory_space<hbm>> -> memref<1x6x128xi32, #tpu.memory_space<hbm>>
      %dma_wait3A_307 = tpu.memref_squeeze %dma_wait3A_306 : memref<1x6x128xi32, #tpu.memory_space<hbm>> -> memref<6x128xi32, #tpu.memory_space<hbm>>
      tpu.wait_dma2 semaphore(%run_scoped3A : memref<!tpu.dma_semaphore, #tpu.memory_space<semaphore_mem>>) src(%dma_wait3A_307 : memref<6x128xi32, #tpu.memory_space<hbm>>) dst(%arg7 : memref<6x128xi32, #tpu.memory_space<vmem>>)
      tpu.yield
    }) : () -> ()
    %dma_start3A = arith.constant 0 : i32
    %dma_start3A_3 = arith.constant 0 : i32
    %dma_start3A_4 = arith.constant 0 : i32
    %dma_start3A_5 = arith.constant 0 : i32
    %dma_start3A_6 = arith.constant 0 : i32
    %dma_start3A_7 = tpu.memref_slice %arg8[%dma_start3A_3, %dma_start3A_4, %dma_start3A_5, %dma_start3A_6] : memref<2x3x128x128xf32, #tpu.memory_space<vmem>> -> memref<1x1x128x128xf32, #tpu.memory_space<vmem>>
    %dma_start3A_8 = tpu.memref_squeeze %dma_start3A_7 : memref<1x1x128x128xf32, #tpu.memory_space<vmem>> -> memref<128x128xf32, #tpu.memory_space<vmem>>
    %dma_start3A_9 = arith.constant 0 : i32
    %dma_start3A_10 = tpu.memref_slice %arg7[%dma_start3A, %dma_start3A_9] : memref<6x128xi32, #tpu.memory_space<vmem>> -> memref<1x128xi32, #tpu.memory_space<vmem>>
    %dma_start3A_11 = tpu.memref_squeeze %dma_start3A_10 : memref<1x128xi32, #tpu.memory_space<vmem>> -> memref<128xi32, #tpu.memory_space<vmem>>
    %dma_start3A_12 = arith.constant 0 : i32
    %dma_start3A_13 = arith.constant 0 : i32
    %dma_start3A_14 = tpu.memref_slice %arg2[%dma_start3A_12, %dma_start3A_13] : memref<100000x128xf32, #tpu.memory_space<hbm>> -> memref<100000x128xf32, #tpu.memory_space<hbm>>
    tpu.enqueue_indirect_dma source(%dma_start3A_14 : memref<100000x128xf32, #tpu.memory_space<hbm>>) target(%dma_start3A_8 : memref<128x128xf32, #tpu.memory_space<vmem>>) offsets(%dma_start3A_11 : memref<128xi32, #tpu.memory_space<vmem>>) semaphore(%arg9 : memref<!tpu.dma_semaphore, #tpu.memory_space<semaphore_mem>>)
    %dma_start3A_15 = arith.constant 1 : i32
    %dma_start3A_16 = arith.constant 0 : i32
    %dma_start3A_17 = arith.constant 1 : i32
    %dma_start3A_18 = arith.constant 0 : i32
    %dma_start3A_19 = arith.constant 0 : i32
    %dma_start3A_20 = tpu.memref_slice %arg8[%dma_start3A_16, %dma_start3A_17, %dma_start3A_18, %dma_start3A_19] : memref<2x3x128x128xf32, #tpu.memory_space<vmem>> -> memref<1x1x128x128xf32, #tpu.memory_space<vmem>>
    %dma_start3A_21 = tpu.memref_squeeze %dma_start3A_20 : memref<1x1x128x128xf32, #tpu.memory_space<vmem>> -> memref<128x128xf32, #tpu.memory_space<vmem>>
    %dma_start3A_22 = arith.constant 0 : i32
    %dma_start3A_23 = tpu.memref_slice %arg7[%dma_start3A_15, %dma_start3A_22] : memref<6x128xi32, #tpu.memory_space<vmem>> -> memref<1x128xi32, #tpu.memory_space<vmem>>
    %dma_start3A_24 = tpu.memref_squeeze %dma_start3A_23 : memref<1x128xi32, #tpu.memory_space<vmem>> -> memref<128xi32, #tpu.memory_space<vmem>>
    %dma_start3A_25 = arith.constant 0 : i32
    %dma_start3A_26 = arith.constant 0 : i32
    %dma_start3A_27 = tpu.memref_slice %arg3[%dma_start3A_25, %dma_start3A_26] : memref<100000x128xf32, #tpu.memory_space<hbm>> -> memref<100000x128xf32, #tpu.memory_space<hbm>>
    tpu.enqueue_indirect_dma source(%dma_start3A_27 : memref<100000x128xf32, #tpu.memory_space<hbm>>) target(%dma_start3A_21 : memref<128x128xf32, #tpu.memory_space<vmem>>) offsets(%dma_start3A_24 : memref<128xi32, #tpu.memory_space<vmem>>) semaphore(%arg9 : memref<!tpu.dma_semaphore, #tpu.memory_space<semaphore_mem>>)
    %dma_start3A_28 = arith.constant 2 : i32
    %dma_start3A_29 = arith.constant 0 : i32
    %dma_start3A_30 = arith.constant 2 : i32
    %dma_start3A_31 = arith.constant 0 : i32
    %dma_start3A_32 = arith.constant 0 : i32
    %dma_start3A_33 = tpu.memref_slice %arg8[%dma_start3A_29, %dma_start3A_30, %dma_start3A_31, %dma_start3A_32] : memref<2x3x128x128xf32, #tpu.memory_space<vmem>> -> memref<1x1x128x128xf32, #tpu.memory_space<vmem>>
    %dma_start3A_34 = tpu.memref_squeeze %dma_start3A_33 : memref<1x1x128x128xf32, #tpu.memory_space<vmem>> -> memref<128x128xf32, #tpu.memory_space<vmem>>
    %dma_start3A_35 = arith.constant 0 : i32
    %dma_start3A_36 = tpu.memref_slice %arg7[%dma_start3A_28, %dma_start3A_35] : memref<6x128xi32, #tpu.memory_space<vmem>> -> memref<1x128xi32, #tpu.memory_space<vmem>>
    %dma_start3A_37 = tpu.memref_squeeze %dma_start3A_36 : memref<1x128xi32, #tpu.memory_space<vmem>> -> memref<128xi32, #tpu.memory_space<vmem>>
    %dma_start3A_38 = arith.constant 0 : i32
    %dma_start3A_39 = arith.constant 0 : i32
    %dma_start3A_40 = tpu.memref_slice %arg2[%dma_start3A_38, %dma_start3A_39] : memref<100000x128xf32, #tpu.memory_space<hbm>> -> memref<100000x128xf32, #tpu.memory_space<hbm>>
    tpu.enqueue_indirect_dma source(%dma_start3A_40 : memref<100000x128xf32, #tpu.memory_space<hbm>>) target(%dma_start3A_34 : memref<128x128xf32, #tpu.memory_space<vmem>>) offsets(%dma_start3A_37 : memref<128xi32, #tpu.memory_space<vmem>>) semaphore(%arg9 : memref<!tpu.dma_semaphore, #tpu.memory_space<semaphore_mem>>)
    %dma_start3A_41 = arith.constant 3 : i32
    %dma_start3A_42 = arith.constant 1 : i32
    %dma_start3A_43 = arith.constant 0 : i32
    %dma_start3A_44 = arith.constant 0 : i32
    %dma_start3A_45 = arith.constant 0 : i32
    %dma_start3A_46 = tpu.memref_slice %arg8[%dma_start3A_42, %dma_start3A_43, %dma_start3A_44, %dma_start3A_45] : memref<2x3x128x128xf32, #tpu.memory_space<vmem>> -> memref<1x1x128x128xf32, #tpu.memory_space<vmem>>
    %dma_start3A_47 = tpu.memref_squeeze %dma_start3A_46 : memref<1x1x128x128xf32, #tpu.memory_space<vmem>> -> memref<128x128xf32, #tpu.memory_space<vmem>>
    %dma_start3A_48 = arith.constant 0 : i32
    %dma_start3A_49 = tpu.memref_slice %arg7[%dma_start3A_41, %dma_start3A_48] : memref<6x128xi32, #tpu.memory_space<vmem>> -> memref<1x128xi32, #tpu.memory_space<vmem>>
    %dma_start3A_50 = tpu.memref_squeeze %dma_start3A_49 : memref<1x128xi32, #tpu.memory_space<vmem>> -> memref<128xi32, #tpu.memory_space<vmem>>
    %dma_start3A_51 = arith.constant 0 : i32
    %dma_start3A_52 = arith.constant 0 : i32
    %dma_start3A_53 = tpu.memref_slice %arg2[%dma_start3A_51, %dma_start3A_52] : memref<100000x128xf32, #tpu.memory_space<hbm>> -> memref<100000x128xf32, #tpu.memory_space<hbm>>
    tpu.enqueue_indirect_dma source(%dma_start3A_53 : memref<100000x128xf32, #tpu.memory_space<hbm>>) target(%dma_start3A_47 : memref<128x128xf32, #tpu.memory_space<vmem>>) offsets(%dma_start3A_50 : memref<128xi32, #tpu.memory_space<vmem>>) semaphore(%arg10 : memref<!tpu.dma_semaphore, #tpu.memory_space<semaphore_mem>>)
    %dma_start3A_54 = arith.constant 4 : i32
    %dma_start3A_55 = arith.constant 1 : i32
    %dma_start3A_56 = arith.constant 1 : i32
    %dma_start3A_57 = arith.constant 0 : i32
    %dma_start3A_58 = arith.constant 0 : i32
    %dma_start3A_59 = tpu.memref_slice %arg8[%dma_start3A_55, %dma_start3A_56, %dma_start3A_57, %dma_start3A_58] : memref<2x3x128x128xf32, #tpu.memory_space<vmem>> -> memref<1x1x128x128xf32, #tpu.memory_space<vmem>>
    %dma_start3A_60 = tpu.memref_squeeze %dma_start3A_59 : memref<1x1x128x128xf32, #tpu.memory_space<vmem>> -> memref<128x128xf32, #tpu.memory_space<vmem>>
    %dma_start3A_61 = arith.constant 0 : i32
    %dma_start3A_62 = tpu.memref_slice %arg7[%dma_start3A_54, %dma_start3A_61] : memref<6x128xi32, #tpu.memory_space<vmem>> -> memref<1x128xi32, #tpu.memory_space<vmem>>
    %dma_start3A_63 = tpu.memref_squeeze %dma_start3A_62 : memref<1x128xi32, #tpu.memory_space<vmem>> -> memref<128xi32, #tpu.memory_space<vmem>>
    %dma_start3A_64 = arith.constant 0 : i32
    %dma_start3A_65 = arith.constant 0 : i32
    %dma_start3A_66 = tpu.memref_slice %arg3[%dma_start3A_64, %dma_start3A_65] : memref<100000x128xf32, #tpu.memory_space<hbm>> -> memref<100000x128xf32, #tpu.memory_space<hbm>>
    tpu.enqueue_indirect_dma source(%dma_start3A_66 : memref<100000x128xf32, #tpu.memory_space<hbm>>) target(%dma_start3A_60 : memref<128x128xf32, #tpu.memory_space<vmem>>) offsets(%dma_start3A_63 : memref<128xi32, #tpu.memory_space<vmem>>) semaphore(%arg10 : memref<!tpu.dma_semaphore, #tpu.memory_space<semaphore_mem>>)
    %dma_start3A_67 = arith.constant 5 : i32
    %dma_start3A_68 = arith.constant 1 : i32
    %dma_start3A_69 = arith.constant 2 : i32
    %dma_start3A_70 = arith.constant 0 : i32
    %dma_start3A_71 = arith.constant 0 : i32
    %dma_start3A_72 = tpu.memref_slice %arg8[%dma_start3A_68, %dma_start3A_69, %dma_start3A_70, %dma_start3A_71] : memref<2x3x128x128xf32, #tpu.memory_space<vmem>> -> memref<1x1x128x128xf32, #tpu.memory_space<vmem>>
    %dma_start3A_73 = tpu.memref_squeeze %dma_start3A_72 : memref<1x1x128x128xf32, #tpu.memory_space<vmem>> -> memref<128x128xf32, #tpu.memory_space<vmem>>
    %dma_start3A_74 = arith.constant 0 : i32
    %dma_start3A_75 = tpu.memref_slice %arg7[%dma_start3A_67, %dma_start3A_74] : memref<6x128xi32, #tpu.memory_space<vmem>> -> memref<1x128xi32, #tpu.memory_space<vmem>>
    %dma_start3A_76 = tpu.memref_squeeze %dma_start3A_75 : memref<1x128xi32, #tpu.memory_space<vmem>> -> memref<128xi32, #tpu.memory_space<vmem>>
    %dma_start3A_77 = arith.constant 0 : i32
    %dma_start3A_78 = arith.constant 0 : i32
    %dma_start3A_79 = tpu.memref_slice %arg2[%dma_start3A_77, %dma_start3A_78] : memref<100000x128xf32, #tpu.memory_space<hbm>> -> memref<100000x128xf32, #tpu.memory_space<hbm>>
    tpu.enqueue_indirect_dma source(%dma_start3A_79 : memref<100000x128xf32, #tpu.memory_space<hbm>>) target(%dma_start3A_73 : memref<128x128xf32, #tpu.memory_space<vmem>>) offsets(%dma_start3A_76 : memref<128xi32, #tpu.memory_space<vmem>>) semaphore(%arg10 : memref<!tpu.dma_semaphore, #tpu.memory_space<semaphore_mem>>)
    %dma_wait3A = arith.constant 0 : i32
    %dma_wait3A_80 = arith.constant 0 : i32
    %dma_wait3A_81 = arith.constant 0 : i32
    %dma_wait3A_82 = arith.constant 0 : i32
    %dma_wait3A_83 = arith.constant 0 : i32
    %dma_wait3A_84 = tpu.memref_slice %arg8[%dma_wait3A_80, %dma_wait3A_81, %dma_wait3A_82, %dma_wait3A_83] : memref<2x3x128x128xf32, #tpu.memory_space<vmem>> -> memref<1x1x128x128xf32, #tpu.memory_space<vmem>>
    %dma_wait3A_85 = tpu.memref_squeeze %dma_wait3A_84 : memref<1x1x128x128xf32, #tpu.memory_space<vmem>> -> memref<128x128xf32, #tpu.memory_space<vmem>>
    %dma_wait3A_86 = arith.constant 0 : i32
    %dma_wait3A_87 = tpu.memref_slice %arg7[%dma_wait3A, %dma_wait3A_86] : memref<6x128xi32, #tpu.memory_space<vmem>> -> memref<1x128xi32, #tpu.memory_space<vmem>>
    %dma_wait3A_88 = tpu.memref_squeeze %dma_wait3A_87 : memref<1x128xi32, #tpu.memory_space<vmem>> -> memref<128xi32, #tpu.memory_space<vmem>>
    %dma_wait3A_89 = arith.constant 0 : i32
    %dma_wait3A_90 = arith.constant 0 : i32
    %dma_wait3A_91 = tpu.memref_slice %arg2[%dma_wait3A_89, %dma_wait3A_90] : memref<100000x128xf32, #tpu.memory_space<hbm>> -> memref<100000x128xf32, #tpu.memory_space<hbm>>
    tpu.wait_indirect_dma semaphore(%arg9 : memref<!tpu.dma_semaphore, #tpu.memory_space<semaphore_mem>>) src(%dma_wait3A_91 : memref<100000x128xf32, #tpu.memory_space<hbm>>) dst(%dma_wait3A_85 : memref<128x128xf32, #tpu.memory_space<vmem>>)
    %dma_wait3A_92 = arith.constant 1 : i32
    %dma_wait3A_93 = arith.constant 0 : i32
    %dma_wait3A_94 = arith.constant 1 : i32
    %dma_wait3A_95 = arith.constant 0 : i32
    %dma_wait3A_96 = arith.constant 0 : i32
    %dma_wait3A_97 = tpu.memref_slice %arg8[%dma_wait3A_93, %dma_wait3A_94, %dma_wait3A_95, %dma_wait3A_96] : memref<2x3x128x128xf32, #tpu.memory_space<vmem>> -> memref<1x1x128x128xf32, #tpu.memory_space<vmem>>
    %dma_wait3A_98 = tpu.memref_squeeze %dma_wait3A_97 : memref<1x1x128x128xf32, #tpu.memory_space<vmem>> -> memref<128x128xf32, #tpu.memory_space<vmem>>
    %dma_wait3A_99 = arith.constant 0 : i32
    %dma_wait3A_100 = tpu.memref_slice %arg7[%dma_wait3A_92, %dma_wait3A_99] : memref<6x128xi32, #tpu.memory_space<vmem>> -> memref<1x128xi32, #tpu.memory_space<vmem>>
    %dma_wait3A_101 = tpu.memref_squeeze %dma_wait3A_100 : memref<1x128xi32, #tpu.memory_space<vmem>> -> memref<128xi32, #tpu.memory_space<vmem>>
    %dma_wait3A_102 = arith.constant 0 : i32
    %dma_wait3A_103 = arith.constant 0 : i32
    %dma_wait3A_104 = tpu.memref_slice %arg3[%dma_wait3A_102, %dma_wait3A_103] : memref<100000x128xf32, #tpu.memory_space<hbm>> -> memref<100000x128xf32, #tpu.memory_space<hbm>>
    tpu.wait_indirect_dma semaphore(%arg9 : memref<!tpu.dma_semaphore, #tpu.memory_space<semaphore_mem>>) src(%dma_wait3A_104 : memref<100000x128xf32, #tpu.memory_space<hbm>>) dst(%dma_wait3A_98 : memref<128x128xf32, #tpu.memory_space<vmem>>)
    %dma_wait3A_105 = arith.constant 2 : i32
    %dma_wait3A_106 = arith.constant 0 : i32
    %dma_wait3A_107 = arith.constant 2 : i32
    %dma_wait3A_108 = arith.constant 0 : i32
    %dma_wait3A_109 = arith.constant 0 : i32
    %dma_wait3A_110 = tpu.memref_slice %arg8[%dma_wait3A_106, %dma_wait3A_107, %dma_wait3A_108, %dma_wait3A_109] : memref<2x3x128x128xf32, #tpu.memory_space<vmem>> -> memref<1x1x128x128xf32, #tpu.memory_space<vmem>>
    %dma_wait3A_111 = tpu.memref_squeeze %dma_wait3A_110 : memref<1x1x128x128xf32, #tpu.memory_space<vmem>> -> memref<128x128xf32, #tpu.memory_space<vmem>>
    %dma_wait3A_112 = arith.constant 0 : i32
    %dma_wait3A_113 = tpu.memref_slice %arg7[%dma_wait3A_105, %dma_wait3A_112] : memref<6x128xi32, #tpu.memory_space<vmem>> -> memref<1x128xi32, #tpu.memory_space<vmem>>
    %dma_wait3A_114 = tpu.memref_squeeze %dma_wait3A_113 : memref<1x128xi32, #tpu.memory_space<vmem>> -> memref<128xi32, #tpu.memory_space<vmem>>
    %dma_wait3A_115 = arith.constant 0 : i32
    %dma_wait3A_116 = arith.constant 0 : i32
    %dma_wait3A_117 = tpu.memref_slice %arg2[%dma_wait3A_115, %dma_wait3A_116] : memref<100000x128xf32, #tpu.memory_space<hbm>> -> memref<100000x128xf32, #tpu.memory_space<hbm>>
    tpu.wait_indirect_dma semaphore(%arg9 : memref<!tpu.dma_semaphore, #tpu.memory_space<semaphore_mem>>) src(%dma_wait3A_117 : memref<100000x128xf32, #tpu.memory_space<hbm>>) dst(%dma_wait3A_111 : memref<128x128xf32, #tpu.memory_space<vmem>>)
    %scan3A = arith.constant 0 : i32
    %scan3A_118 = arith.constant 0 : i32
    %scan3A_119 = arith.constant 1 : i32
    %scan3A_120 = arith.constant 0 : i32
    %scan3A_121 = arith.constant 2 : i32
    %scan3A_122 = arith.constant 0 : i32
    %scan3A_123 = arith.constant 128 : i32
    %scan3A_124 = arith.addi %scan3A_122, %scan3A_123 : i32
    %scan3A_125 = arith.constant 1 : i32
    scf.for %scan3A_292 = %scan3A_122 to %scan3A_124 step %scan3A_125  : i32 {
      %get3A = arith.constant 0 : i32
      %get3A_293 = arith.constant 0 : i32
      %get3A_294 = tpu.memref_slice %arg8[%scan3A_118, %scan3A_119, %get3A, %get3A_293] : memref<2x3x128x128xf32, #tpu.memory_space<vmem>> -> memref<1x1x128x128xf32, #tpu.memory_space<vmem>>
      %get3A_295 = tpu.memref_squeeze %get3A_294 : memref<1x1x128x128xf32, #tpu.memory_space<vmem>> -> memref<128x128xf32, #tpu.memory_space<vmem>>
      %get3A_296 = arith.index_cast %scan3A_292 : i32 to index
      %get3A_297 = arith.constant 0 : index
      %get3A_298 = tpu.vector_load %get3A_295[%get3A_296, %get3A_297] {strides = array<i32>} : memref<128x128xf32, #tpu.memory_space<vmem>>, vector<1x16xf32>,
      %get3A_299 = vector.shape_cast %get3A_298 : vector<1x16xf32> to vector<16xf32>
      %get3A_300 = arith.constant 0 : i32
      %get3A_301 = arith.constant 0 : i32
      %get3A_302 = tpu.memref_slice %arg8[%scan3A_120, %scan3A_121, %get3A_300, %get3A_301] : memref<2x3x128x128xf32, #tpu.memory_space<vmem>> -> memref<1x1x128x128xf32, #tpu.memory_space<vmem>>
      %get3A_303 = tpu.memref_squeeze %get3A_302 : memref<1x1x128x128xf32, #tpu.memory_space<vmem>> -> memref<128x128xf32, #tpu.memory_space<vmem>>
      %get3A_304 = arith.index_cast %scan3A_292 : i32 to index
      %get3A_305 = arith.constant 0 : index
      %get3A_306 = tpu.vector_load %get3A_303[%get3A_304, %get3A_305] {strides = array<i32>} : memref<128x128xf32, #tpu.memory_space<vmem>>, vector<1x16xf32>,
      %get3A_307 = vector.shape_cast %get3A_306 : vector<1x16xf32> to vector<16xf32>
      %mul3A_308 = arith.mulf %get3A_299, %get3A_307 : vector<16xf32>
      %swap3A = arith.constant 0 : i32
      %swap3A_309 = arith.constant 0 : i32
      %swap3A_310 = tpu.memref_slice %arg8[%scan3A_118, %scan3A_119, %swap3A, %swap3A_309] : memref<2x3x128x128xf32, #tpu.memory_space<vmem>> -> memref<1x1x128x128xf32, #tpu.memory_space<vmem>>
      %swap3A_311 = tpu.memref_squeeze %swap3A_310 : memref<1x1x128x128xf32, #tpu.memory_space<vmem>> -> memref<128x128xf32, #tpu.memory_space<vmem>>
      %swap3A_312 = arith.index_cast %scan3A_292 : i32 to index
      %swap3A_313 = arith.constant 0 : index
      %swap3A_314 = tpu.vector_load %swap3A_311[%swap3A_312, %swap3A_313] {strides = array<i32>} : memref<128x128xf32, #tpu.memory_space<vmem>>, vector<1x16xf32>,
      %swap3A_315 = vector.shape_cast %swap3A_314 : vector<1x16xf32> to vector<16xf32>
      %swap3A_316 = vector.shape_cast %mul3A_308 : vector<16xf32> to vector<1x16xf32>
      tpu.vector_store %swap3A_311[%swap3A_312, %swap3A_313], %swap3A_316 {strides = array<i32>} : memref<128x128xf32, #tpu.memory_space<vmem>>, vector<1x16xf32>,
      %get3A_317 = arith.constant 0 : i32
      %get3A_318 = arith.constant 0 : i32
      %get3A_319 = tpu.memref_slice %arg8[%scan3A_118, %scan3A_119, %get3A_317, %get3A_318] : memref<2x3x128x128xf32, #tpu.memory_space<vmem>> -> memref<1x1x128x128xf32, #tpu.memory_space<vmem>>
      %get3A_320 = tpu.memref_squeeze %get3A_319 : memref<1x1x128x128xf32, #tpu.memory_space<vmem>> -> memref<128x128xf32, #tpu.memory_space<vmem>>
      %get3A_321 = arith.index_cast %scan3A_292 : i32 to index
      %get3A_322 = arith.constant 16 : index
      %get3A_323 = tpu.vector_load %get3A_320[%get3A_321, %get3A_322] {strides = array<i32>} : memref<128x128xf32, #tpu.memory_space<vmem>>, vector<1x16xf32>,
      %get3A_324 = vector.shape_cast %get3A_323 : vector<1x16xf32> to vector<16xf32>
      %get3A_325 = arith.constant 0 : i32
      %get3A_326 = arith.constant 0 : i32
      %get3A_327 = tpu.memref_slice %arg8[%scan3A_120, %scan3A_121, %get3A_325, %get3A_326] : memref<2x3x128x128xf32, #tpu.memory_space<vmem>> -> memref<1x1x128x128xf32, #tpu.memory_space<vmem>>
      %get3A_328 = tpu.memref_squeeze %get3A_327 : memref<1x1x128x128xf32, #tpu.memory_space<vmem>> -> memref<128x128xf32, #tpu.memory_space<vmem>>
      %get3A_329 = arith.index_cast %scan3A_292 : i32 to index
      %get3A_330 = arith.constant 16 : index
      %get3A_331 = tpu.vector_load %get3A_328[%get3A_329, %get3A_330] {strides = array<i32>} : memref<128x128xf32, #tpu.memory_space<vmem>>, vector<1x16xf32>,
      %get3A_332 = vector.shape_cast %get3A_331 : vector<1x16xf32> to vector<16xf32>
      %mul3A_333 = arith.mulf %get3A_324, %get3A_332 : vector<16xf32>
      %swap3A_334 = arith.constant 0 : i32
      %swap3A_335 = arith.constant 0 : i32
      %swap3A_336 = tpu.memref_slice %arg8[%scan3A_118, %scan3A_119, %swap3A_334, %swap3A_335] : memref<2x3x128x128xf32, #tpu.memory_space<vmem>> -> memref<1x1x128x128xf32, #tpu.memory_space<vmem>>
      %swap3A_337 = tpu.memref_squeeze %swap3A_336 : memref<1x1x128x128xf32, #tpu.memory_space<vmem>> -> memref<128x128xf32, #tpu.memory_space<vmem>>
      %swap3A_338 = arith.index_cast %scan3A_292 : i32 to index
      %swap3A_339 = arith.constant 16 : index
      %swap3A_340 = tpu.vector_load %swap3A_337[%swap3A_338, %swap3A_339] {strides = array<i32>} : memref<128x128xf32, #tpu.memory_space<vmem>>, vector<1x16xf32>,
      %swap3A_341 = vector.shape_cast %swap3A_340 : vector<1x16xf32> to vector<16xf32>
      %swap3A_342 = vector.shape_cast %mul3A_333 : vector<16xf32> to vector<1x16xf32>
      tpu.vector_store %swap3A_337[%swap3A_338, %swap3A_339], %swap3A_342 {strides = array<i32>} : memref<128x128xf32, #tpu.memory_space<vmem>>, vector<1x16xf32>,
      %get3A_343 = arith.constant 0 : i32
      %get3A_344 = arith.constant 0 : i32
      %get3A_345 = tpu.memref_slice %arg8[%scan3A_118, %scan3A_119, %get3A_343, %get3A_344] : memref<2x3x128x128xf32, #tpu.memory_space<vmem>> -> memref<1x1x128x128xf32, #tpu.memory_space<vmem>>
      %get3A_346 = tpu.memref_squeeze %get3A_345 : memref<1x1x128x128xf32, #tpu.memory_space<vmem>> -> memref<128x128xf32, #tpu.memory_space<vmem>>
      %get3A_347 = arith.index_cast %scan3A_292 : i32 to index
      %get3A_348 = arith.constant 32 : index
      %get3A_349 = tpu.vector_load %get3A_346[%get3A_347, %get3A_348] {strides = array<i32>} : memref<128x128xf32, #tpu.memory_space<vmem>>, vector<1x16xf32>,
      %get3A_350 = vector.shape_cast %get3A_349 : vector<1x16xf32> to vector<16xf32>
      %get3A_351 = arith.constant 0 : i32
      %get3A_352 = arith.constant 0 : i32
      %get3A_353 = tpu.memref_slice %arg8[%scan3A_120, %scan3A_121, %get3A_351, %get3A_352] : memref<2x3x128x128xf32, #tpu.memory_space<vmem>> -> memref<1x1x128x128xf32, #tpu.memory_space<vmem>>
      %get3A_354 = tpu.memref_squeeze %get3A_353 : memref<1x1x128x128xf32, #tpu.memory_space<vmem>> -> memref<128x128xf32, #tpu.memory_space<vmem>>
      %get3A_355 = arith.index_cast %scan3A_292 : i32 to index
      %get3A_356 = arith.constant 32 : index
      %get3A_357 = tpu.vector_load %get3A_354[%get3A_355, %get3A_356] {strides = array<i32>} : memref<128x128xf32, #tpu.memory_space<vmem>>, vector<1x16xf32>,
      %get3A_358 = vector.shape_cast %get3A_357 : vector<1x16xf32> to vector<16xf32>
      %mul3A_359 = arith.mulf %get3A_350, %get3A_358 : vector<16xf32>
      %swap3A_360 = arith.constant 0 : i32
      %swap3A_361 = arith.constant 0 : i32
      %swap3A_362 = tpu.memref_slice %arg8[%scan3A_118, %scan3A_119, %swap3A_360, %swap3A_361] : memref<2x3x128x128xf32, #tpu.memory_space<vmem>> -> memref<1x1x128x128xf32, #tpu.memory_space<vmem>>
      %swap3A_363 = tpu.memref_squeeze %swap3A_362 : memref<1x1x128x128xf32, #tpu.memory_space<vmem>> -> memref<128x128xf32, #tpu.memory_space<vmem>>
      %swap3A_364 = arith.index_cast %scan3A_292 : i32 to index
      %swap3A_365 = arith.constant 32 : index
      %swap3A_366 = tpu.vector_load %swap3A_363[%swap3A_364, %swap3A_365] {strides = array<i32>} : memref<128x128xf32, #tpu.memory_space<vmem>>, vector<1x16xf32>,
      %swap3A_367 = vector.shape_cast %swap3A_366 : vector<1x16xf32> to vector<16xf32>
      %swap3A_368 = vector.shape_cast %mul3A_359 : vector<16xf32> to vector<1x16xf32>
      tpu.vector_store %swap3A_363[%swap3A_364, %swap3A_365], %swap3A_368 {strides = array<i32>} : memref<128x128xf32, #tpu.memory_space<vmem>>, vector<1x16xf32>,
      %get3A_369 = arith.constant 0 : i32
      %get3A_370 = arith.constant 0 : i32
      %get3A_371 = tpu.memref_slice %arg8[%scan3A_118, %scan3A_119, %get3A_369, %get3A_370] : memref<2x3x128x128xf32, #tpu.memory_space<vmem>> -> memref<1x1x128x128xf32, #tpu.memory_space<vmem>>
      %get3A_372 = tpu.memref_squeeze %get3A_371 : memref<1x1x128x128xf32, #tpu.memory_space<vmem>> -> memref<128x128xf32, #tpu.memory_space<vmem>>
      %get3A_373 = arith.index_cast %scan3A_292 : i32 to index
      %get3A_374 = arith.constant 48 : index
      %get3A_375 = tpu.vector_load %get3A_372[%get3A_373, %get3A_374] {strides = array<i32>} : memref<128x128xf32, #tpu.memory_space<vmem>>, vector<1x16xf32>,
      %get3A_376 = vector.shape_cast %get3A_375 : vector<1x16xf32> to vector<16xf32>
      %get3A_377 = arith.constant 0 : i32
      %get3A_378 = arith.constant 0 : i32
      %get3A_379 = tpu.memref_slice %arg8[%scan3A_120, %scan3A_121, %get3A_377, %get3A_378] : memref<2x3x128x128xf32, #tpu.memory_space<vmem>> -> memref<1x1x128x128xf32, #tpu.memory_space<vmem>>
      %get3A_380 = tpu.memref_squeeze %get3A_379 : memref<1x1x128x128xf32, #tpu.memory_space<vmem>> -> memref<128x128xf32, #tpu.memory_space<vmem>>
      %get3A_381 = arith.index_cast %scan3A_292 : i32 to index
      %get3A_382 = arith.constant 48 : index
      %get3A_383 = tpu.vector_load %get3A_380[%get3A_381, %get3A_382] {strides = array<i32>} : memref<128x128xf32, #tpu.memory_space<vmem>>, vector<1x16xf32>,
      %get3A_384 = vector.shape_cast %get3A_383 : vector<1x16xf32> to vector<16xf32>
      %mul3A_385 = arith.mulf %get3A_376, %get3A_384 : vector<16xf32>
      %swap3A_386 = arith.constant 0 : i32
      %swap3A_387 = arith.constant 0 : i32
      %swap3A_388 = tpu.memref_slice %arg8[%scan3A_118, %scan3A_119, %swap3A_386, %swap3A_387] : memref<2x3x128x128xf32, #tpu.memory_space<vmem>> -> memref<1x1x128x128xf32, #tpu.memory_space<vmem>>
      %swap3A_389 = tpu.memref_squeeze %swap3A_388 : memref<1x1x128x128xf32, #tpu.memory_space<vmem>> -> memref<128x128xf32, #tpu.memory_space<vmem>>
      %swap3A_390 = arith.index_cast %scan3A_292 : i32 to index
      %swap3A_391 = arith.constant 48 : index
      %swap3A_392 = tpu.vector_load %swap3A_389[%swap3A_390, %swap3A_391] {strides = array<i32>} : memref<128x128xf32, #tpu.memory_space<vmem>>, vector<1x16xf32>,
      %swap3A_393 = vector.shape_cast %swap3A_392 : vector<1x16xf32> to vector<16xf32>
      %swap3A_394 = vector.shape_cast %mul3A_385 : vector<16xf32> to vector<1x16xf32>
      tpu.vector_store %swap3A_389[%swap3A_390, %swap3A_391], %swap3A_394 {strides = array<i32>} : memref<128x128xf32, #tpu.memory_space<vmem>>, vector<1x16xf32>,
      %get3A_395 = arith.constant 0 : i32
      %get3A_396 = arith.constant 0 : i32
      %get3A_397 = tpu.memref_slice %arg8[%scan3A_118, %scan3A_119, %get3A_395, %get3A_396] : memref<2x3x128x128xf32, #tpu.memory_space<vmem>> -> memref<1x1x128x128xf32, #tpu.memory_space<vmem>>
      %get3A_398 = tpu.memref_squeeze %get3A_397 : memref<1x1x128x128xf32, #tpu.memory_space<vmem>> -> memref<128x128xf32, #tpu.memory_space<vmem>>
      %get3A_399 = arith.index_cast %scan3A_292 : i32 to index
      %get3A_400 = arith.constant 64 : index
      %get3A_401 = tpu.vector_load %get3A_398[%get3A_399, %get3A_400] {strides = array<i32>} : memref<128x128xf32, #tpu.memory_space<vmem>>, vector<1x16xf32>,
      %get3A_402 = vector.shape_cast %get3A_401 : vector<1x16xf32> to vector<16xf32>
      %get3A_403 = arith.constant 0 : i32
      %get3A_404 = arith.constant 0 : i32
      %get3A_405 = tpu.memref_slice %arg8[%scan3A_120, %scan3A_121, %get3A_403, %get3A_404] : memref<2x3x128x128xf32, #tpu.memory_space<vmem>> -> memref<1x1x128x128xf32, #tpu.memory_space<vmem>>
      %get3A_406 = tpu.memref_squeeze %get3A_405 : memref<1x1x128x128xf32, #tpu.memory_space<vmem>> -> memref<128x128xf32, #tpu.memory_space<vmem>>
      %get3A_407 = arith.index_cast %scan3A_292 : i32 to index
      %get3A_408 = arith.constant 64 : index
      %get3A_409 = tpu.vector_load %get3A_406[%get3A_407, %get3A_408] {strides = array<i32>} : memref<128x128xf32, #tpu.memory_space<vmem>>, vector<1x16xf32>,
      %get3A_410 = vector.shape_cast %get3A_409 : vector<1x16xf32> to vector<16xf32>
      %mul3A_411 = arith.mulf %get3A_402, %get3A_410 : vector<16xf32>
      %swap3A_412 = arith.constant 0 : i32
      %swap3A_413 = arith.constant 0 : i32
      %swap3A_414 = tpu.memref_slice %arg8[%scan3A_118, %scan3A_119, %swap3A_412, %swap3A_413] : memref<2x3x128x128xf32, #tpu.memory_space<vmem>> -> memref<1x1x128x128xf32, #tpu.memory_space<vmem>>
      %swap3A_415 = tpu.memref_squeeze %swap3A_414 : memref<1x1x128x128xf32, #tpu.memory_space<vmem>> -> memref<128x128xf32, #tpu.memory_space<vmem>>
      %swap3A_416 = arith.index_cast %scan3A_292 : i32 to index
      %swap3A_417 = arith.constant 64 : index
      %swap3A_418 = tpu.vector_load %swap3A_415[%swap3A_416, %swap3A_417] {strides = array<i32>} : memref<128x128xf32, #tpu.memory_space<vmem>>, vector<1x16xf32>,
      %swap3A_419 = vector.shape_cast %swap3A_418 : vector<1x16xf32> to vector<16xf32>
      %swap3A_420 = vector.shape_cast %mul3A_411 : vector<16xf32> to vector<1x16xf32>
      tpu.vector_store %swap3A_415[%swap3A_416, %swap3A_417], %swap3A_420 {strides = array<i32>} : memref<128x128xf32, #tpu.memory_space<vmem>>, vector<1x16xf32>,
      %get3A_421 = arith.constant 0 : i32
      %get3A_422 = arith.constant 0 : i32
      %get3A_423 = tpu.memref_slice %arg8[%scan3A_118, %scan3A_119, %get3A_421, %get3A_422] : memref<2x3x128x128xf32, #tpu.memory_space<vmem>> -> memref<1x1x128x128xf32, #tpu.memory_space<vmem>>
      %get3A_424 = tpu.memref_squeeze %get3A_423 : memref<1x1x128x128xf32, #tpu.memory_space<vmem>> -> memref<128x128xf32, #tpu.memory_space<vmem>>
      %get3A_425 = arith.index_cast %scan3A_292 : i32 to index
      %get3A_426 = arith.constant 80 : index
      %get3A_427 = tpu.vector_load %get3A_424[%get3A_425, %get3A_426] {strides = array<i32>} : memref<128x128xf32, #tpu.memory_space<vmem>>, vector<1x16xf32>,
      %get3A_428 = vector.shape_cast %get3A_427 : vector<1x16xf32> to vector<16xf32>
      %get3A_429 = arith.constant 0 : i32
      %get3A_430 = arith.constant 0 : i32
      %get3A_431 = tpu.memref_slice %arg8[%scan3A_120, %scan3A_121, %get3A_429, %get3A_430] : memref<2x3x128x128xf32, #tpu.memory_space<vmem>> -> memref<1x1x128x128xf32, #tpu.memory_space<vmem>>
      %get3A_432 = tpu.memref_squeeze %get3A_431 : memref<1x1x128x128xf32, #tpu.memory_space<vmem>> -> memref<128x128xf32, #tpu.memory_space<vmem>>
      %get3A_433 = arith.index_cast %scan3A_292 : i32 to index
      %get3A_434 = arith.constant 80 : index
      %get3A_435 = tpu.vector_load %get3A_432[%get3A_433, %get3A_434] {strides = array<i32>} : memref<128x128xf32, #tpu.memory_space<vmem>>, vector<1x16xf32>,
      %get3A_436 = vector.shape_cast %get3A_435 : vector<1x16xf32> to vector<16xf32>
      %mul3A_437 = arith.mulf %get3A_428, %get3A_436 : vector<16xf32>
      %swap3A_438 = arith.constant 0 : i32
      %swap3A_439 = arith.constant 0 : i32
      %swap3A_440 = tpu.memref_slice %arg8[%scan3A_118, %scan3A_119, %swap3A_438, %swap3A_439] : memref<2x3x128x128xf32, #tpu.memory_space<vmem>> -> memref<1x1x128x128xf32, #tpu.memory_space<vmem>>
      %swap3A_441 = tpu.memref_squeeze %swap3A_440 : memref<1x1x128x128xf32, #tpu.memory_space<vmem>> -> memref<128x128xf32, #tpu.memory_space<vmem>>
      %swap3A_442 = arith.index_cast %scan3A_292 : i32 to index
      %swap3A_443 = arith.constant 80 : index
      %swap3A_444 = tpu.vector_load %swap3A_441[%swap3A_442, %swap3A_443] {strides = array<i32>} : memref<128x128xf32, #tpu.memory_space<vmem>>, vector<1x16xf32>,
      %swap3A_445 = vector.shape_cast %swap3A_444 : vector<1x16xf32> to vector<16xf32>
      %swap3A_446 = vector.shape_cast %mul3A_437 : vector<16xf32> to vector<1x16xf32>
      tpu.vector_store %swap3A_441[%swap3A_442, %swap3A_443], %swap3A_446 {strides = array<i32>} : memref<128x128xf32, #tpu.memory_space<vmem>>, vector<1x16xf32>,
      %get3A_447 = arith.constant 0 : i32
      %get3A_448 = arith.constant 0 : i32
      %get3A_449 = tpu.memref_slice %arg8[%scan3A_118, %scan3A_119, %get3A_447, %get3A_448] : memref<2x3x128x128xf32, #tpu.memory_space<vmem>> -> memref<1x1x128x128xf32, #tpu.memory_space<vmem>>
      %get3A_450 = tpu.memref_squeeze %get3A_449 : memref<1x1x128x128xf32, #tpu.memory_space<vmem>> -> memref<128x128xf32, #tpu.memory_space<vmem>>
      %get3A_451 = arith.index_cast %scan3A_292 : i32 to index
      %get3A_452 = arith.constant 96 : index
      %get3A_453 = tpu.vector_load %get3A_450[%get3A_451, %get3A_452] {strides = array<i32>} : memref<128x128xf32, #tpu.memory_space<vmem>>, vector<1x16xf32>,
      %get3A_454 = vector.shape_cast %get3A_453 : vector<1x16xf32> to vector<16xf32>
      %get3A_455 = arith.constant 0 : i32
      %get3A_456 = arith.constant 0 : i32
      %get3A_457 = tpu.memref_slice %arg8[%scan3A_120, %scan3A_121, %get3A_455, %get3A_456] : memref<2x3x128x128xf32, #tpu.memory_space<vmem>> -> memref<1x1x128x128xf32, #tpu.memory_space<vmem>>
      %get3A_458 = tpu.memref_squeeze %get3A_457 : memref<1x1x128x128xf32, #tpu.memory_space<vmem>> -> memref<128x128xf32, #tpu.memory_space<vmem>>
      %get3A_459 = arith.index_cast %scan3A_292 : i32 to index
      %get3A_460 = arith.constant 96 : index
      %get3A_461 = tpu.vector_load %get3A_458[%get3A_459, %get3A_460] {strides = array<i32>} : memref<128x128xf32, #tpu.memory_space<vmem>>, vector<1x16xf32>,
      %get3A_462 = vector.shape_cast %get3A_461 : vector<1x16xf32> to vector<16xf32>
      %mul3A_463 = arith.mulf %get3A_454, %get3A_462 : vector<16xf32>
      %swap3A_464 = arith.constant 0 : i32
      %swap3A_465 = arith.constant 0 : i32
      %swap3A_466 = tpu.memref_slice %arg8[%scan3A_118, %scan3A_119, %swap3A_464, %swap3A_465] : memref<2x3x128x128xf32, #tpu.memory_space<vmem>> -> memref<1x1x128x128xf32, #tpu.memory_space<vmem>>
      %swap3A_467 = tpu.memref_squeeze %swap3A_466 : memref<1x1x128x128xf32, #tpu.memory_space<vmem>> -> memref<128x128xf32, #tpu.memory_space<vmem>>
      %swap3A_468 = arith.index_cast %scan3A_292 : i32 to index
      %swap3A_469 = arith.constant 96 : index
      %swap3A_470 = tpu.vector_load %swap3A_467[%swap3A_468, %swap3A_469] {strides = array<i32>} : memref<128x128xf32, #tpu.memory_space<vmem>>, vector<1x16xf32>,
      %swap3A_471 = vector.shape_cast %swap3A_470 : vector<1x16xf32> to vector<16xf32>
      %swap3A_472 = vector.shape_cast %mul3A_463 : vector<16xf32> to vector<1x16xf32>
      tpu.vector_store %swap3A_467[%swap3A_468, %swap3A_469], %swap3A_472 {strides = array<i32>} : memref<128x128xf32, #tpu.memory_space<vmem>>, vector<1x16xf32>,
      %get3A_473 = arith.constant 0 : i32
      %get3A_474 = arith.constant 0 : i32
      %get3A_475 = tpu.memref_slice %arg8[%scan3A_118, %scan3A_119, %get3A_473, %get3A_474] : memref<2x3x128x128xf32, #tpu.memory_space<vmem>> -> memref<1x1x128x128xf32, #tpu.memory_space<vmem>>
      %get3A_476 = tpu.memref_squeeze %get3A_475 : memref<1x1x128x128xf32, #tpu.memory_space<vmem>> -> memref<128x128xf32, #tpu.memory_space<vmem>>
      %get3A_477 = arith.index_cast %scan3A_292 : i32 to index
      %get3A_478 = arith.constant 112 : index
      %get3A_479 = tpu.vector_load %get3A_476[%get3A_477, %get3A_478] {strides = array<i32>} : memref<128x128xf32, #tpu.memory_space<vmem>>, vector<1x16xf32>,
      %get3A_480 = vector.shape_cast %get3A_479 : vector<1x16xf32> to vector<16xf32>
      %get3A_481 = arith.constant 0 : i32
      %get3A_482 = arith.constant 0 : i32
      %get3A_483 = tpu.memref_slice %arg8[%scan3A_120, %scan3A_121, %get3A_481, %get3A_482] : memref<2x3x128x128xf32, #tpu.memory_space<vmem>> -> memref<1x1x128x128xf32, #tpu.memory_space<vmem>>
      %get3A_484 = tpu.memref_squeeze %get3A_483 : memref<1x1x128x128xf32, #tpu.memory_space<vmem>> -> memref<128x128xf32, #tpu.memory_space<vmem>>
      %get3A_485 = arith.index_cast %scan3A_292 : i32 to index
      %get3A_486 = arith.constant 112 : index
      %get3A_487 = tpu.vector_load %get3A_484[%get3A_485, %get3A_486] {strides = array<i32>} : memref<128x128xf32, #tpu.memory_space<vmem>>, vector<1x16xf32>,
      %get3A_488 = vector.shape_cast %get3A_487 : vector<1x16xf32> to vector<16xf32>
      %mul3A_489 = arith.mulf %get3A_480, %get3A_488 : vector<16xf32>
      %swap3A_490 = arith.constant 0 : i32
      %swap3A_491 = arith.constant 0 : i32
      %swap3A_492 = tpu.memref_slice %arg8[%scan3A_118, %scan3A_119, %swap3A_490, %swap3A_491] : memref<2x3x128x128xf32, #tpu.memory_space<vmem>> -> memref<1x1x128x128xf32, #tpu.memory_space<vmem>>
      %swap3A_493 = tpu.memref_squeeze %swap3A_492 : memref<1x1x128x128xf32, #tpu.memory_space<vmem>> -> memref<128x128xf32, #tpu.memory_space<vmem>>
      %swap3A_494 = arith.index_cast %scan3A_292 : i32 to index
      %swap3A_495 = arith.constant 112 : index
      %swap3A_496 = tpu.vector_load %swap3A_493[%swap3A_494, %swap3A_495] {strides = array<i32>} : memref<128x128xf32, #tpu.memory_space<vmem>>, vector<1x16xf32>,
      %swap3A_497 = vector.shape_cast %swap3A_496 : vector<1x16xf32> to vector<16xf32>
      %swap3A_498 = vector.shape_cast %mul3A_489 : vector<16xf32> to vector<1x16xf32>
      tpu.vector_store %swap3A_493[%swap3A_494, %swap3A_495], %swap3A_498 {strides = array<i32>} : memref<128x128xf32, #tpu.memory_space<vmem>>, vector<1x16xf32>,
    }
    %scan3A_126 = arith.constant 128 : i32
    %add3A_127 = arith.constant 0 : i32
    %add3A_128 = arith.addi %mul3A_2, %add3A_127 : i32
    %dma_start3A_129 = arith.constant 0 : i32
    %dma_start3A_130 = arith.constant 0 : i32
    %dma_start3A_131 = arith.constant 0 : i32
    %dma_start3A_132 = arith.constant 0 : i32
    %dma_start3A_133 = tpu.memref_slice %arg8[%dma_start3A_129, %dma_start3A_130, %dma_start3A_131, %dma_start3A_132] : memref<2x3x128x128xf32, #tpu.memory_space<vmem>> -> memref<1x1x128x128xf32, #tpu.memory_space<vmem>>
    %dma_start3A_134 = tpu.memref_squeeze %dma_start3A_133 : memref<1x1x128x128xf32, #tpu.memory_space<vmem>> -> memref<128x128xf32, #tpu.memory_space<vmem>>
    %dma_start3A_135 = arith.constant 0 : i32
    %dma_start3A_136 = tpu.memref_slice %arg5[%add3A_128, %dma_start3A_135] : memref<8192x128xf32, #tpu.memory_space<hbm>> -> memref<128x128xf32, #tpu.memory_space<hbm>>
    %dma_start3A_137 = arith.constant 0 : i32
    %dma_start3A_138 = tpu.memref_slice %arg5[%add3A_128, %dma_start3A_137] : memref<8192x128xf32, #tpu.memory_space<hbm>> -> memref<128x128xf32, #tpu.memory_space<hbm>>
    %dma_start3A_139 = arith.constant 0 : i32
    %dma_start3A_140 = arith.constant 0 : i32
    %dma_start3A_141 = tpu.memref_slice %arg8[%dma_start3A_129, %dma_start3A_130, %dma_start3A_139, %dma_start3A_140] : memref<2x3x128x128xf32, #tpu.memory_space<vmem>> -> memref<1x1x128x128xf32, #tpu.memory_space<vmem>>
    %dma_start3A_142 = tpu.memref_squeeze %dma_start3A_141 : memref<1x1x128x128xf32, #tpu.memory_space<vmem>> -> memref<128x128xf32, #tpu.memory_space<vmem>>
    tpu.enqueue_dma source(%dma_start3A_142 : memref<128x128xf32, #tpu.memory_space<vmem>>) target(%dma_start3A_138 : memref<128x128xf32, #tpu.memory_space<hbm>>) target_semaphore(%arg11 : memref<!tpu.dma_semaphore, #tpu.memory_space<semaphore_mem>>)
    %dma_start3A_143 = arith.constant 0 : i32
    %dma_start3A_144 = arith.constant 1 : i32
    %dma_start3A_145 = arith.constant 0 : i32
    %dma_start3A_146 = arith.constant 0 : i32
    %dma_start3A_147 = tpu.memref_slice %arg8[%dma_start3A_143, %dma_start3A_144, %dma_start3A_145, %dma_start3A_146] : memref<2x3x128x128xf32, #tpu.memory_space<vmem>> -> memref<1x1x128x128xf32, #tpu.memory_space<vmem>>
    %dma_start3A_148 = tpu.memref_squeeze %dma_start3A_147 : memref<1x1x128x128xf32, #tpu.memory_space<vmem>> -> memref<128x128xf32, #tpu.memory_space<vmem>>
    %dma_start3A_149 = arith.constant 0 : i32
    %dma_start3A_150 = tpu.memref_slice %arg6[%add3A_128, %dma_start3A_149] : memref<8192x128xf32, #tpu.memory_space<hbm>> -> memref<128x128xf32, #tpu.memory_space<hbm>>
    %dma_start3A_151 = arith.constant 0 : i32
    %dma_start3A_152 = tpu.memref_slice %arg6[%add3A_128, %dma_start3A_151] : memref<8192x128xf32, #tpu.memory_space<hbm>> -> memref<128x128xf32, #tpu.memory_space<hbm>>
    %dma_start3A_153 = arith.constant 0 : i32
    %dma_start3A_154 = arith.constant 0 : i32
    %dma_start3A_155 = tpu.memref_slice %arg8[%dma_start3A_143, %dma_start3A_144, %dma_start3A_153, %dma_start3A_154] : memref<2x3x128x128xf32, #tpu.memory_space<vmem>> -> memref<1x1x128x128xf32, #tpu.memory_space<vmem>>
    %dma_start3A_156 = tpu.memref_squeeze %dma_start3A_155 : memref<1x1x128x128xf32, #tpu.memory_space<vmem>> -> memref<128x128xf32, #tpu.memory_space<vmem>>
    tpu.enqueue_dma source(%dma_start3A_156 : memref<128x128xf32, #tpu.memory_space<vmem>>) target(%dma_start3A_152 : memref<128x128xf32, #tpu.memory_space<hbm>>) target_semaphore(%arg11 : memref<!tpu.dma_semaphore, #tpu.memory_space<semaphore_mem>>)
    %dma_wait3A_157 = arith.constant 3 : i32
    %dma_wait3A_158 = arith.constant 1 : i32
    %dma_wait3A_159 = arith.constant 0 : i32
    %dma_wait3A_160 = arith.constant 0 : i32
    %dma_wait3A_161 = arith.constant 0 : i32
    %dma_wait3A_162 = tpu.memref_slice %arg8[%dma_wait3A_158, %dma_wait3A_159, %dma_wait3A_160, %dma_wait3A_161] : memref<2x3x128x128xf32, #tpu.memory_space<vmem>> -> memref<1x1x128x128xf32, #tpu.memory_space<vmem>>
    %dma_wait3A_163 = tpu.memref_squeeze %dma_wait3A_162 : memref<1x1x128x128xf32, #tpu.memory_space<vmem>> -> memref<128x128xf32, #tpu.memory_space<vmem>>
    %dma_wait3A_164 = arith.constant 0 : i32
    %dma_wait3A_165 = tpu.memref_slice %arg7[%dma_wait3A_157, %dma_wait3A_164] : memref<6x128xi32, #tpu.memory_space<vmem>> -> memref<1x128xi32, #tpu.memory_space<vmem>>
    %dma_wait3A_166 = tpu.memref_squeeze %dma_wait3A_165 : memref<1x128xi32, #tpu.memory_space<vmem>> -> memref<128xi32, #tpu.memory_space<vmem>>
    %dma_wait3A_167 = arith.constant 0 : i32
    %dma_wait3A_168 = arith.constant 0 : i32
    %dma_wait3A_169 = tpu.memref_slice %arg2[%dma_wait3A_167, %dma_wait3A_168] : memref<100000x128xf32, #tpu.memory_space<hbm>> -> memref<100000x128xf32, #tpu.memory_space<hbm>>
    tpu.wait_indirect_dma semaphore(%arg10 : memref<!tpu.dma_semaphore, #tpu.memory_space<semaphore_mem>>) src(%dma_wait3A_169 : memref<100000x128xf32, #tpu.memory_space<hbm>>) dst(%dma_wait3A_163 : memref<128x128xf32, #tpu.memory_space<vmem>>)
    %dma_wait3A_170 = arith.constant 4 : i32
    %dma_wait3A_171 = arith.constant 1 : i32
    %dma_wait3A_172 = arith.constant 1 : i32
    %dma_wait3A_173 = arith.constant 0 : i32
    %dma_wait3A_174 = arith.constant 0 : i32
    %dma_wait3A_175 = tpu.memref_slice %arg8[%dma_wait3A_171, %dma_wait3A_172, %dma_wait3A_173, %dma_wait3A_174] : memref<2x3x128x128xf32, #tpu.memory_space<vmem>> -> memref<1x1x128x128xf32, #tpu.memory_space<vmem>>
    %dma_wait3A_176 = tpu.memref_squeeze %dma_wait3A_175 : memref<1x1x128x128xf32, #tpu.memory_space<vmem>> -> memref<128x128xf32, #tpu.memory_space<vmem>>
    %dma_wait3A_177 = arith.constant 0 : i32
    %dma_wait3A_178 = tpu.memref_slice %arg7[%dma_wait3A_170, %dma_wait3A_177] : memref<6x128xi32, #tpu.memory_space<vmem>> -> memref<1x128xi32, #tpu.memory_space<vmem>>
    %dma_wait3A_179 = tpu.memref_squeeze %dma_wait3A_178 : memref<1x128xi32, #tpu.memory_space<vmem>> -> memref<128xi32, #tpu.memory_space<vmem>>
    %dma_wait3A_180 = arith.constant 0 : i32
    %dma_wait3A_181 = arith.constant 0 : i32
    %dma_wait3A_182 = tpu.memref_slice %arg3[%dma_wait3A_180, %dma_wait3A_181] : memref<100000x128xf32, #tpu.memory_space<hbm>> -> memref<100000x128xf32, #tpu.memory_space<hbm>>
    tpu.wait_indirect_dma semaphore(%arg10 : memref<!tpu.dma_semaphore, #tpu.memory_space<semaphore_mem>>) src(%dma_wait3A_182 : memref<100000x128xf32, #tpu.memory_space<hbm>>) dst(%dma_wait3A_176 : memref<128x128xf32, #tpu.memory_space<vmem>>)
    %dma_wait3A_183 = arith.constant 5 : i32
    %dma_wait3A_184 = arith.constant 1 : i32
    %dma_wait3A_185 = arith.constant 2 : i32
    %dma_wait3A_186 = arith.constant 0 : i32
    %dma_wait3A_187 = arith.constant 0 : i32
    %dma_wait3A_188 = tpu.memref_slice %arg8[%dma_wait3A_184, %dma_wait3A_185, %dma_wait3A_186, %dma_wait3A_187] : memref<2x3x128x128xf32, #tpu.memory_space<vmem>> -> memref<1x1x128x128xf32, #tpu.memory_space<vmem>>
    %dma_wait3A_189 = tpu.memref_squeeze %dma_wait3A_188 : memref<1x1x128x128xf32, #tpu.memory_space<vmem>> -> memref<128x128xf32, #tpu.memory_space<vmem>>
    %dma_wait3A_190 = arith.constant 0 : i32
    %dma_wait3A_191 = tpu.memref_slice %arg7[%dma_wait3A_183, %dma_wait3A_190] : memref<6x128xi32, #tpu.memory_space<vmem>> -> memref<1x128xi32, #tpu.memory_space<vmem>>
    %dma_wait3A_192 = tpu.memref_squeeze %dma_wait3A_191 : memref<1x128xi32, #tpu.memory_space<vmem>> -> memref<128xi32, #tpu.memory_space<vmem>>
    %dma_wait3A_193 = arith.constant 0 : i32
    %dma_wait3A_194 = arith.constant 0 : i32
    %dma_wait3A_195 = tpu.memref_slice %arg2[%dma_wait3A_193, %dma_wait3A_194] : memref<100000x128xf32, #tpu.memory_space<hbm>> -> memref<100000x128xf32, #tpu.memory_space<hbm>>
    tpu.wait_indirect_dma semaphore(%arg10 : memref<!tpu.dma_semaphore, #tpu.memory_space<semaphore_mem>>) src(%dma_wait3A_195 : memref<100000x128xf32, #tpu.memory_space<hbm>>) dst(%dma_wait3A_189 : memref<128x128xf32, #tpu.memory_space<vmem>>)
    %scan3A_196 = arith.constant 0 : i32
    %scan3A_197 = arith.constant 1 : i32
    %scan3A_198 = arith.constant 1 : i32
    %scan3A_199 = arith.constant 1 : i32
    %scan3A_200 = arith.constant 2 : i32
    %scan3A_201 = arith.constant 0 : i32
    %scan3A_202 = arith.constant 128 : i32
    %scan3A_203 = arith.addi %scan3A_201, %scan3A_202 : i32
    %scan3A_204 = arith.constant 1 : i32
    scf.for %scan3A_292 = %scan3A_201 to %scan3A_203 step %scan3A_204  : i32 {
      %get3A = arith.constant 0 : i32
      %get3A_293 = arith.constant 0 : i32
      %get3A_294 = tpu.memref_slice %arg8[%scan3A_197, %scan3A_198, %get3A, %get3A_293] : memref<2x3x128x128xf32, #tpu.memory_space<vmem>> -> memref<1x1x128x128xf32, #tpu.memory_space<vmem>>
      %get3A_295 = tpu.memref_squeeze %get3A_294 : memref<1x1x128x128xf32, #tpu.memory_space<vmem>> -> memref<128x128xf32, #tpu.memory_space<vmem>>
      %get3A_296 = arith.index_cast %scan3A_292 : i32 to index
      %get3A_297 = arith.constant 0 : index
      %get3A_298 = tpu.vector_load %get3A_295[%get3A_296, %get3A_297] {strides = array<i32>} : memref<128x128xf32, #tpu.memory_space<vmem>>, vector<1x16xf32>,
      %get3A_299 = vector.shape_cast %get3A_298 : vector<1x16xf32> to vector<16xf32>
      %get3A_300 = arith.constant 0 : i32
      %get3A_301 = arith.constant 0 : i32
      %get3A_302 = tpu.memref_slice %arg8[%scan3A_199, %scan3A_200, %get3A_300, %get3A_301] : memref<2x3x128x128xf32, #tpu.memory_space<vmem>> -> memref<1x1x128x128xf32, #tpu.memory_space<vmem>>
      %get3A_303 = tpu.memref_squeeze %get3A_302 : memref<1x1x128x128xf32, #tpu.memory_space<vmem>> -> memref<128x128xf32, #tpu.memory_space<vmem>>
      %get3A_304 = arith.index_cast %scan3A_292 : i32 to index
      %get3A_305 = arith.constant 0 : index
      %get3A_306 = tpu.vector_load %get3A_303[%get3A_304, %get3A_305] {strides = array<i32>} : memref<128x128xf32, #tpu.memory_space<vmem>>, vector<1x16xf32>,
      %get3A_307 = vector.shape_cast %get3A_306 : vector<1x16xf32> to vector<16xf32>
      %mul3A_308 = arith.mulf %get3A_299, %get3A_307 : vector<16xf32>
      %swap3A = arith.constant 0 : i32
      %swap3A_309 = arith.constant 0 : i32
      %swap3A_310 = tpu.memref_slice %arg8[%scan3A_197, %scan3A_198, %swap3A, %swap3A_309] : memref<2x3x128x128xf32, #tpu.memory_space<vmem>> -> memref<1x1x128x128xf32, #tpu.memory_space<vmem>>
      %swap3A_311 = tpu.memref_squeeze %swap3A_310 : memref<1x1x128x128xf32, #tpu.memory_space<vmem>> -> memref<128x128xf32, #tpu.memory_space<vmem>>
      %swap3A_312 = arith.index_cast %scan3A_292 : i32 to index
      %swap3A_313 = arith.constant 0 : index
      %swap3A_314 = tpu.vector_load %swap3A_311[%swap3A_312, %swap3A_313] {strides = array<i32>} : memref<128x128xf32, #tpu.memory_space<vmem>>, vector<1x16xf32>,
      %swap3A_315 = vector.shape_cast %swap3A_314 : vector<1x16xf32> to vector<16xf32>
      %swap3A_316 = vector.shape_cast %mul3A_308 : vector<16xf32> to vector<1x16xf32>
      tpu.vector_store %swap3A_311[%swap3A_312, %swap3A_313], %swap3A_316 {strides = array<i32>} : memref<128x128xf32, #tpu.memory_space<vmem>>, vector<1x16xf32>,
      %get3A_317 = arith.constant 0 : i32
      %get3A_318 = arith.constant 0 : i32
      %get3A_319 = tpu.memref_slice %arg8[%scan3A_197, %scan3A_198, %get3A_317, %get3A_318] : memref<2x3x128x128xf32, #tpu.memory_space<vmem>> -> memref<1x1x128x128xf32, #tpu.memory_space<vmem>>
      %get3A_320 = tpu.memref_squeeze %get3A_319 : memref<1x1x128x128xf32, #tpu.memory_space<vmem>> -> memref<128x128xf32, #tpu.memory_space<vmem>>
      %get3A_321 = arith.index_cast %scan3A_292 : i32 to index
      %get3A_322 = arith.constant 16 : index
      %get3A_323 = tpu.vector_load %get3A_320[%get3A_321, %get3A_322] {strides = array<i32>} : memref<128x128xf32, #tpu.memory_space<vmem>>, vector<1x16xf32>,
      %get3A_324 = vector.shape_cast %get3A_323 : vector<1x16xf32> to vector<16xf32>
      %get3A_325 = arith.constant 0 : i32
      %get3A_326 = arith.constant 0 : i32
      %get3A_327 = tpu.memref_slice %arg8[%scan3A_199, %scan3A_200, %get3A_325, %get3A_326] : memref<2x3x128x128xf32, #tpu.memory_space<vmem>> -> memref<1x1x128x128xf32, #tpu.memory_space<vmem>>
      %get3A_328 = tpu.memref_squeeze %get3A_327 : memref<1x1x128x128xf32, #tpu.memory_space<vmem>> -> memref<128x128xf32, #tpu.memory_space<vmem>>
      %get3A_329 = arith.index_cast %scan3A_292 : i32 to index
      %get3A_330 = arith.constant 16 : index
      %get3A_331 = tpu.vector_load %get3A_328[%get3A_329, %get3A_330] {strides = array<i32>} : memref<128x128xf32, #tpu.memory_space<vmem>>, vector<1x16xf32>,
      %get3A_332 = vector.shape_cast %get3A_331 : vector<1x16xf32> to vector<16xf32>
      %mul3A_333 = arith.mulf %get3A_324, %get3A_332 : vector<16xf32>
      %swap3A_334 = arith.constant 0 : i32
      %swap3A_335 = arith.constant 0 : i32
      %swap3A_336 = tpu.memref_slice %arg8[%scan3A_197, %scan3A_198, %swap3A_334, %swap3A_335] : memref<2x3x128x128xf32, #tpu.memory_space<vmem>> -> memref<1x1x128x128xf32, #tpu.memory_space<vmem>>
      %swap3A_337 = tpu.memref_squeeze %swap3A_336 : memref<1x1x128x128xf32, #tpu.memory_space<vmem>> -> memref<128x128xf32, #tpu.memory_space<vmem>>
      %swap3A_338 = arith.index_cast %scan3A_292 : i32 to index
      %swap3A_339 = arith.constant 16 : index
      %swap3A_340 = tpu.vector_load %swap3A_337[%swap3A_338, %swap3A_339] {strides = array<i32>} : memref<128x128xf32, #tpu.memory_space<vmem>>, vector<1x16xf32>,
      %swap3A_341 = vector.shape_cast %swap3A_340 : vector<1x16xf32> to vector<16xf32>
      %swap3A_342 = vector.shape_cast %mul3A_333 : vector<16xf32> to vector<1x16xf32>
      tpu.vector_store %swap3A_337[%swap3A_338, %swap3A_339], %swap3A_342 {strides = array<i32>} : memref<128x128xf32, #tpu.memory_space<vmem>>, vector<1x16xf32>,
      %get3A_343 = arith.constant 0 : i32
      %get3A_344 = arith.constant 0 : i32
      %get3A_345 = tpu.memref_slice %arg8[%scan3A_197, %scan3A_198, %get3A_343, %get3A_344] : memref<2x3x128x128xf32, #tpu.memory_space<vmem>> -> memref<1x1x128x128xf32, #tpu.memory_space<vmem>>
      %get3A_346 = tpu.memref_squeeze %get3A_345 : memref<1x1x128x128xf32, #tpu.memory_space<vmem>> -> memref<128x128xf32, #tpu.memory_space<vmem>>
      %get3A_347 = arith.index_cast %scan3A_292 : i32 to index
      %get3A_348 = arith.constant 32 : index
      %get3A_349 = tpu.vector_load %get3A_346[%get3A_347, %get3A_348] {strides = array<i32>} : memref<128x128xf32, #tpu.memory_space<vmem>>, vector<1x16xf32>,
      %get3A_350 = vector.shape_cast %get3A_349 : vector<1x16xf32> to vector<16xf32>
      %get3A_351 = arith.constant 0 : i32
      %get3A_352 = arith.constant 0 : i32
      %get3A_353 = tpu.memref_slice %arg8[%scan3A_199, %scan3A_200, %get3A_351, %get3A_352] : memref<2x3x128x128xf32, #tpu.memory_space<vmem>> -> memref<1x1x128x128xf32, #tpu.memory_space<vmem>>
      %get3A_354 = tpu.memref_squeeze %get3A_353 : memref<1x1x128x128xf32, #tpu.memory_space<vmem>> -> memref<128x128xf32, #tpu.memory_space<vmem>>
      %get3A_355 = arith.index_cast %scan3A_292 : i32 to index
      %get3A_356 = arith.constant 32 : index
      %get3A_357 = tpu.vector_load %get3A_354[%get3A_355, %get3A_356] {strides = array<i32>} : memref<128x128xf32, #tpu.memory_space<vmem>>, vector<1x16xf32>,
      %get3A_358 = vector.shape_cast %get3A_357 : vector<1x16xf32> to vector<16xf32>
      %mul3A_359 = arith.mulf %get3A_350, %get3A_358 : vector<16xf32>
      %swap3A_360 = arith.constant 0 : i32
      %swap3A_361 = arith.constant 0 : i32
      %swap3A_362 = tpu.memref_slice %arg8[%scan3A_197, %scan3A_198, %swap3A_360, %swap3A_361] : memref<2x3x128x128xf32, #tpu.memory_space<vmem>> -> memref<1x1x128x128xf32, #tpu.memory_space<vmem>>
      %swap3A_363 = tpu.memref_squeeze %swap3A_362 : memref<1x1x128x128xf32, #tpu.memory_space<vmem>> -> memref<128x128xf32, #tpu.memory_space<vmem>>
      %swap3A_364 = arith.index_cast %scan3A_292 : i32 to index
      %swap3A_365 = arith.constant 32 : index
      %swap3A_366 = tpu.vector_load %swap3A_363[%swap3A_364, %swap3A_365] {strides = array<i32>} : memref<128x128xf32, #tpu.memory_space<vmem>>, vector<1x16xf32>,
      %swap3A_367 = vector.shape_cast %swap3A_366 : vector<1x16xf32> to vector<16xf32>
      %swap3A_368 = vector.shape_cast %mul3A_359 : vector<16xf32> to vector<1x16xf32>
      tpu.vector_store %swap3A_363[%swap3A_364, %swap3A_365], %swap3A_368 {strides = array<i32>} : memref<128x128xf32, #tpu.memory_space<vmem>>, vector<1x16xf32>,
      %get3A_369 = arith.constant 0 : i32
      %get3A_370 = arith.constant 0 : i32
      %get3A_371 = tpu.memref_slice %arg8[%scan3A_197, %scan3A_198, %get3A_369, %get3A_370] : memref<2x3x128x128xf32, #tpu.memory_space<vmem>> -> memref<1x1x128x128xf32, #tpu.memory_space<vmem>>
      %get3A_372 = tpu.memref_squeeze %get3A_371 : memref<1x1x128x128xf32, #tpu.memory_space<vmem>> -> memref<128x128xf32, #tpu.memory_space<vmem>>
      %get3A_373 = arith.index_cast %scan3A_292 : i32 to index
      %get3A_374 = arith.constant 48 : index
      %get3A_375 = tpu.vector_load %get3A_372[%get3A_373, %get3A_374] {strides = array<i32>} : memref<128x128xf32, #tpu.memory_space<vmem>>, vector<1x16xf32>,
      %get3A_376 = vector.shape_cast %get3A_375 : vector<1x16xf32> to vector<16xf32>
      %get3A_377 = arith.constant 0 : i32
      %get3A_378 = arith.constant 0 : i32
      %get3A_379 = tpu.memref_slice %arg8[%scan3A_199, %scan3A_200, %get3A_377, %get3A_378] : memref<2x3x128x128xf32, #tpu.memory_space<vmem>> -> memref<1x1x128x128xf32, #tpu.memory_space<vmem>>
      %get3A_380 = tpu.memref_squeeze %get3A_379 : memref<1x1x128x128xf32, #tpu.memory_space<vmem>> -> memref<128x128xf32, #tpu.memory_space<vmem>>
      %get3A_381 = arith.index_cast %scan3A_292 : i32 to index
      %get3A_382 = arith.constant 48 : index
      %get3A_383 = tpu.vector_load %get3A_380[%get3A_381, %get3A_382] {strides = array<i32>} : memref<128x128xf32, #tpu.memory_space<vmem>>, vector<1x16xf32>,
      %get3A_384 = vector.shape_cast %get3A_383 : vector<1x16xf32> to vector<16xf32>
      %mul3A_385 = arith.mulf %get3A_376, %get3A_384 : vector<16xf32>
      %swap3A_386 = arith.constant 0 : i32
      %swap3A_387 = arith.constant 0 : i32
      %swap3A_388 = tpu.memref_slice %arg8[%scan3A_197, %scan3A_198, %swap3A_386, %swap3A_387] : memref<2x3x128x128xf32, #tpu.memory_space<vmem>> -> memref<1x1x128x128xf32, #tpu.memory_space<vmem>>
      %swap3A_389 = tpu.memref_squeeze %swap3A_388 : memref<1x1x128x128xf32, #tpu.memory_space<vmem>> -> memref<128x128xf32, #tpu.memory_space<vmem>>
      %swap3A_390 = arith.index_cast %scan3A_292 : i32 to index
      %swap3A_391 = arith.constant 48 : index
      %swap3A_392 = tpu.vector_load %swap3A_389[%swap3A_390, %swap3A_391] {strides = array<i32>} : memref<128x128xf32, #tpu.memory_space<vmem>>, vector<1x16xf32>,
      %swap3A_393 = vector.shape_cast %swap3A_392 : vector<1x16xf32> to vector<16xf32>
      %swap3A_394 = vector.shape_cast %mul3A_385 : vector<16xf32> to vector<1x16xf32>
      tpu.vector_store %swap3A_389[%swap3A_390, %swap3A_391], %swap3A_394 {strides = array<i32>} : memref<128x128xf32, #tpu.memory_space<vmem>>, vector<1x16xf32>,
      %get3A_395 = arith.constant 0 : i32
      %get3A_396 = arith.constant 0 : i32
      %get3A_397 = tpu.memref_slice %arg8[%scan3A_197, %scan3A_198, %get3A_395, %get3A_396] : memref<2x3x128x128xf32, #tpu.memory_space<vmem>> -> memref<1x1x128x128xf32, #tpu.memory_space<vmem>>
      %get3A_398 = tpu.memref_squeeze %get3A_397 : memref<1x1x128x128xf32, #tpu.memory_space<vmem>> -> memref<128x128xf32, #tpu.memory_space<vmem>>
      %get3A_399 = arith.index_cast %scan3A_292 : i32 to index
      %get3A_400 = arith.constant 64 : index
      %get3A_401 = tpu.vector_load %get3A_398[%get3A_399, %get3A_400] {strides = array<i32>} : memref<128x128xf32, #tpu.memory_space<vmem>>, vector<1x16xf32>,
      %get3A_402 = vector.shape_cast %get3A_401 : vector<1x16xf32> to vector<16xf32>
      %get3A_403 = arith.constant 0 : i32
      %get3A_404 = arith.constant 0 : i32
      %get3A_405 = tpu.memref_slice %arg8[%scan3A_199, %scan3A_200, %get3A_403, %get3A_404] : memref<2x3x128x128xf32, #tpu.memory_space<vmem>> -> memref<1x1x128x128xf32, #tpu.memory_space<vmem>>
      %get3A_406 = tpu.memref_squeeze %get3A_405 : memref<1x1x128x128xf32, #tpu.memory_space<vmem>> -> memref<128x128xf32, #tpu.memory_space<vmem>>
      %get3A_407 = arith.index_cast %scan3A_292 : i32 to index
      %get3A_408 = arith.constant 64 : index
      %get3A_409 = tpu.vector_load %get3A_406[%get3A_407, %get3A_408] {strides = array<i32>} : memref<128x128xf32, #tpu.memory_space<vmem>>, vector<1x16xf32>,
      %get3A_410 = vector.shape_cast %get3A_409 : vector<1x16xf32> to vector<16xf32>
      %mul3A_411 = arith.mulf %get3A_402, %get3A_410 : vector<16xf32>
      %swap3A_412 = arith.constant 0 : i32
      %swap3A_413 = arith.constant 0 : i32
      %swap3A_414 = tpu.memref_slice %arg8[%scan3A_197, %scan3A_198, %swap3A_412, %swap3A_413] : memref<2x3x128x128xf32, #tpu.memory_space<vmem>> -> memref<1x1x128x128xf32, #tpu.memory_space<vmem>>
      %swap3A_415 = tpu.memref_squeeze %swap3A_414 : memref<1x1x128x128xf32, #tpu.memory_space<vmem>> -> memref<128x128xf32, #tpu.memory_space<vmem>>
      %swap3A_416 = arith.index_cast %scan3A_292 : i32 to index
      %swap3A_417 = arith.constant 64 : index
      %swap3A_418 = tpu.vector_load %swap3A_415[%swap3A_416, %swap3A_417] {strides = array<i32>} : memref<128x128xf32, #tpu.memory_space<vmem>>, vector<1x16xf32>,
      %swap3A_419 = vector.shape_cast %swap3A_418 : vector<1x16xf32> to vector<16xf32>
      %swap3A_420 = vector.shape_cast %mul3A_411 : vector<16xf32> to vector<1x16xf32>
      tpu.vector_store %swap3A_415[%swap3A_416, %swap3A_417], %swap3A_420 {strides = array<i32>} : memref<128x128xf32, #tpu.memory_space<vmem>>, vector<1x16xf32>,
      %get3A_421 = arith.constant 0 : i32
      %get3A_422 = arith.constant 0 : i32
      %get3A_423 = tpu.memref_slice %arg8[%scan3A_197, %scan3A_198, %get3A_421, %get3A_422] : memref<2x3x128x128xf32, #tpu.memory_space<vmem>> -> memref<1x1x128x128xf32, #tpu.memory_space<vmem>>
      %get3A_424 = tpu.memref_squeeze %get3A_423 : memref<1x1x128x128xf32, #tpu.memory_space<vmem>> -> memref<128x128xf32, #tpu.memory_space<vmem>>
      %get3A_425 = arith.index_cast %scan3A_292 : i32 to index
      %get3A_426 = arith.constant 80 : index
      %get3A_427 = tpu.vector_load %get3A_424[%get3A_425, %get3A_426] {strides = array<i32>} : memref<128x128xf32, #tpu.memory_space<vmem>>, vector<1x16xf32>,
      %get3A_428 = vector.shape_cast %get3A_427 : vector<1x16xf32> to vector<16xf32>
      %get3A_429 = arith.constant 0 : i32
      %get3A_430 = arith.constant 0 : i32
      %get3A_431 = tpu.memref_slice %arg8[%scan3A_199, %scan3A_200, %get3A_429, %get3A_430] : memref<2x3x128x128xf32, #tpu.memory_space<vmem>> -> memref<1x1x128x128xf32, #tpu.memory_space<vmem>>
      %get3A_432 = tpu.memref_squeeze %get3A_431 : memref<1x1x128x128xf32, #tpu.memory_space<vmem>> -> memref<128x128xf32, #tpu.memory_space<vmem>>
      %get3A_433 = arith.index_cast %scan3A_292 : i32 to index
      %get3A_434 = arith.constant 80 : index
      %get3A_435 = tpu.vector_load %get3A_432[%get3A_433, %get3A_434] {strides = array<i32>} : memref<128x128xf32, #tpu.memory_space<vmem>>, vector<1x16xf32>,
      %get3A_436 = vector.shape_cast %get3A_435 : vector<1x16xf32> to vector<16xf32>
      %mul3A_437 = arith.mulf %get3A_428, %get3A_436 : vector<16xf32>
      %swap3A_438 = arith.constant 0 : i32
      %swap3A_439 = arith.constant 0 : i32
      %swap3A_440 = tpu.memref_slice %arg8[%scan3A_197, %scan3A_198, %swap3A_438, %swap3A_439] : memref<2x3x128x128xf32, #tpu.memory_space<vmem>> -> memref<1x1x128x128xf32, #tpu.memory_space<vmem>>
      %swap3A_441 = tpu.memref_squeeze %swap3A_440 : memref<1x1x128x128xf32, #tpu.memory_space<vmem>> -> memref<128x128xf32, #tpu.memory_space<vmem>>
      %swap3A_442 = arith.index_cast %scan3A_292 : i32 to index
      %swap3A_443 = arith.constant 80 : index
      %swap3A_444 = tpu.vector_load %swap3A_441[%swap3A_442, %swap3A_443] {strides = array<i32>} : memref<128x128xf32, #tpu.memory_space<vmem>>, vector<1x16xf32>,
      %swap3A_445 = vector.shape_cast %swap3A_444 : vector<1x16xf32> to vector<16xf32>
      %swap3A_446 = vector.shape_cast %mul3A_437 : vector<16xf32> to vector<1x16xf32>
      tpu.vector_store %swap3A_441[%swap3A_442, %swap3A_443], %swap3A_446 {strides = array<i32>} : memref<128x128xf32, #tpu.memory_space<vmem>>, vector<1x16xf32>,
      %get3A_447 = arith.constant 0 : i32
      %get3A_448 = arith.constant 0 : i32
      %get3A_449 = tpu.memref_slice %arg8[%scan3A_197, %scan3A_198, %get3A_447, %get3A_448] : memref<2x3x128x128xf32, #tpu.memory_space<vmem>> -> memref<1x1x128x128xf32, #tpu.memory_space<vmem>>
      %get3A_450 = tpu.memref_squeeze %get3A_449 : memref<1x1x128x128xf32, #tpu.memory_space<vmem>> -> memref<128x128xf32, #tpu.memory_space<vmem>>
      %get3A_451 = arith.index_cast %scan3A_292 : i32 to index
      %get3A_452 = arith.constant 96 : index
      %get3A_453 = tpu.vector_load %get3A_450[%get3A_451, %get3A_452] {strides = array<i32>} : memref<128x128xf32, #tpu.memory_space<vmem>>, vector<1x16xf32>,
      %get3A_454 = vector.shape_cast %get3A_453 : vector<1x16xf32> to vector<16xf32>
      %get3A_455 = arith.constant 0 : i32
      %get3A_456 = arith.constant 0 : i32
      %get3A_457 = tpu.memref_slice %arg8[%scan3A_199, %scan3A_200, %get3A_455, %get3A_456] : memref<2x3x128x128xf32, #tpu.memory_space<vmem>> -> memref<1x1x128x128xf32, #tpu.memory_space<vmem>>
      %get3A_458 = tpu.memref_squeeze %get3A_457 : memref<1x1x128x128xf32, #tpu.memory_space<vmem>> -> memref<128x128xf32, #tpu.memory_space<vmem>>
      %get3A_459 = arith.index_cast %scan3A_292 : i32 to index
      %get3A_460 = arith.constant 96 : index
      %get3A_461 = tpu.vector_load %get3A_458[%get3A_459, %get3A_460] {strides = array<i32>} : memref<128x128xf32, #tpu.memory_space<vmem>>, vector<1x16xf32>,
      %get3A_462 = vector.shape_cast %get3A_461 : vector<1x16xf32> to vector<16xf32>
      %mul3A_463 = arith.mulf %get3A_454, %get3A_462 : vector<16xf32>
      %swap3A_464 = arith.constant 0 : i32
      %swap3A_465 = arith.constant 0 : i32
      %swap3A_466 = tpu.memref_slice %arg8[%scan3A_197, %scan3A_198, %swap3A_464, %swap3A_465] : memref<2x3x128x128xf32, #tpu.memory_space<vmem>> -> memref<1x1x128x128xf32, #tpu.memory_space<vmem>>
      %swap3A_467 = tpu.memref_squeeze %swap3A_466 : memref<1x1x128x128xf32, #tpu.memory_space<vmem>> -> memref<128x128xf32, #tpu.memory_space<vmem>>
      %swap3A_468 = arith.index_cast %scan3A_292 : i32 to index
      %swap3A_469 = arith.constant 96 : index
      %swap3A_470 = tpu.vector_load %swap3A_467[%swap3A_468, %swap3A_469] {strides = array<i32>} : memref<128x128xf32, #tpu.memory_space<vmem>>, vector<1x16xf32>,
      %swap3A_471 = vector.shape_cast %swap3A_470 : vector<1x16xf32> to vector<16xf32>
      %swap3A_472 = vector.shape_cast %mul3A_463 : vector<16xf32> to vector<1x16xf32>
      tpu.vector_store %swap3A_467[%swap3A_468, %swap3A_469], %swap3A_472 {strides = array<i32>} : memref<128x128xf32, #tpu.memory_space<vmem>>, vector<1x16xf32>,
      %get3A_473 = arith.constant 0 : i32
      %get3A_474 = arith.constant 0 : i32
      %get3A_475 = tpu.memref_slice %arg8[%scan3A_197, %scan3A_198, %get3A_473, %get3A_474] : memref<2x3x128x128xf32, #tpu.memory_space<vmem>> -> memref<1x1x128x128xf32, #tpu.memory_space<vmem>>
      %get3A_476 = tpu.memref_squeeze %get3A_475 : memref<1x1x128x128xf32, #tpu.memory_space<vmem>> -> memref<128x128xf32, #tpu.memory_space<vmem>>
      %get3A_477 = arith.index_cast %scan3A_292 : i32 to index
      %get3A_478 = arith.constant 112 : index
      %get3A_479 = tpu.vector_load %get3A_476[%get3A_477, %get3A_478] {strides = array<i32>} : memref<128x128xf32, #tpu.memory_space<vmem>>, vector<1x16xf32>,
      %get3A_480 = vector.shape_cast %get3A_479 : vector<1x16xf32> to vector<16xf32>
      %get3A_481 = arith.constant 0 : i32
      %get3A_482 = arith.constant 0 : i32
      %get3A_483 = tpu.memref_slice %arg8[%scan3A_199, %scan3A_200, %get3A_481, %get3A_482] : memref<2x3x128x128xf32, #tpu.memory_space<vmem>> -> memref<1x1x128x128xf32, #tpu.memory_space<vmem>>
      %get3A_484 = tpu.memref_squeeze %get3A_483 : memref<1x1x128x128xf32, #tpu.memory_space<vmem>> -> memref<128x128xf32, #tpu.memory_space<vmem>>
      %get3A_485 = arith.index_cast %scan3A_292 : i32 to index
      %get3A_486 = arith.constant 112 : index
      %get3A_487 = tpu.vector_load %get3A_484[%get3A_485, %get3A_486] {strides = array<i32>} : memref<128x128xf32, #tpu.memory_space<vmem>>, vector<1x16xf32>,
      %get3A_488 = vector.shape_cast %get3A_487 : vector<1x16xf32> to vector<16xf32>
      %mul3A_489 = arith.mulf %get3A_480, %get3A_488 : vector<16xf32>
      %swap3A_490 = arith.constant 0 : i32
      %swap3A_491 = arith.constant 0 : i32
      %swap3A_492 = tpu.memref_slice %arg8[%scan3A_197, %scan3A_198, %swap3A_490, %swap3A_491] : memref<2x3x128x128xf32, #tpu.memory_space<vmem>> -> memref<1x1x128x128xf32, #tpu.memory_space<vmem>>
      %swap3A_493 = tpu.memref_squeeze %swap3A_492 : memref<1x1x128x128xf32, #tpu.memory_space<vmem>> -> memref<128x128xf32, #tpu.memory_space<vmem>>
      %swap3A_494 = arith.index_cast %scan3A_292 : i32 to index
      %swap3A_495 = arith.constant 112 : index
      %swap3A_496 = tpu.vector_load %swap3A_493[%swap3A_494, %swap3A_495] {strides = array<i32>} : memref<128x128xf32, #tpu.memory_space<vmem>>, vector<1x16xf32>,
      %swap3A_497 = vector.shape_cast %swap3A_496 : vector<1x16xf32> to vector<16xf32>
      %swap3A_498 = vector.shape_cast %mul3A_489 : vector<16xf32> to vector<1x16xf32>
      tpu.vector_store %swap3A_493[%swap3A_494, %swap3A_495], %swap3A_498 {strides = array<i32>} : memref<128x128xf32, #tpu.memory_space<vmem>>, vector<1x16xf32>,
    }
    %scan3A_205 = arith.constant 128 : i32
    %add3A_206 = arith.constant 128 : i32
    %add3A_207 = arith.addi %mul3A_2, %add3A_206 : i32
    %dma_start3A_208 = arith.constant 1 : i32
    %dma_start3A_209 = arith.constant 0 : i32
    %dma_start3A_210 = arith.constant 0 : i32
    %dma_start3A_211 = arith.constant 0 : i32
    %dma_start3A_212 = tpu.memref_slice %arg8[%dma_start3A_208, %dma_start3A_209, %dma_start3A_210, %dma_start3A_211] : memref<2x3x128x128xf32, #tpu.memory_space<vmem>> -> memref<1x1x128x128xf32, #tpu.memory_space<vmem>>
    %dma_start3A_213 = tpu.memref_squeeze %dma_start3A_212 : memref<1x1x128x128xf32, #tpu.memory_space<vmem>> -> memref<128x128xf32, #tpu.memory_space<vmem>>
    %dma_start3A_214 = arith.constant 0 : i32
    %dma_start3A_215 = tpu.memref_slice %arg5[%add3A_207, %dma_start3A_214] : memref<8192x128xf32, #tpu.memory_space<hbm>> -> memref<128x128xf32, #tpu.memory_space<hbm>>
    %dma_start3A_216 = arith.constant 0 : i32
    %dma_start3A_217 = tpu.memref_slice %arg5[%add3A_207, %dma_start3A_216] : memref<8192x128xf32, #tpu.memory_space<hbm>> -> memref<128x128xf32, #tpu.memory_space<hbm>>
    %dma_start3A_218 = arith.constant 0 : i32
    %dma_start3A_219 = arith.constant 0 : i32
    %dma_start3A_220 = tpu.memref_slice %arg8[%dma_start3A_208, %dma_start3A_209, %dma_start3A_218, %dma_start3A_219] : memref<2x3x128x128xf32, #tpu.memory_space<vmem>> -> memref<1x1x128x128xf32, #tpu.memory_space<vmem>>
    %dma_start3A_221 = tpu.memref_squeeze %dma_start3A_220 : memref<1x1x128x128xf32, #tpu.memory_space<vmem>> -> memref<128x128xf32, #tpu.memory_space<vmem>>
    tpu.enqueue_dma source(%dma_start3A_221 : memref<128x128xf32, #tpu.memory_space<vmem>>) target(%dma_start3A_217 : memref<128x128xf32, #tpu.memory_space<hbm>>) target_semaphore(%arg12 : memref<!tpu.dma_semaphore, #tpu.memory_space<semaphore_mem>>)
    %dma_start3A_222 = arith.constant 1 : i32
    %dma_start3A_223 = arith.constant 1 : i32
    %dma_start3A_224 = arith.constant 0 : i32
    %dma_start3A_225 = arith.constant 0 : i32
    %dma_start3A_226 = tpu.memref_slice %arg8[%dma_start3A_222, %dma_start3A_223, %dma_start3A_224, %dma_start3A_225] : memref<2x3x128x128xf32, #tpu.memory_space<vmem>> -> memref<1x1x128x128xf32, #tpu.memory_space<vmem>>
    %dma_start3A_227 = tpu.memref_squeeze %dma_start3A_226 : memref<1x1x128x128xf32, #tpu.memory_space<vmem>> -> memref<128x128xf32, #tpu.memory_space<vmem>>
    %dma_start3A_228 = arith.constant 0 : i32
    %dma_start3A_229 = tpu.memref_slice %arg6[%add3A_207, %dma_start3A_228] : memref<8192x128xf32, #tpu.memory_space<hbm>> -> memref<128x128xf32, #tpu.memory_space<hbm>>
    %dma_start3A_230 = arith.constant 0 : i32
    %dma_start3A_231 = tpu.memref_slice %arg6[%add3A_207, %dma_start3A_230] : memref<8192x128xf32, #tpu.memory_space<hbm>> -> memref<128x128xf32, #tpu.memory_space<hbm>>
    %dma_start3A_232 = arith.constant 0 : i32
    %dma_start3A_233 = arith.constant 0 : i32
    %dma_start3A_234 = tpu.memref_slice %arg8[%dma_start3A_222, %dma_start3A_223, %dma_start3A_232, %dma_start3A_233] : memref<2x3x128x128xf32, #tpu.memory_space<vmem>> -> memref<1x1x128x128xf32, #tpu.memory_space<vmem>>
    %dma_start3A_235 = tpu.memref_squeeze %dma_start3A_234 : memref<1x1x128x128xf32, #tpu.memory_space<vmem>> -> memref<128x128xf32, #tpu.memory_space<vmem>>
    tpu.enqueue_dma source(%dma_start3A_235 : memref<128x128xf32, #tpu.memory_space<vmem>>) target(%dma_start3A_231 : memref<128x128xf32, #tpu.memory_space<hbm>>) target_semaphore(%arg12 : memref<!tpu.dma_semaphore, #tpu.memory_space<semaphore_mem>>)
    %dma_wait3A_236 = arith.constant 0 : i32
    %dma_wait3A_237 = arith.constant 0 : i32
    %dma_wait3A_238 = arith.constant 0 : i32
    %dma_wait3A_239 = arith.constant 0 : i32
    %dma_wait3A_240 = tpu.memref_slice %arg8[%dma_wait3A_236, %dma_wait3A_237, %dma_wait3A_238, %dma_wait3A_239] : memref<2x3x128x128xf32, #tpu.memory_space<vmem>> -> memref<1x1x128x128xf32, #tpu.memory_space<vmem>>
    %dma_wait3A_241 = tpu.memref_squeeze %dma_wait3A_240 : memref<1x1x128x128xf32, #tpu.memory_space<vmem>> -> memref<128x128xf32, #tpu.memory_space<vmem>>
    %dma_wait3A_242 = arith.constant 0 : i32
    %dma_wait3A_243 = tpu.memref_slice %arg5[%add3A_128, %dma_wait3A_242] : memref<8192x128xf32, #tpu.memory_space<hbm>> -> memref<128x128xf32, #tpu.memory_space<hbm>>
    %dma_wait3A_244 = arith.constant 0 : i32
    %dma_wait3A_245 = tpu.memref_slice %arg5[%add3A_128, %dma_wait3A_244] : memref<8192x128xf32, #tpu.memory_space<hbm>> -> memref<128x128xf32, #tpu.memory_space<hbm>>
    %dma_wait3A_246 = arith.constant 0 : i32
    %dma_wait3A_247 = arith.constant 0 : i32
    %dma_wait3A_248 = tpu.memref_slice %arg8[%dma_wait3A_236, %dma_wait3A_237, %dma_wait3A_246, %dma_wait3A_247] : memref<2x3x128x128xf32, #tpu.memory_space<vmem>> -> memref<1x1x128x128xf32, #tpu.memory_space<vmem>>
    %dma_wait3A_249 = tpu.memref_squeeze %dma_wait3A_248 : memref<1x1x128x128xf32, #tpu.memory_space<vmem>> -> memref<128x128xf32, #tpu.memory_space<vmem>>
    tpu.wait_dma2 semaphore(%arg11 : memref<!tpu.dma_semaphore, #tpu.memory_space<semaphore_mem>>) src(%dma_wait3A_249 : memref<128x128xf32, #tpu.memory_space<vmem>>) dst(%dma_wait3A_245 : memref<128x128xf32, #tpu.memory_space<hbm>>)
    %dma_wait3A_250 = arith.constant 0 : i32
    %dma_wait3A_251 = arith.constant 1 : i32
    %dma_wait3A_252 = arith.constant 0 : i32
    %dma_wait3A_253 = arith.constant 0 : i32
    %dma_wait3A_254 = tpu.memref_slice %arg8[%dma_wait3A_250, %dma_wait3A_251, %dma_wait3A_252, %dma_wait3A_253] : memref<2x3x128x128xf32, #tpu.memory_space<vmem>> -> memref<1x1x128x128xf32, #tpu.memory_space<vmem>>
    %dma_wait3A_255 = tpu.memref_squeeze %dma_wait3A_254 : memref<1x1x128x128xf32, #tpu.memory_space<vmem>> -> memref<128x128xf32, #tpu.memory_space<vmem>>
    %dma_wait3A_256 = arith.constant 0 : i32
    %dma_wait3A_257 = tpu.memref_slice %arg6[%add3A_128, %dma_wait3A_256] : memref<8192x128xf32, #tpu.memory_space<hbm>> -> memref<128x128xf32, #tpu.memory_space<hbm>>
    %dma_wait3A_258 = arith.constant 0 : i32
    %dma_wait3A_259 = tpu.memref_slice %arg6[%add3A_128, %dma_wait3A_258] : memref<8192x128xf32, #tpu.memory_space<hbm>> -> memref<128x128xf32, #tpu.memory_space<hbm>>
    %dma_wait3A_260 = arith.constant 0 : i32
    %dma_wait3A_261 = arith.constant 0 : i32
    %dma_wait3A_262 = tpu.memref_slice %arg8[%dma_wait3A_250, %dma_wait3A_251, %dma_wait3A_260, %dma_wait3A_261] : memref<2x3x128x128xf32, #tpu.memory_space<vmem>> -> memref<1x1x128x128xf32, #tpu.memory_space<vmem>>
    %dma_wait3A_263 = tpu.memref_squeeze %dma_wait3A_262 : memref<1x1x128x128xf32, #tpu.memory_space<vmem>> -> memref<128x128xf32, #tpu.memory_space<vmem>>
    tpu.wait_dma2 semaphore(%arg11 : memref<!tpu.dma_semaphore, #tpu.memory_space<semaphore_mem>>) src(%dma_wait3A_263 : memref<128x128xf32, #tpu.memory_space<vmem>>) dst(%dma_wait3A_259 : memref<128x128xf32, #tpu.memory_space<hbm>>)
    %dma_wait3A_264 = arith.constant 1 : i32
    %dma_wait3A_265 = arith.constant 0 : i32
    %dma_wait3A_266 = arith.constant 0 : i32
    %dma_wait3A_267 = arith.constant 0 : i32
    %dma_wait3A_268 = tpu.memref_slice %arg8[%dma_wait3A_264, %dma_wait3A_265, %dma_wait3A_266, %dma_wait3A_267] : memref<2x3x128x128xf32, #tpu.memory_space<vmem>> -> memref<1x1x128x128xf32, #tpu.memory_space<vmem>>
    %dma_wait3A_269 = tpu.memref_squeeze %dma_wait3A_268 : memref<1x1x128x128xf32, #tpu.memory_space<vmem>> -> memref<128x128xf32, #tpu.memory_space<vmem>>
    %dma_wait3A_270 = arith.constant 0 : i32
    %dma_wait3A_271 = tpu.memref_slice %arg5[%add3A_207, %dma_wait3A_270] : memref<8192x128xf32, #tpu.memory_space<hbm>> -> memref<128x128xf32, #tpu.memory_space<hbm>>
    %dma_wait3A_272 = arith.constant 0 : i32
    %dma_wait3A_273 = tpu.memref_slice %arg5[%add3A_207, %dma_wait3A_272] : memref<8192x128xf32, #tpu.memory_space<hbm>> -> memref<128x128xf32, #tpu.memory_space<hbm>>
    %dma_wait3A_274 = arith.constant 0 : i32
    %dma_wait3A_275 = arith.constant 0 : i32
    %dma_wait3A_276 = tpu.memref_slice %arg8[%dma_wait3A_264, %dma_wait3A_265, %dma_wait3A_274, %dma_wait3A_275] : memref<2x3x128x128xf32, #tpu.memory_space<vmem>> -> memref<1x1x128x128xf32, #tpu.memory_space<vmem>>
    %dma_wait3A_277 = tpu.memref_squeeze %dma_wait3A_276 : memref<1x1x128x128xf32, #tpu.memory_space<vmem>> -> memref<128x128xf32, #tpu.memory_space<vmem>>
    tpu.wait_dma2 semaphore(%arg12 : memref<!tpu.dma_semaphore, #tpu.memory_space<semaphore_mem>>) src(%dma_wait3A_277 : memref<128x128xf32, #tpu.memory_space<vmem>>) dst(%dma_wait3A_273 : memref<128x128xf32, #tpu.memory_space<hbm>>)
    %dma_wait3A_278 = arith.constant 1 : i32
    %dma_wait3A_279 = arith.constant 1 : i32
    %dma_wait3A_280 = arith.constant 0 : i32
    %dma_wait3A_281 = arith.constant 0 : i32
    %dma_wait3A_282 = tpu.memref_slice %arg8[%dma_wait3A_278, %dma_wait3A_279, %dma_wait3A_280, %dma_wait3A_281] : memref<2x3x128x128xf32, #tpu.memory_space<vmem>> -> memref<1x1x128x128xf32, #tpu.memory_space<vmem>>
    %dma_wait3A_283 = tpu.memref_squeeze %dma_wait3A_282 : memref<1x1x128x128xf32, #tpu.memory_space<vmem>> -> memref<128x128xf32, #tpu.memory_space<vmem>>
    %dma_wait3A_284 = arith.constant 0 : i32
    %dma_wait3A_285 = tpu.memref_slice %arg6[%add3A_207, %dma_wait3A_284] : memref<8192x128xf32, #tpu.memory_space<hbm>> -> memref<128x128xf32, #tpu.memory_space<hbm>>
    %dma_wait3A_286 = arith.constant 0 : i32
    %dma_wait3A_287 = tpu.memref_slice %arg6[%add3A_207, %dma_wait3A_286] : memref<8192x128xf32, #tpu.memory_space<hbm>> -> memref<128x128xf32, #tpu.memory_space<hbm>>
    %dma_wait3A_288 = arith.constant 0 : i32
    %dma_wait3A_289 = arith.constant 0 : i32
    %dma_wait3A_290 = tpu.memref_slice %arg8[%dma_wait3A_278, %dma_wait3A_279, %dma_wait3A_288, %dma_wait3A_289] : memref<2x3x128x128xf32, #tpu.memory_space<vmem>> -> memref<1x1x128x128xf32, #tpu.memory_space<vmem>>
    %dma_wait3A_291 = tpu.memref_squeeze %dma_wait3A_290 : memref<1x1x128x128xf32, #tpu.memory_space<vmem>> -> memref<128x128xf32, #tpu.memory_space<vmem>>
    tpu.wait_dma2 semaphore(%arg12 : memref<!tpu.dma_semaphore, #tpu.memory_space<semaphore_mem>>) src(%dma_wait3A_291 : memref<128x128xf32, #tpu.memory_space<vmem>>) dst(%dma_wait3A_287 : memref<128x128xf32, #tpu.memory_space<hbm>>)
    return
  }
}

module attributes {stable_mosaic.version = 14 : i64} {
  func.func @_mlp_body(%arg0: i32, %arg1: memref<2048x128xf32, #tpu.memory_space<vmem>>, %arg2: memref<2048x128xf32, #tpu.memory_space<vmem>>, %arg3: memref<128x512xbf16, #tpu.memory_space<vmem>>, %arg4: memref<128x512xbf16, #tpu.memory_space<vmem>>, %arg5: memref<1x512xf32, #tpu.memory_space<vmem>>, %arg6: memref<512x256xbf16, #tpu.memory_space<vmem>>, %arg7: memref<1x256xf32, #tpu.memory_space<vmem>>, %arg8: memref<256x1xbf16, #tpu.memory_space<vmem>>, %arg9: memref<1x1xf32, #tpu.memory_space<vmem>>, %arg10: memref<2048x1xf32, #tpu.memory_space<vmem>>) attributes {dimension_semantics = [#tpu.dimension_semantics<arbitrary>], iteration_bounds = array<i64: 4>, scalar_prefetch = 0 : i64, scratch_operands = 0 : i64, tpu.core_type = #tpu.core_type<tc>, window_params = [{transform_indices = @transform_0, window_bounds = array<i64: 2048, 128>}, {transform_indices = @transform_1, window_bounds = array<i64: 2048, 128>}, {pipeline_mode = #tpu.pipeline_mode<synchronous>, transform_indices = @transform_2, window_bounds = array<i64: 128, 512>}, {pipeline_mode = #tpu.pipeline_mode<synchronous>, transform_indices = @transform_3, window_bounds = array<i64: 128, 512>}, {pipeline_mode = #tpu.pipeline_mode<synchronous>, transform_indices = @transform_4, window_bounds = array<i64: 1, 512>}, {pipeline_mode = #tpu.pipeline_mode<synchronous>, transform_indices = @transform_5, window_bounds = array<i64: 512, 256>}, {pipeline_mode = #tpu.pipeline_mode<synchronous>, transform_indices = @transform_6, window_bounds = array<i64: 1, 256>}, {pipeline_mode = #tpu.pipeline_mode<synchronous>, transform_indices = @transform_7, window_bounds = array<i64: 256, 1>}, {pipeline_mode = #tpu.pipeline_mode<synchronous>, transform_indices = @transform_8, window_bounds = array<i64: 1, 1>}, {transform_indices = @transform_9, window_bounds = array<i64: 2048, 1>}]} {
    %get3A = arith.constant 0 : index
    %get3A_0 = arith.constant 0 : index
    %get3A_1 = vector.load %arg1[%get3A, %get3A_0] : memref<2048x128xf32, #tpu.memory_space<vmem>>, vector<2048x128xf32>
    %get3A_2 = arith.constant 0 : index
    %get3A_3 = arith.constant 0 : index
    %get3A_4 = vector.load %arg2[%get3A_2, %get3A_3] : memref<2048x128xf32, #tpu.memory_space<vmem>>, vector<2048x128xf32>
    %mul3A = arith.mulf %get3A_1, %get3A_1 : vector<2048x128xf32>
    %reduce_sum3A = arith.constant dense<0.000000e+00> : vector<2048xf32>
    %reduce_sum3A_5 = vector.multi_reduction <add>, %mul3A, %reduce_sum3A [1] : vector<2048x128xf32> to vector<2048xf32>
    %broadcast_in_dim3A = vector.shape_cast %reduce_sum3A_5 : vector<2048xf32> to vector<2048x1xf32>
    %mul3A_6 = arith.mulf %get3A_4, %get3A_4 : vector<2048x128xf32>
    %reduce_sum3A_7 = arith.constant dense<0.000000e+00> : vector<2048xf32>
    %reduce_sum3A_8 = vector.multi_reduction <add>, %mul3A_6, %reduce_sum3A_7 [1] : vector<2048x128xf32> to vector<2048xf32>
    %broadcast_in_dim3A_9 = vector.shape_cast %reduce_sum3A_8 : vector<2048xf32> to vector<2048x1xf32>
    %add3A = arith.addf %broadcast_in_dim3A, %broadcast_in_dim3A_9 : vector<2048x1xf32>
    %sqrt3A = math.sqrt %add3A : vector<2048x1xf32>
    %max3A = arith.constant 9.99999996E-13 : f32
    %max3A_10 = vector.broadcast %max3A : f32 to vector<2048x1xf32>
    %max3A_11 = arith.maximumf %sqrt3A, %max3A_10 : vector<2048x1xf32>
    %div3A = arith.constant 1.000000e+00 : f32
    %div3A_12 = vector.broadcast %div3A : f32 to vector<2048x1xf32>
    %div3A_13 = arith.divf %div3A_12, %max3A_11 : vector<2048x1xf32>
    %mul3A_14 = vector.broadcast %div3A_13 : vector<2048x1xf32> to vector<2048x128xf32>
    %mul3A_15 = arith.mulf %get3A_1, %mul3A_14 : vector<2048x128xf32>
    %convert_element_type3A = arith.truncf %mul3A_15 : vector<2048x128xf32> to vector<2048x128xbf16>
    %mul3A_16 = vector.broadcast %div3A_13 : vector<2048x1xf32> to vector<2048x128xf32>
    %mul3A_17 = arith.mulf %get3A_4, %mul3A_16 : vector<2048x128xf32>
    %convert_element_type3A_18 = arith.truncf %mul3A_17 : vector<2048x128xf32> to vector<2048x128xbf16>
    %get3A_19 = arith.constant 0 : index
    %get3A_20 = arith.constant 0 : index
    %get3A_21 = vector.load %arg3[%get3A_19, %get3A_20] : memref<128x512xbf16, #tpu.memory_space<vmem>>, vector<128x512xbf16>
    %dot_general3A = arith.constant dense<0.000000e+00> : vector<2048x512xf32>
    %dot_general3A_22 = tpu.matmul %convert_element_type3A, %get3A_21, %dot_general3A {dimension_numbers = #tpu.dot_dimension_numbers<[1], [0], [0], [1], [0, 0, 1, 1], [], []>, transpose_lhs_hint = false} : vector<2048x128xbf16>, vector<128x512xbf16>, vector<2048x512xf32> -> vector<2048x512xf32>
    %get3A_23 = arith.constant 0 : index
    %get3A_24 = arith.constant 0 : index
    %get3A_25 = vector.load %arg4[%get3A_23, %get3A_24] : memref<128x512xbf16, #tpu.memory_space<vmem>>, vector<128x512xbf16>
    %dot_general3A_26 = arith.constant dense<0.000000e+00> : vector<2048x512xf32>
    %dot_general3A_27 = tpu.matmul %convert_element_type3A_18, %get3A_25, %dot_general3A_26 {dimension_numbers = #tpu.dot_dimension_numbers<[1], [0], [0], [1], [0, 0, 1, 1], [], []>, transpose_lhs_hint = false} : vector<2048x128xbf16>, vector<128x512xbf16>, vector<2048x512xf32> -> vector<2048x512xf32>
    %add3A_28 = arith.addf %dot_general3A_22, %dot_general3A_27 : vector<2048x512xf32>
    %get3A_29 = arith.constant 0 : index
    %get3A_30 = arith.constant 0 : index
    %get3A_31 = vector.load %arg5[%get3A_29, %get3A_30] : memref<1x512xf32, #tpu.memory_space<vmem>>, vector<1x512xf32>
    %add3A_32 = vector.broadcast %get3A_31 : vector<1x512xf32> to vector<2048x512xf32>
    %add3A_33 = arith.addf %add3A_28, %add3A_32 : vector<2048x512xf32>
    %max3A_34 = arith.constant 0.000000e+00 : f32
    %max3A_35 = vector.broadcast %max3A_34 : f32 to vector<2048x512xf32>
    %max3A_36 = arith.maximumf %add3A_33, %max3A_35 : vector<2048x512xf32>
    %convert_element_type3A_37 = arith.truncf %max3A_36 : vector<2048x512xf32> to vector<2048x512xbf16>
    %get3A_38 = arith.constant 0 : index
    %get3A_39 = arith.constant 0 : index
    %get3A_40 = vector.load %arg6[%get3A_38, %get3A_39] : memref<512x256xbf16, #tpu.memory_space<vmem>>, vector<512x256xbf16>
    %dot_general3A_41 = arith.constant dense<0.000000e+00> : vector<2048x256xf32>
    %dot_general3A_42 = tpu.matmul %convert_element_type3A_37, %get3A_40, %dot_general3A_41 {dimension_numbers = #tpu.dot_dimension_numbers<[1], [0], [0], [1], [0, 0, 1, 1], [], []>, transpose_lhs_hint = false} : vector<2048x512xbf16>, vector<512x256xbf16>, vector<2048x256xf32> -> vector<2048x256xf32>
    %get3A_43 = arith.constant 0 : index
    %get3A_44 = arith.constant 0 : index
    %get3A_45 = vector.load %arg7[%get3A_43, %get3A_44] : memref<1x256xf32, #tpu.memory_space<vmem>>, vector<1x256xf32>
    %add3A_46 = vector.broadcast %get3A_45 : vector<1x256xf32> to vector<2048x256xf32>
    %add3A_47 = arith.addf %dot_general3A_42, %add3A_46 : vector<2048x256xf32>
    %max3A_48 = arith.constant 0.000000e+00 : f32
    %max3A_49 = vector.broadcast %max3A_48 : f32 to vector<2048x256xf32>
    %max3A_50 = arith.maximumf %add3A_47, %max3A_49 : vector<2048x256xf32>
    %convert_element_type3A_51 = arith.truncf %max3A_50 : vector<2048x256xf32> to vector<2048x256xbf16>
    %get3A_52 = arith.constant 0 : index
    %get3A_53 = arith.constant 0 : index
    %get3A_54 = vector.load %arg8[%get3A_52, %get3A_53] : memref<256x1xbf16, #tpu.memory_space<vmem>>, vector<256x1xbf16>
    %dot_general3A_55 = arith.constant dense<0.000000e+00> : vector<2048x1xf32>
    %dot_general3A_56 = tpu.matmul %convert_element_type3A_51, %get3A_54, %dot_general3A_55 {dimension_numbers = #tpu.dot_dimension_numbers<[1], [0], [0], [1], [0, 0, 1, 1], [], []>, transpose_lhs_hint = false} : vector<2048x256xbf16>, vector<256x1xbf16>, vector<2048x1xf32> -> vector<2048x1xf32>
    %get3A_57 = arith.constant 0 : index
    %get3A_58 = arith.constant 0 : index
    %get3A_59 = vector.load %arg9[%get3A_57, %get3A_58] : memref<1x1xf32, #tpu.memory_space<vmem>>, vector<1x1xf32>
    %add3A_60 = vector.broadcast %get3A_59 : vector<1x1xf32> to vector<2048x1xf32>
    %add3A_61 = arith.addf %dot_general3A_56, %add3A_60 : vector<2048x1xf32>
    %logistic3A = arith.negf %add3A_61 : vector<2048x1xf32>
    %logistic3A_62 = math.exp %logistic3A : vector<2048x1xf32>
    %logistic3A_63 = arith.constant 1.000000e+00 : f32
    %logistic3A_64 = vector.broadcast %logistic3A_63 : f32 to vector<2048x1xf32>
    %logistic3A_65 = arith.addf %logistic3A_64, %logistic3A_62 : vector<2048x1xf32>
    %logistic3A_66 = arith.divf %logistic3A_64, %logistic3A_65 : vector<2048x1xf32>
    %swap3A = arith.constant 0 : index
    %swap3A_67 = arith.constant 0 : index
    %swap3A_68 = vector.load %arg10[%swap3A, %swap3A_67] : memref<2048x1xf32, #tpu.memory_space<vmem>>, vector<2048x1xf32>
    tpu.vector_store %arg10[%swap3A, %swap3A_67], %logistic3A_66 {strides = array<i32>} : memref<2048x1xf32, #tpu.memory_space<vmem>>, vector<2048x1xf32>,
    return
  }
  func.func @transform_0(%arg0: i32) -> (i32, i32) {
    %c0_i32 = arith.constant 0 : i32
    %c0_i32_0 = arith.constant 0 : i32
    return %arg0, %c0_i32 : i32, i32
  }
  func.func @transform_1(%arg0: i32) -> (i32, i32) {
    %c0_i32 = arith.constant 0 : i32
    %c0_i32_0 = arith.constant 0 : i32
    return %arg0, %c0_i32 : i32, i32
  }
  func.func @transform_2(%arg0: i32) -> (i32, i32) {
    %c0_i32 = arith.constant 0 : i32
    %c0_i32_0 = arith.constant 0 : i32
    %c0_i32_1 = arith.constant 0 : i32
    return %c0_i32, %c0_i32_0 : i32, i32
  }
  func.func @transform_3(%arg0: i32) -> (i32, i32) {
    %c0_i32 = arith.constant 0 : i32
    %c0_i32_0 = arith.constant 0 : i32
    %c0_i32_1 = arith.constant 0 : i32
    return %c0_i32, %c0_i32_0 : i32, i32
  }
  func.func @transform_4(%arg0: i32) -> (i32, i32) {
    %c0_i32 = arith.constant 0 : i32
    %c0_i32_0 = arith.constant 0 : i32
    %c0_i32_1 = arith.constant 0 : i32
    return %c0_i32, %c0_i32_0 : i32, i32
  }
  func.func @transform_5(%arg0: i32) -> (i32, i32) {
    %c0_i32 = arith.constant 0 : i32
    %c0_i32_0 = arith.constant 0 : i32
    %c0_i32_1 = arith.constant 0 : i32
    return %c0_i32, %c0_i32_0 : i32, i32
  }
  func.func @transform_6(%arg0: i32) -> (i32, i32) {
    %c0_i32 = arith.constant 0 : i32
    %c0_i32_0 = arith.constant 0 : i32
    %c0_i32_1 = arith.constant 0 : i32
    return %c0_i32, %c0_i32_0 : i32, i32
  }
  func.func @transform_7(%arg0: i32) -> (i32, i32) {
    %c0_i32 = arith.constant 0 : i32
    %c0_i32_0 = arith.constant 0 : i32
    %c0_i32_1 = arith.constant 0 : i32
    return %c0_i32, %c0_i32_0 : i32, i32
  }
  func.func @transform_8(%arg0: i32) -> (i32, i32) {
    %c0_i32 = arith.constant 0 : i32
    %c0_i32_0 = arith.constant 0 : i32
    %c0_i32_1 = arith.constant 0 : i32
    return %c0_i32, %c0_i32_0 : i32, i32
  }
  func.func @transform_9(%arg0: i32) -> (i32, i32) {
    %c0_i32 = arith.constant 0 : i32
    %c0_i32_0 = arith.constant 0 : i32
    return %arg0, %c0_i32 : i32, i32
  }
}

</mosaic_0001>

<sc_bundles>
// kernel: kernel.6.cloned.1.call-start
scs
__scs_entry_jumppad:
0x0: {  	(pc) =	sbr.rel $0x88, $3  }
0x1: {  	(tag) =	ssettag $0x0;
	lr =	simm.s32 $0x1  }
0x2: {  	[smem:$0x3F98] =	sst lr;
	_ =	strace $0xD0000000  }
0x3: {  	_ = 	snop  }
0x4: {  	_ = 	snop  }
0x5: {  	_ = 	snop  }
0x6: {  	_ = 	snop  }
0x7: {  	_ = 	snop  }
__scs_overlays_trampoline_lowered:
0x8: {  	[smem:$0x3FA7] =	sst s0  }
0x9: {  	[smem:$0x3FA8] =	sst s1  }
0xa: {  	[smem:$0x3FA9] =	sst s2  }
0xb: {  	[smem:$0x3FAA] =	sst s3  }
0xc: {  	[smem:$0x3FAB] =	sst s4  }
0xd: {  	[smem:$0x3FAC] =	sst s5  }
0xe: {  	[smem:$0x3FAD] =	sst s6  }
0xf: {  	[smem:$0x3FAE] =	sst s7  }
0x10: {  	[smem:$0x3FAF] =	sst s8  }
0x11: {  	[smem:$0x3FB0] =	sst s9;
	s0 =	simm.s32 @!p0 $0x0  }
0x12: {  	s1 =	sld [smem:$0x3F96];
	s0 =	simm.s32 @p0 $0x1  }
0x13: {  	[smem:$0x3FB1] =	sst s0;
	s0 =	simm.s32 @!p1 $0x0  }
0x14: {  	s2 =	sld [smem:$0x3F95];
	s0 =	simm.s32 @p1 $0x1  }
0x15: {  	[smem:$0x3FB2] =	sst s0;
	s0 =	simm.s32 @!p2 $0x0  }
0x16: {  	s3 =	sld [smem:$0x3FDB];
	s0 =	simm.s32 @p2 $0x1  }
0x17: {  	s4 =	simm.s32 $0x1BF5;
	[smem:$0x3FB4] =	sst s0  }
0x18: {  	s0 =	sld [smem:$0x3F97];
	_ =	swait.ge [sflag:s4], $0x0  }
0x19: {  	s7 =	sld [smem:$0x3F98]  }
0x1a: {  	s8 =	sadd.s32 $0xFFFFE003, lr  }
0x1b: {  	s9 =	sadd.s32 $0xFFFFFEF7, lr;
	s5 =	simm.s32 $0xFFFFFFFF;
	p2 =	slt.u32 s8, $0xFFFFF086  }
0x1c: {  	p1 =	slt.u32 s9, $0xF7A;
	s5 =	simm.s32 @!p2 $0x0  }
0x1d: {  	s5 =	simm.s32 @p1 $0x1;
	p0 =	seq.s32 s7, s2  }
0x1e: {  	s7 =	smul.u32 @!p0 $0xF7A, s2;
	p2 =	seq.s32 @!p0 s5, $0x0  }
0x1f: {  	s9 =	smul.u32 $0xF7A, s1;
	s8 =	simm.s32 @!p0 $0x1BF5;
	p2 =	por !p2, p0  }
0x20: {  	[sflag:s8] =	ssyncset.s32 @!p0 $0xFFFFF086;
	s6 =	sadd.s32 @!p0 s3, s7;
	s7 =	simm.s32 @!p0 $0x108  }
0x21: {  	s3 =	sadd.s32 s3, s9;
	s6 =	sadd.s32 @!p0 $0x88, s6;
	s7 =	simm.s32 @p2 $0x1082  }
0x22: {  	[simem:s7], [sflag:s8] =	dma.local @!p0 [hbm:s6], $0xF7A  }
0x23: {  	s9 =	sor.u32 $0xD0000000, s2;
	s6 =	simm.s32 $0x108;
	_ =	swait.ge @!p0 [sflag:s8], $0x0  }
0x24: {  	s3 =	sadd.s32 $0x88, s3;
	s6 =	simm.s32 @!p1 $0x1082;
	[sflag:s4] =	ssyncset.s32 $0xFFFFF086  }
0x25: {  	[simem:s6], [sflag:s4] =	dma.local [hbm:s3], $0xF7A  }
0x26: {  	[smem:$0x3F98] =	sst s1;
	(tag) =	ssettag s2;
	_ =	strace s9  }
0x27: {  	s1 =	sld [smem:$0x3FA8]  }
0x28: {  	s2 =	sld [smem:$0x3FA9]  }
0x29: {  	s4 =	sld [smem:$0x3FAB]  }
0x2a: {  	p0 =	seq.s32 s5, $0x0;
	s5 =	sld [smem:$0x3FAC]  }
0x2b: {  	s6 =	sld [smem:$0x3FAD]  }
0x2c: {  	s7 =	sld [smem:$0x3FAE]  }
0x2d: {  	s3 =	simm.s32 $0x108;
	s8 =	sld [smem:$0x3FAF]  }
0x2e: {  	s3 =	simm.s32 @!p0 $0x1082;
	s9 =	sld [smem:$0x3FB0]  }
0x2f: {  	lr =	sadd.s32 s0, s3;
	s0 =	sld [smem:$0x3FA7]  }
0x30: {  	s3 =	sld [smem:$0x3FAA]  }
0x31: {  	[smem:$0x3FB3] =	sst s10  }
0x32: {  	s10 =	sld [smem:$0x3FB1];
	_ =	sdelay $0x3  }
0x33: {  	p0 =	seq.s32 s10, $0x1;
	s10 =	sld [smem:$0x3FB3];
	_ =	sdelay $0x3  }
0x34: {  	[smem:$0x3FB3] =	sst s10  }
0x35: {  	s10 =	sld [smem:$0x3FB2];
	_ =	sdelay $0x3  }
0x36: {  	p1 =	seq.s32 s10, $0x1;
	s10 =	sld [smem:$0x3FB3];
	_ =	sdelay $0x3  }
0x37: {  	[smem:$0x3FB3] =	sst s10  }
0x38: {  	s10 =	sld [smem:$0x3FB4]  }
0x39: {  	_ = 	snop;
	(pc) =	sbr.ind lr, $3  }
0x3a: {  	_ = 	snop  }
0x3b: {  	_ = 	snop  }
0x3c: {  	p2 =	seq.s32 s10, $0x1;
	s10 =	sld [smem:$0x3FB3]  }
0x3d: {  	_ =	shalt  }
0x3e: {  	_ =	shalt  }
0x3f: {  	_ =	shalt  }
0x40: {  	_ =	shalt  }
0x41: {  	_ =	shalt  }
0x42: {  	_ =	shalt  }
0x43: {  	_ =	shalt  }
0x44: {  	_ =	shalt  }
0x45: {  	_ =	shalt  }
0x46: {  	_ =	shalt  }
0x47: {  	_ =	shalt  }
0x48: {  	_ =	shalt  }
0x49: {  	_ =	shalt  }
0x4a: {  	_ =	shalt  }
0x4b: {  	_ =	shalt  }
0x4c: {  	_ =	shalt  }
0x4d: {  	_ =	shalt  }
0x4e: {  	_ =	shalt  }
0x4f: {  	_ =	shalt  }
0x50: {  	_ =	shalt  }
0x51: {  	_ =	shalt  }
0x52: {  	_ =	shalt  }
0x53: {  	_ =	shalt  }
0x54: {  	_ =	shalt  }
0x55: {  	_ =	shalt  }
0x56: {  	_ =	shalt  }
0x57: {  	_ =	shalt  }
0x58: {  	_ =	shalt  }
0x59: {  	_ =	shalt  }
0x5a: {  	_ =	shalt  }
0x5b: {  	_ =	shalt  }
0x5c: {  	_ =	shalt  }
0x5d: {  	_ =	shalt  }
0x5e: {  	_ =	shalt  }
0x5f: {  	_ =	shalt  }
0x60: {  	_ =	shalt  }
0x61: {  	_ =	shalt  }
0x62: {  	_ =	shalt  }
0x63: {  	_ =	shalt  }
0x64: {  	_ =	shalt  }
0x65: {  	_ =	shalt  }
0x66: {  	_ =	shalt  }
0x67: {  	_ =	shalt  }
0x68: {  	_ =	shalt  }
0x69: {  	_ =	shalt  }
0x6a: {  	_ =	shalt  }
0x6b: {  	_ =	shalt  }
0x6c: {  	_ =	shalt  }
0x6d: {  	_ =	shalt  }
0x6e: {  	_ =	shalt  }
0x6f: {  	_ =	shalt  }
0x70: {  	_ =	shalt  }
0x71: {  	_ =	shalt  }
0x72: {  	_ =	shalt  }
0x73: {  	_ =	shalt  }
0x74: {  	_ =	shalt  }
0x75: {  	_ =	shalt  }
0x76: {  	_ =	shalt  }
0x77: {  	_ =	shalt  }
0x78: {  	_ =	shalt  }
0x79: {  	_ =	shalt  }
0x7a: {  	_ =	shalt  }
0x7b: {  	_ =	shalt  }
0x7c: {  	_ =	shalt  }
0x7d: {  	_ =	shalt  }
0x7e: {  	_ =	shalt  }
0x7f: {  	_ =	shalt  }
0x80: {  	_ =	shalt  }
0x81: {  	_ =	shalt  }
0x82: {  	_ =	shalt  }
0x83: {  	_ =	shalt  }
0x84: {  	_ =	shalt  }
0x85: {  	_ =	shalt  }
0x86: {  	_ =	shalt  }
0x87: {  	_ =	shalt  }
.Lfunc_end0:
.L_simem_size_0:
called_computation_lowered:
.L_overlay_start_0:
0x88: {  	s2 =	sld [smem:$0x3FD9]  }
0x89: {  	s3 =	sld [smem:$0x3FFE];
	_ =	sdelay $0x1  }
0x8a: {  	s1 =	srdreg.scid  }
0x8b: {  	s0 =	sand.u32 $0x1, s1  }
0x8c: {  	s17 =	sshll.u32 s0, $0xA;
	s2 =	sadd.s32 s3, s2  }
0x8d: {  	s2 =	sadd.s32 s2, s17  }
0x8e: {  	[smem:$0x3FBF] =	sst s2  }
0x8f: {  	_ = 	snop  }
0x90: {  	s18 =	sld [smem:$0x3FC8]  }
0x91: {  	s4 =	sld [smem:$0x3FC7];
	(tm) =	ssettm $0x1  }
0x92: {  	s19 =	sld [smem:$0x3FFB];
	_ =	sdelay $0x3  }
0x93: {  	_ =	strace s19  }
0x94: {  	s2 =	sld [smem:$0x3FFC];
	_ =	sdelay $0x3  }
0x95: {  	_ =	strace s2  }
0x96: {  	s2 =	sld [smem:$0x3FFD];
	_ =	sdelay $0x3  }
0x97: {  	_ =	strace s2  }
0x98: {  	_ =	strace $0x8FFFFFFF  }
0x99: {  	s20 =	sld [smem:$0x3FDB];
	_ =	sdelay $0x1  }
0x9a: {  	s5 =	simm.s32 $_scs_section_size  }
0x9b: {  	s6 =	simm.s32 $_size__tile_overlayer_lowered;
	s7 =	simm.s32 $_tile_overlayer_lowered  }
0x9c: {  	s8 =	simm.s32 $0x1BFF;
	s21 =	sshll.u32 s7, $0x1;
	s5 =	sadd.s32 s5, s20  }
0x9d: {  	s22 =	simm.s32 $0x0;
	s6 =	sshll.u32 s6, $0x1;
	s7 =	sadd.s32 s21, s5  }
0x9e: {  	[timem:s22], [sflag:s8] =	dma.local [hbm:s7], s6  }
0x9f: {  	_ =	swait.ge [sflag:s8], s6  }
0xa0: {  	s6 =	ssub.s32 $0x0, s6;
	[sflag:s8] =	ssyncset.done $0x0  }
0xa1: {  	[sflag:s8] =	ssyncadd.s32 s6;
	_ =	sdelay $0x1  }
0xa2: {  	s23 =	simm.s32 $0x1B8B  }
0xa3: {  	_ =	swait.ge [sflag:s23], $0x1  }
0xa4: {  	[sflag:s23] =	ssyncset.done $0x0  }
0xa5: {  	[sflag:s23] =	ssyncadd.s32 $0xFFFFFFFF  }
0xa6: {  	s6 =	sld [smem:$0x0]  }
0xa7: {  	s7 =	sand.u32 $0xFFFFFFFE, s1  }
0xa8: {  	p0 =	sne.s32 s1, s7  }
0xa9: {  	s7 =	sshll.u32 @p0 s7, $0xE  }
0xaa: {  	s7 =	sadd.s32 @p0 $0x11B8D, s7;
	s8 =	sshll.u32 @p0 s6, $0x11  }
0xab: {  	s7 =	sor.u32 @p0 s8, s7  }
0xac: {  	[sflag:s7] =	ssyncadd.remote.s32 @p0 $0x1;
	_ =	sdelay $0x1  }
0xad: {  	s7 =	simm.s32 @p0 $0x1B8D  }
0xae: {  	_ =	swait.eq @p0 [sflag:s7], $0x1  }
0xaf: {  	[sflag:s7] =	ssyncadd.s32 @p0 $0xFFFFFFFF  }
0xb0: {  	s8 =	sshll.u32 @!p0 s1, $0xE  }
0xb1: {  	s8 =	sor.u32 @!p0 $0x4000, s8;
	s7 =	simm.s32 @!p0 $0x1B8D  }
0xb2: {  	s6 =	sshll.u32 @!p0 s6, $0x11;
	s8 =	sadd.s32 @!p0 $0x11B8D, s8;
	_ =	swait.eq @!p0 [sflag:s7], $0x1  }
0xb3: {  	s6 =	sor.u32 @!p0 s6, s8;
	[sflag:s7] =	ssyncadd.s32 @!p0 $0xFFFFFFFF  }
0xb4: {  	s25 =	simm.s32 $0x1B8E;
	s24 =	sld [smem:$0x3FFE];
	[sflag:s6] =	ssyncadd.remote.s32 @!p0 $0x1  }
0xb5: {  	s26 =	simm.s32 $execute0_lowered;
	[smem:$0x3FD2] =	sst s25  }
0xb6: {  	s7 =	sshll.u32 s26, $0x1;
	_ =	strace $0x80000049;
	[dreg:$0x1] =	wrdreg $0xFFFFFFFF  }
0xb7: {  	s28 =	simm.s32 $_size_execute0_lowered;
	s5 =	sadd.s32 s5, s7;
	[dreg:$0x0] =	wrdreg $0x0  }
0xb8: {  	s7 =	sshll.u32 s28, $0x1;
	[dreg:$0x2] =	wrdreg s5  }
0xb9: {  	[dreg:$0x3] =	wrdreg s7  }
0xba: {  	[dreg:$0x4] =	wrdreg $0xC0  }
0xbb: {  	_ =	task [dreg:s22], $0x5FFFF  }
0xbc: {  	[dreg:$0x1] =	wrdreg $0xFFFFFFFF  }
0xbd: {  	[dreg:$0x0] =	wrdreg $0x60  }
0xbe: {  	[dreg:$0x2] =	wrdreg s18  }
0xbf: {  	[dreg:$0x3] =	wrdreg s4  }
0xc0: {  	[dreg:$0x4] =	wrdreg s24  }
0xc1: {  	[dreg:$0x5] =	wrdreg $0x9  }
0xc2: {  	_ =	task.clear_ibuf [dreg:s22], $0x6FFFF;
	_ =	strace $0x90000049  }
0xc3: {  	s29 =	simm.s32 $0x9;
	_ =	strace $0x8000004B  }
0xc4: {  	_ =	swait.ge [sflag:s29], $0x1  }
0xc5: {  	[sflag:s29] =	ssyncadd.s32 $0xFFFFFFFF  }
0xc6: {  	_ =	strace $0x9000004B  }
0xc7: {  	_ =	sfence  }
0xc8: {  	s30 =	sld [smem:$0x0];
	_ =	sdelay $0x2  }
0xc9: {  	s31 =	sshll.u32 s1, $0xD;
	s1 =	sshrl.u32 s1, $0x2  }
0xca: {  	s4 =	sand.u32 $0x4000, s31;
	s1 =	sadd.s32 s1, s30  }
0xcb: {  	s0 =	sor.u32 s4, s0;
	s1 =	sshll.u32 s1, $0x11  }
0xcc: {  	s0 =	sor.u32 s1, s0  }
0xcd: {  	s0 =	sadd.s32 $0x8F2B, s0  }
0xce: {  	[sflag:s0] =	ssyncadd.remote.s32 $0x1  }
0xcf: {  	_ =	sfence.sel $0xFFFF  }
0xd0: {  	[dreg:$0x0] =	wrdreg $0xFFFFFFFF;
	(pc) =	sbr.abs _section_cstart, $3  }
0xd1: {  	[dreg:$0x1] =	wrdreg $0xFFFFFFFF  }
0xd2: {  	_ =	task.clear_ibuf [dreg:s22], $0x2FFFF;
	_ =	strace $0x9FFFFFFF  }
0xd3: {  	(tm) =	ssettm $0x7FFFFFFF  }
tec
execute0_lowered:
.L_overlay_start_1:
0x0: {  	(tag) =	ssettag $0x1  }
0x1: {  	s1 =	rddreg [dreg:$0x0]  }
0x2: {  	s3 =	rddreg [dreg:$0x1]  }
0x3: {  	s5 =	rddreg [dreg:$0x2]  }
0x4: {  	s0 =	rddreg [dreg:$0x3];
	s6 =	srdreg.scid  }
0x5: {  	s2 =	stileid.u32;
	s4 =	simm.s32 $0x0;
	s13 =	simm.s32 $0x400  }
0x6: {  	s14 =	simm.s32 $0x4400;
	s15 =	simm.s32 $0x100;
	s16 =	simm.s32 $0x8400  }
0x7: {  	s17 =	simm.s32 $0x180;
	s18 =	simm.s32 $0xC400;
	s19 =	simm.s32 $0x200  }
0x8: {  	s20 =	simm.s32 $0x10400;
	s21 =	simm.s32 $0x280;
	s22 =	simm.s32 $0x14400  }
0x9: {  	s23 =	simm.s32 $0x1;
	s24 =	simm.s32 $0x2;
	s25 =	simm.s32 $0x3  }
0xa: {  	s26 =	simm.s32 $0x4;
	s28 =	simm.s32 $0x0;
	s6 =	sand.u32 $0x1, s6  }
0xb: {  	s7 =	sshll.u32 s2, $0x1;
	[smem:$0x7FF] =	sst s4;
	s9 =	sadd.s32 $0x44400, s5  }
0xc: {  	s11 =	sadd.s32 $0x64400, s5;
	s7 =	sor.u32 s6, s7;
	s6 =	ssub.s32 $0x2, s6  }
0xd: {  	_ =	strace $0x8000004A;
	s8 =	sshll.u32 s7, $0x7;
	s10 =	sshrl.u32 s6, $0x1  }
0xe: {  	s7 =	sshll.u32 s7, $0xC;
	s8 =	sadd.s32 s8, s5;
	s10 =	ssub.s32 s6, s10  }
0xf: {  	s6 =	sadd.s32 s9, s7;
	s12 =	sor.u32 $0x800, s7;
	s7 =	sadd.s32 s11, s7  }
0x10: {  	s5 =	sadd.s32 $0x43400, s8;
	s8 =	sadd.s32 s9, s12;
	s9 =	sadd.s32 s11, s12  }
0x11: {  	s10 =	smax.u32 s10, $0x1;
	s11 =	simm.s32 $0x5;
	s12 =	simm.s32 $0x80  }
.LBB2_1:
0x12: {  	[tilespmem:s4], [sflag:$0x5] =	stream.linear.gather [hbm4b:s5+s4], $0x300, $0x38;
	[tilespmem:$0x18400] =	vst v63  }
0x13: {  	_ =	swait.ge [sflag:s11], $0x300  }
0x14: {  	[sflag:s11] =	ssyncset.done $0x0  }
0x15: {  	[sflag:s11] =	ssyncadd.s32 $0xFFFFFD00  }
0x16: {  	[tilespmem:s13], [sflag:$0x1] =	stream.indirect.gather [hbm4b:s1+s12], $0x80, s4, s12, $0xb8;
	[tilespmem:$0x18400] =	vst v63  }
0x17: {  	_ = 	snop  }
0x18: {  	[tilespmem:s14], [sflag:$0x1] =	stream.indirect.gather [hbm4b:s3+s12], $0x80, s12, s12, $0xb8;
	[tilespmem:$0x18400] =	vst v63  }
0x19: {  	_ = 	snop  }
0x1a: {  	[tilespmem:s16], [sflag:$0x1] =	stream.indirect.gather [hbm4b:s1+s12], $0x80, s15, s12, $0xb8;
	[tilespmem:$0x18400] =	vst v63  }
0x1b: {  	_ = 	snop  }
0x1c: {  	[tilespmem:s18], [sflag:$0x2] =	stream.indirect.gather [hbm4b:s1+s12], $0x80, s17, s12, $0xb8;
	[tilespmem:$0x18400] =	vst v63  }
0x1d: {  	_ = 	snop  }
0x1e: {  	[tilespmem:s20], [sflag:$0x2] =	stream.indirect.gather [hbm4b:s3+s12], $0x80, s19, s12, $0xb8;
	[tilespmem:$0x18400] =	vst v63  }
0x1f: {  	_ = 	snop  }
0x20: {  	[tilespmem:s22], [sflag:$0x2] =	stream.indirect.gather [hbm4b:s1+s12], $0x80, s21, s12, $0xb8;
	[tilespmem:$0x18400] =	vst v63  }
0x21: {  	_ =	swait.ge [sflag:s23], $0x4000  }
0x22: {  	[sflag:s23] =	ssyncset.done $0x0  }
0x23: {  	[sflag:s23] =	ssyncadd.s32 $0xFFFFC000  }
0x24: {  	_ =	swait.ge [sflag:s23], $0x4000  }
0x25: {  	[sflag:s23] =	ssyncset.done $0x0  }
0x26: {  	[sflag:s23] =	ssyncadd.s32 $0xFFFFC000  }
0x27: {  	_ =	swait.ge [sflag:s23], $0x4000  }
0x28: {  	[sflag:s23] =	ssyncset.done $0x0  }
0x29: {  	s29 =	simm.s32 $0x0;
	[sflag:s23] =	ssyncadd.s32 $0xFFFFC000  }
0x2a: {  	v7 =	vld [tilespmem:s29+$0x8400]  }
0x2b: {  	v11 =	vld [tilespmem:s29+$0x8410]  }
0x2c: {  	v5 =	vld [tilespmem:s29+$0x8420]  }
0x2d: {  	v4 =	vld [tilespmem:s29+$0x8430]  }
0x2e: {  	v3 =	vld [tilespmem:s29+$0x8440]  }
0x2f: {  	v2 =	vld [tilespmem:s29+$0x8450]  }
0x30: {  	v1 =	vld [tilespmem:s29+$0x8460]  }
0x31: {  	v0 =	vld [tilespmem:s29+$0x8470]  }
0x32: {  	v12 =	vld [tilespmem:s29+$0x4400]  }
0x33: {  	v13 =	vld [tilespmem:s29+$0x4410]  }
0x34: {  	v10 =	vld [tilespmem:s29+$0x4420]  }
0x35: {  	v9 =	vld [tilespmem:s29+$0x4430]  }
0x36: {  	v8 =	vld [tilespmem:s29+$0x4440]  }
0x37: {  	v6 =	vld [tilespmem:s29+$0x4450];
	v12 =	vmul.f32 v7, v12  }
0x38: {  	s30 =	simm.s32 $0x200;
	v11 =	vmul.f32 v11, v13;
	v7 =	vld [tilespmem:s29+$0x4460]  }
.LBB2_2:
0x39: {  	s31 =	sshra.s32 s30, $0x2;
	p0 =	sne.s32 s30, $0xFE00;
	[tilespmem:s29+$0x4400] =	vst v12;
	v5 =	vmul.f32 v5, v10;
	v10 =	vld [tilespmem:s29+$0x4470]  }
0x3a: {  	v12 =	vld [tilespmem:s31+$0x8400];
	[tilespmem:s29+$0x4410] =	vst v11;
	v4 =	vmul.f32 v4, v9  }
0x3b: {  	v11 =	vld [tilespmem:s31+$0x8410];
	[tilespmem:s29+$0x4420] =	vst v5;
	v3 =	vmul.f32 v3, v8  }
0x3c: {  	v5 =	vld [tilespmem:s31+$0x8420];
	[tilespmem:s29+$0x4430] =	vst v4;
	v2 =	vmul.f32 v2, v6  }
0x3d: {  	v4 =	vld [tilespmem:s31+$0x8430];
	[tilespmem:s29+$0x4440] =	vst v3;
	v1 =	vmul.f32 v1, v7  }
0x3e: {  	v3 =	vld [tilespmem:s31+$0x8440];
	[tilespmem:s29+$0x4450] =	vst v2;
	v0 =	vmul.f32 v0, v10  }
0x3f: {  	v2 =	vld [tilespmem:s31+$0x8450];
	[tilespmem:s29+$0x4460] =	vst v1  }
0x40: {  	v1 =	vld [tilespmem:s31+$0x8460];
	[tilespmem:s29+$0x4470] =	vst v0;
	s29 =	smov.u32 s31  }
0x41: {  	v0 =	vld [tilespmem:s29+$0x8470]  }
0x42: {  	v6 =	vld [tilespmem:s29+$0x4400]  }
0x43: {  	v7 =	vld [tilespmem:s29+$0x4410]  }
.Ltmp0:
0x44: {  	v10 =	vld [tilespmem:s29+$0x4420];
	(pc) =	sbr.rel @p0 .LBB2_2-.Ltmp0, $4  }
0x45: {  	v9 =	vld [tilespmem:s29+$0x4430]  }
0x46: {  	v8 =	vld [tilespmem:s29+$0x4440]  }
0x47: {  	v12 =	vmul.f32 v12, v6;
	v6 =	vld [tilespmem:s29+$0x4450]  }
0x48: {  	s30 =	sadd.s32 $0x200, s30;
	v11 =	vmul.f32 v11, v7;
	v7 =	vld [tilespmem:s29+$0x4460]  }
0x49: {  	[tilespmem:s29+$0x4400] =	vst v12;
	v5 =	vmul.f32 v5, v10;
	v10 =	vld [tilespmem:s29+$0x4470]  }
0x4a: {  	[tilespmem:s29+$0x4410] =	vst v11;
	v4 =	vmul.f32 v4, v9  }
0x4b: {  	[tilespmem:s29+$0x4420] =	vst v5;
	v3 =	vmul.f32 v3, v8  }
0x4c: {  	[tilespmem:s29+$0x4430] =	vst v4;
	v2 =	vmul.f32 v2, v6  }
0x4d: {  	[tilespmem:s29+$0x4440] =	vst v3;
	v1 =	vmul.f32 v1, v7  }
0x4e: {  	[tilespmem:s29+$0x4450] =	vst v2;
	v0 =	vmul.f32 v0, v10  }
0x4f: {  	[tilespmem:s29+$0x4460] =	vst v1  }
0x50: {  	[tilespmem:s29+$0x4470] =	vst v0;
	s29 =	simm.s32 $0x0  }
0x51: {  	[hbm4b:s6+s29] =	stream.linear.scatter [tilespmem:s13], [sflag:$0x3], $0x4000, $0x38;
	[tilespmem:$0x18400] =	vst v63  }
0x52: {  	_ = 	snop  }
0x53: {  	[hbm4b:s7+s29] =	stream.linear.scatter [tilespmem:s14], [sflag:$0x3], $0x4000, $0x38;
	[tilespmem:$0x18400] =	vst v63  }
0x54: {  	_ =	swait.ge [sflag:s24], $0x4000  }
0x55: {  	[sflag:s24] =	ssyncset.done $0x0  }
0x56: {  	[sflag:s24] =	ssyncadd.s32 $0xFFFFC000  }
0x57: {  	_ =	swait.ge [sflag:s24], $0x4000  }
0x58: {  	[sflag:s24] =	ssyncset.done $0x0  }
0x59: {  	[sflag:s24] =	ssyncadd.s32 $0xFFFFC000  }
0x5a: {  	_ =	swait.ge [sflag:s24], $0x4000  }
0x5b: {  	[sflag:s24] =	ssyncset.done $0x0  }
0x5c: {  	s29 =	simm.s32 $0x0;
	[sflag:s24] =	ssyncadd.s32 $0xFFFFC000  }
0x5d: {  	v7 =	vld [tilespmem:s29+$0x14400]  }
0x5e: {  	v11 =	vld [tilespmem:s29+$0x14410]  }
0x5f: {  	v5 =	vld [tilespmem:s29+$0x14420]  }
0x60: {  	v4 =	vld [tilespmem:s29+$0x14430]  }
0x61: {  	v3 =	vld [tilespmem:s29+$0x14440]  }
0x62: {  	v2 =	vld [tilespmem:s29+$0x14450]  }
0x63: {  	v1 =	vld [tilespmem:s29+$0x14460]  }
0x64: {  	v0 =	vld [tilespmem:s29+$0x14470]  }
0x65: {  	v12 =	vld [tilespmem:s29+$0x10400]  }
0x66: {  	v13 =	vld [tilespmem:s29+$0x10410]  }
0x67: {  	v10 =	vld [tilespmem:s29+$0x10420]  }
0x68: {  	v9 =	vld [tilespmem:s29+$0x10430]  }
0x69: {  	v8 =	vld [tilespmem:s29+$0x10440]  }
0x6a: {  	v6 =	vld [tilespmem:s29+$0x10450];
	v12 =	vmul.f32 v7, v12  }
0x6b: {  	s30 =	simm.s32 $0x200;
	v11 =	vmul.f32 v11, v13;
	v7 =	vld [tilespmem:s29+$0x10460]  }
.LBB2_4:
0x6c: {  	s31 =	sshra.s32 s30, $0x2;
	p0 =	sne.s32 s30, $0xFE00;
	[tilespmem:s29+$0x10400] =	vst v12;
	v5 =	vmul.f32 v5, v10;
	v10 =	vld [tilespmem:s29+$0x10470]  }
0x6d: {  	v12 =	vld [tilespmem:s31+$0x14400];
	[tilespmem:s29+$0x10410] =	vst v11;
	v4 =	vmul.f32 v4, v9  }
0x6e: {  	v11 =	vld [tilespmem:s31+$0x14410];
	[tilespmem:s29+$0x10420] =	vst v5;
	v3 =	vmul.f32 v3, v8  }
0x6f: {  	v5 =	vld [tilespmem:s31+$0x14420];
	[tilespmem:s29+$0x10430] =	vst v4;
	v2 =	vmul.f32 v2, v6  }
0x70: {  	v4 =	vld [tilespmem:s31+$0x14430];
	[tilespmem:s29+$0x10440] =	vst v3;
	v1 =	vmul.f32 v1, v7  }
0x71: {  	v3 =	vld [tilespmem:s31+$0x14440];
	[tilespmem:s29+$0x10450] =	vst v2;
	v0 =	vmul.f32 v0, v10  }
0x72: {  	v2 =	vld [tilespmem:s31+$0x14450];
	[tilespmem:s29+$0x10460] =	vst v1  }
0x73: {  	v1 =	vld [tilespmem:s31+$0x14460];
	[tilespmem:s29+$0x10470] =	vst v0;
	s29 =	smov.u32 s31  }
0x74: {  	v0 =	vld [tilespmem:s29+$0x14470]  }
0x75: {  	v6 =	vld [tilespmem:s29+$0x10400]  }
0x76: {  	v7 =	vld [tilespmem:s29+$0x10410]  }
.Ltmp1:
0x77: {  	v10 =	vld [tilespmem:s29+$0x10420];
	(pc) =	sbr.rel @p0 .LBB2_4-.Ltmp1, $4  }
0x78: {  	v9 =	vld [tilespmem:s29+$0x10430]  }
0x79: {  	v8 =	vld [tilespmem:s29+$0x10440]  }
0x7a: {  	v12 =	vmul.f32 v12, v6;
	v6 =	vld [tilespmem:s29+$0x10450]  }
0x7b: {  	s30 =	sadd.s32 $0x200, s30;
	v11 =	vmul.f32 v11, v7;
	v7 =	vld [tilespmem:s29+$0x10460]  }
0x7c: {  	[tilespmem:s29+$0x10400] =	vst v12;
	v5 =	vmul.f32 v5, v10;
	v63 =	vld [tilespmem:s29+$0x10470]  }
0x7d: {  	[tilespmem:s29+$0x10410] =	vst v11;
	v4 =	vmul.f32 v4, v9  }
0x7e: {  	[tilespmem:s29+$0x10420] =	vst v5;
	v3 =	vmul.f32 v3, v8  }
0x7f: {  	[tilespmem:s29+$0x10430] =	vst v4;
	v2 =	vmul.f32 v2, v6  }
0x80: {  	[tilespmem:s29+$0x10440] =	vst v3;
	v1 =	vmul.f32 v1, v7  }
0x81: {  	[tilespmem:s29+$0x10450] =	vst v2;
	v0 =	vmul.f32 v0, v63  }
0x82: {  	[tilespmem:s29+$0x10460] =	vst v1  }
0x83: {  	[tilespmem:s29+$0x10470] =	vst v0  }
0x84: {  	[hbm4b:s8+s4] =	stream.linear.scatter [tilespmem:s18], [sflag:$0x4], $0x4000, $0x38;
	[tilespmem:$0x18400] =	vst v63  }
0x85: {  	_ = 	snop  }
0x86: {  	[hbm4b:s9+s4] =	stream.linear.scatter [tilespmem:s20], [sflag:$0x4], $0x4000, $0x38;
	[tilespmem:$0x18400] =	vst v63  }
0x87: {  	_ =	swait.ge [sflag:s25], $0x4000  }
0x88: {  	[sflag:s25] =	ssyncset.done $0x0  }
0x89: {  	[sflag:s25] =	ssyncadd.s32 $0xFFFFC000  }
0x8a: {  	_ =	swait.ge [sflag:s25], $0x4000  }
0x8b: {  	[sflag:s25] =	ssyncset.done $0x0  }
0x8c: {  	s28 =	sadd.s32 $0x1, s28;
	[sflag:s25] =	ssyncadd.s32 $0xFFFFC000  }
0x8d: {  	p0 =	sne.s32 s28, s10;
	_ =	swait.ge [sflag:s26], $0x4000  }
.Ltmp2:
0x8e: {  	[sflag:s26] =	ssyncset.done $0x0;
	(pc) =	sbr.rel @p0 .LBB2_1-.Ltmp2, $4  }
0x8f: {  	[sflag:s26] =	ssyncadd.s32 $0xFFFFC000  }
0x90: {  	_ =	swait.ge [sflag:s26], $0x4000  }
0x91: {  	[sflag:s26] =	ssyncset.done $0x0  }
0x92: {  	[sflag:s26] =	ssyncadd.s32 $0xFFFFC000  }
0x93: {  	_ =	sfence.sel $0x180000  }
0x94: {  	[bflag:$0x0] =	sbarrier.arrive $0xFFFF  }
0x95: {  	p0 =	sne.s32 s2, $0x0;
	_ =	strace $0x9000004A  }
0x96: {  	s0 =	sadd.s32 @!p0 $0x100000, s0;
	[bflag:$0x2] =	sbarrier.arrive $0xFFFF  }
0x97: {  	[sflag:s0] =	ssyncadd.tile.s32 @!p0 $0x1;
	_ =	shalt  }
.Lfunc_end2:
_tile_overlayer_lowered:
.L_overlay_start_2:
0x98: {  	(tag) =	ssettag $0x2  }
0x99: {  	s0 =	rddreg [dreg:$0x0];
	s2 =	stileid.u32  }
0x9a: {  	s1 =	rddreg [dreg:$0x1];
	p0 =	sne.s32 s2, $0x0  }
0x9b: {  	s3 =	rddreg [dreg:$0x2];
	[bflag:$0x3] =	sbarrier.arrive $0xFFFF;
	s2 =	simm.s32 @!p0 $0x1C05  }
0x9c: {  	[timem:s3], [sflag:s2] =	dma.local @!p0 [hbm:s0], s1  }
0x9d: {  	s0 =	simm.s32 @!p0 $0x5  }
0x9e: {  	_ =	swait.ge @!p0 [sflag:s0], s1  }
0x9f: {  	s1 =	ssub.s32 @!p0 $0x0, s1;
	[sflag:s0] =	ssyncset.done @!p0 $0x0  }
0xa0: {  	[sflag:s0] =	ssyncadd.s32 @!p0 s1  }
0xa1: {  	[bflag:$0x3] =	sbarrier.arrive $0xFFFF  }
0xa2: {  	_ =	shalt  }

// kernel: kernel.9.cloned.1.call-start
scs
__scs_entry_jumppad:
0x0: {  	(pc) =	sbr.rel $0x88, $3  }
0x1: {  	(tag) =	ssettag $0x0;
	lr =	simm.s32 $0x1  }
0x2: {  	[smem:$0x3F98] =	sst lr;
	_ =	strace $0xD0000000  }
0x3: {  	_ = 	snop  }
0x4: {  	_ = 	snop  }
0x5: {  	_ = 	snop  }
0x6: {  	_ = 	snop  }
0x7: {  	_ = 	snop  }
__scs_overlays_trampoline_lowered:
0x8: {  	[smem:$0x3FA7] =	sst s0  }
0x9: {  	[smem:$0x3FA8] =	sst s1  }
0xa: {  	[smem:$0x3FA9] =	sst s2  }
0xb: {  	[smem:$0x3FAA] =	sst s3  }
0xc: {  	[smem:$0x3FAB] =	sst s4  }
0xd: {  	[smem:$0x3FAC] =	sst s5  }
0xe: {  	[smem:$0x3FAD] =	sst s6  }
0xf: {  	[smem:$0x3FAE] =	sst s7  }
0x10: {  	[smem:$0x3FAF] =	sst s8  }
0x11: {  	[smem:$0x3FB0] =	sst s9;
	s0 =	simm.s32 @!p0 $0x0  }
0x12: {  	s1 =	sld [smem:$0x3F96];
	s0 =	simm.s32 @p0 $0x1  }
0x13: {  	[smem:$0x3FB1] =	sst s0;
	s0 =	simm.s32 @!p1 $0x0  }
0x14: {  	s2 =	sld [smem:$0x3F95];
	s0 =	simm.s32 @p1 $0x1  }
0x15: {  	[smem:$0x3FB2] =	sst s0;
	s0 =	simm.s32 @!p2 $0x0  }
0x16: {  	s3 =	sld [smem:$0x3FDB];
	s0 =	simm.s32 @p2 $0x1  }
0x17: {  	s4 =	simm.s32 $0x1BF5;
	[smem:$0x3FB4] =	sst s0  }
0x18: {  	s0 =	sld [smem:$0x3F97];
	_ =	swait.ge [sflag:s4], $0x0  }
0x19: {  	s7 =	sld [smem:$0x3F98]  }
0x1a: {  	s8 =	sadd.s32 $0xFFFFE003, lr  }
0x1b: {  	s9 =	sadd.s32 $0xFFFFFEF7, lr;
	s5 =	simm.s32 $0xFFFFFFFF;
	p2 =	slt.u32 s8, $0xFFFFF086  }
0x1c: {  	p1 =	slt.u32 s9, $0xF7A;
	s5 =	simm.s32 @!p2 $0x0  }
0x1d: {  	s5 =	simm.s32 @p1 $0x1;
	p0 =	seq.s32 s7, s2  }
0x1e: {  	s7 =	smul.u32 @!p0 $0xF7A, s2;
	p2 =	seq.s32 @!p0 s5, $0x0  }
0x1f: {  	s9 =	smul.u32 $0xF7A, s1;
	s8 =	simm.s32 @!p0 $0x1BF5;
	p2 =	por !p2, p0  }
0x20: {  	[sflag:s8] =	ssyncset.s32 @!p0 $0xFFFFF086;
	s6 =	sadd.s32 @!p0 s3, s7;
	s7 =	simm.s32 @!p0 $0x108  }
0x21: {  	s3 =	sadd.s32 s3, s9;
	s6 =	sadd.s32 @!p0 $0x88, s6;
	s7 =	simm.s32 @p2 $0x1082  }
0x22: {  	[simem:s7], [sflag:s8] =	dma.local @!p0 [hbm:s6], $0xF7A  }
0x23: {  	s9 =	sor.u32 $0xD0000000, s2;
	s6 =	simm.s32 $0x108;
	_ =	swait.ge @!p0 [sflag:s8], $0x0  }
0x24: {  	s3 =	sadd.s32 $0x88, s3;
	s6 =	simm.s32 @!p1 $0x1082;
	[sflag:s4] =	ssyncset.s32 $0xFFFFF086  }
0x25: {  	[simem:s6], [sflag:s4] =	dma.local [hbm:s3], $0xF7A  }
0x26: {  	[smem:$0x3F98] =	sst s1;
	(tag) =	ssettag s2;
	_ =	strace s9  }
0x27: {  	s1 =	sld [smem:$0x3FA8]  }
0x28: {  	s2 =	sld [smem:$0x3FA9]  }
0x29: {  	s4 =	sld [smem:$0x3FAB]  }
0x2a: {  	p0 =	seq.s32 s5, $0x0;
	s5 =	sld [smem:$0x3FAC]  }
0x2b: {  	s6 =	sld [smem:$0x3FAD]  }
0x2c: {  	s7 =	sld [smem:$0x3FAE]  }
0x2d: {  	s3 =	simm.s32 $0x108;
	s8 =	sld [smem:$0x3FAF]  }
0x2e: {  	s3 =	simm.s32 @!p0 $0x1082;
	s9 =	sld [smem:$0x3FB0]  }
0x2f: {  	lr =	sadd.s32 s0, s3;
	s0 =	sld [smem:$0x3FA7]  }
0x30: {  	s3 =	sld [smem:$0x3FAA]  }
0x31: {  	[smem:$0x3FB3] =	sst s10  }
0x32: {  	s10 =	sld [smem:$0x3FB1];
	_ =	sdelay $0x3  }
0x33: {  	p0 =	seq.s32 s10, $0x1;
	s10 =	sld [smem:$0x3FB3];
	_ =	sdelay $0x3  }
0x34: {  	[smem:$0x3FB3] =	sst s10  }
0x35: {  	s10 =	sld [smem:$0x3FB2];
	_ =	sdelay $0x3  }
0x36: {  	p1 =	seq.s32 s10, $0x1;
	s10 =	sld [smem:$0x3FB3];
	_ =	sdelay $0x3  }
0x37: {  	[smem:$0x3FB3] =	sst s10  }
0x38: {  	s10 =	sld [smem:$0x3FB4]  }
0x39: {  	_ = 	snop;
	(pc) =	sbr.ind lr, $3  }
0x3a: {  	_ = 	snop  }
0x3b: {  	_ = 	snop  }
0x3c: {  	p2 =	seq.s32 s10, $0x1;
	s10 =	sld [smem:$0x3FB3]  }
0x3d: {  	_ =	shalt  }
0x3e: {  	_ =	shalt  }
0x3f: {  	_ =	shalt  }
0x40: {  	_ =	shalt  }
0x41: {  	_ =	shalt  }
0x42: {  	_ =	shalt  }
0x43: {  	_ =	shalt  }
0x44: {  	_ =	shalt  }
0x45: {  	_ =	shalt  }
0x46: {  	_ =	shalt  }
0x47: {  	_ =	shalt  }
0x48: {  	_ =	shalt  }
0x49: {  	_ =	shalt  }
0x4a: {  	_ =	shalt  }
0x4b: {  	_ =	shalt  }
0x4c: {  	_ =	shalt  }
0x4d: {  	_ =	shalt  }
0x4e: {  	_ =	shalt  }
0x4f: {  	_ =	shalt  }
0x50: {  	_ =	shalt  }
0x51: {  	_ =	shalt  }
0x52: {  	_ =	shalt  }
0x53: {  	_ =	shalt  }
0x54: {  	_ =	shalt  }
0x55: {  	_ =	shalt  }
0x56: {  	_ =	shalt  }
0x57: {  	_ =	shalt  }
0x58: {  	_ =	shalt  }
0x59: {  	_ =	shalt  }
0x5a: {  	_ =	shalt  }
0x5b: {  	_ =	shalt  }
0x5c: {  	_ =	shalt  }
0x5d: {  	_ =	shalt  }
0x5e: {  	_ =	shalt  }
0x5f: {  	_ =	shalt  }
0x60: {  	_ =	shalt  }
0x61: {  	_ =	shalt  }
0x62: {  	_ =	shalt  }
0x63: {  	_ =	shalt  }
0x64: {  	_ =	shalt  }
0x65: {  	_ =	shalt  }
0x66: {  	_ =	shalt  }
0x67: {  	_ =	shalt  }
0x68: {  	_ =	shalt  }
0x69: {  	_ =	shalt  }
0x6a: {  	_ =	shalt  }
0x6b: {  	_ =	shalt  }
0x6c: {  	_ =	shalt  }
0x6d: {  	_ =	shalt  }
0x6e: {  	_ =	shalt  }
0x6f: {  	_ =	shalt  }
0x70: {  	_ =	shalt  }
0x71: {  	_ =	shalt  }
0x72: {  	_ =	shalt  }
0x73: {  	_ =	shalt  }
0x74: {  	_ =	shalt  }
0x75: {  	_ =	shalt  }
0x76: {  	_ =	shalt  }
0x77: {  	_ =	shalt  }
0x78: {  	_ =	shalt  }
0x79: {  	_ =	shalt  }
0x7a: {  	_ =	shalt  }
0x7b: {  	_ =	shalt  }
0x7c: {  	_ =	shalt  }
0x7d: {  	_ =	shalt  }
0x7e: {  	_ =	shalt  }
0x7f: {  	_ =	shalt  }
0x80: {  	_ =	shalt  }
0x81: {  	_ =	shalt  }
0x82: {  	_ =	shalt  }
0x83: {  	_ =	shalt  }
0x84: {  	_ =	shalt  }
0x85: {  	_ =	shalt  }
0x86: {  	_ =	shalt  }
0x87: {  	_ =	shalt  }
.Lfunc_end0:
.L_simem_size_0:
called_computation.1_lowered:
.L_overlay_start_0:
0x88: {  	s2 =	sld [smem:$0x3FD9]  }
0x89: {  	s3 =	sld [smem:$0x3FFE];
	_ =	sdelay $0x1  }
0x8a: {  	s1 =	srdreg.scid  }
0x8b: {  	s0 =	sand.u32 $0x1, s1  }
0x8c: {  	s17 =	sshll.u32 s0, $0xA;
	s2 =	sadd.s32 s3, s2  }
0x8d: {  	s2 =	sadd.s32 s2, s17  }
0x8e: {  	[smem:$0x3FBF] =	sst s2  }
0x8f: {  	_ = 	snop  }
0x90: {  	s2 =	sld [smem:$0x3FC8]  }
0x91: {  	s18 =	sld [smem:$0x3FC7];
	(tm) =	ssettm $0x1  }
0x92: {  	s4 =	sld [smem:$0x3FFB];
	_ =	sdelay $0x3  }
0x93: {  	_ =	strace s4  }
0x94: {  	s4 =	sld [smem:$0x3FFC];
	_ =	sdelay $0x3  }
0x95: {  	_ =	strace s4  }
0x96: {  	s4 =	sld [smem:$0x3FFD];
	_ =	sdelay $0x3  }
0x97: {  	_ =	strace s4  }
0x98: {  	_ =	strace $0x8FFFFFFF  }
0x99: {  	s19 =	sld [smem:$0x3FDB];
	_ =	sdelay $0x1  }
0x9a: {  	s5 =	simm.s32 $_scs_section_size  }
0x9b: {  	s6 =	simm.s32 $_size__tile_overlayer_lowered;
	s7 =	simm.s32 $_tile_overlayer_lowered  }
0x9c: {  	s22 =	simm.s32 $0x1BFF;
	s21 =	sshll.u32 s7, $0x1;
	s4 =	sadd.s32 s5, s19  }
0x9d: {  	s8 =	simm.s32 $0x0;
	s20 =	sshll.u32 s6, $0x1;
	s6 =	sadd.s32 s21, s4  }
0x9e: {  	[timem:s8], [sflag:s22] =	dma.local [hbm:s6], s20  }
0x9f: {  	_ =	swait.ge [sflag:s22], s20  }
0xa0: {  	s5 =	ssub.s32 $0x0, s20;
	[sflag:s22] =	ssyncset.done $0x0  }
0xa1: {  	[sflag:s22] =	ssyncadd.s32 s5;
	_ =	sdelay $0x1  }
0xa2: {  	s23 =	simm.s32 $0x1B8B  }
0xa3: {  	_ =	swait.ge [sflag:s23], $0x1  }
0xa4: {  	[sflag:s23] =	ssyncset.done $0x0  }
0xa5: {  	s25 =	simm.s32 $0x1B8E;
	s24 =	sld [smem:$0x3FFE];
	[sflag:s23] =	ssyncadd.s32 $0xFFFFFFFF  }
0xa6: {  	s26 =	simm.s32 $execute0_lowered;
	[smem:$0x3FD2] =	sst s25  }
0xa7: {  	s6 =	sshll.u32 s26, $0x1;
	_ =	strace $0x80000046;
	[dreg:$0x1] =	wrdreg $0xFFFFFFFF  }
0xa8: {  	s28 =	simm.s32 $_size_execute0_lowered;
	s4 =	sadd.s32 s4, s6;
	[dreg:$0x0] =	wrdreg $0x0  }
0xa9: {  	s6 =	sshll.u32 s28, $0x1;
	[dreg:$0x2] =	wrdreg s4  }
0xaa: {  	[dreg:$0x3] =	wrdreg s6  }
0xab: {  	[dreg:$0x4] =	wrdreg $0xC0  }
0xac: {  	_ =	task [dreg:s8], $0x5FFFF  }
0xad: {  	[dreg:$0x1] =	wrdreg $0xFFFFFFFF  }
0xae: {  	[dreg:$0x0] =	wrdreg $0x60  }
0xaf: {  	[dreg:$0x2] =	wrdreg s2  }
0xb0: {  	[dreg:$0x3] =	wrdreg s18  }
0xb1: {  	[dreg:$0x4] =	wrdreg s24  }
0xb2: {  	[dreg:$0x5] =	wrdreg $0xA  }
0xb3: {  	_ =	task.clear_ibuf [dreg:s8], $0x6FFFF;
	_ =	strace $0x90000046  }
0xb4: {  	s29 =	simm.s32 $0xA;
	_ =	strace $0x80000048  }
0xb5: {  	_ =	swait.ge [sflag:s29], $0x1  }
0xb6: {  	[sflag:s29] =	ssyncadd.s32 $0xFFFFFFFF  }
0xb7: {  	_ =	strace $0x90000048  }
0xb8: {  	_ =	sfence  }
0xb9: {  	s30 =	sld [smem:$0x0];
	_ =	sdelay $0x2  }
0xba: {  	s31 =	sshll.u32 s1, $0xD;
	s1 =	sshrl.u32 s1, $0x2  }
0xbb: {  	s3 =	sand.u32 $0x4000, s31;
	s1 =	sadd.s32 s1, s30  }
0xbc: {  	s0 =	sor.u32 s3, s0;
	s1 =	sshll.u32 s1, $0x11  }
0xbd: {  	s0 =	sor.u32 s1, s0  }
0xbe: {  	s0 =	sadd.s32 $0x8F2B, s0  }
0xbf: {  	[sflag:s0] =	ssyncadd.remote.s32 $0x1  }
0xc0: {  	_ =	sfence.sel $0xFFFF  }
0xc1: {  	[dreg:$0x0] =	wrdreg $0xFFFFFFFF;
	(pc) =	sbr.abs _section_cstart, $3  }
0xc2: {  	[dreg:$0x1] =	wrdreg $0xFFFFFFFF  }
0xc3: {  	_ =	task.clear_ibuf [dreg:s8], $0x2FFFF;
	_ =	strace $0x9FFFFFFF  }
0xc4: {  	(tm) =	ssettm $0x7FFFFFFF  }
0xc5: {  	_ =	shalt  }
tec
execute0_lowered:
.L_overlay_start_1:
0x0: {  	(tag) =	ssettag $0x1  }
0x1: {  	s1 =	rddreg [dreg:$0x0]  }
0x2: {  	s3 =	rddreg [dreg:$0x1]  }
0x3: {  	s5 =	rddreg [dreg:$0x2]  }
0x4: {  	s0 =	rddreg [dreg:$0x3];
	s6 =	srdreg.scid  }
0x5: {  	s2 =	stileid.u32;
	s4 =	simm.s32 $0x0;
	s13 =	simm.s32 $0x400  }
0x6: {  	s14 =	simm.s32 $0x4400;
	s15 =	simm.s32 $0x100;
	s16 =	simm.s32 $0x8400  }
0x7: {  	s17 =	simm.s32 $0x180;
	s18 =	simm.s32 $0xC400;
	s19 =	simm.s32 $0x200  }
0x8: {  	s20 =	simm.s32 $0x10400;
	s21 =	simm.s32 $0x280;
	s22 =	simm.s32 $0x14400  }
0x9: {  	s23 =	simm.s32 $0x1;
	s24 =	simm.s32 $0x2;
	s25 =	simm.s32 $0x3  }
0xa: {  	s26 =	simm.s32 $0x4;
	s28 =	simm.s32 $0x0;
	s6 =	sand.u32 $0x1, s6  }
0xb: {  	s7 =	sshll.u32 s2, $0x1;
	[smem:$0x7FF] =	sst s4;
	s9 =	sadd.s32 $0x3400, s5  }
0xc: {  	s11 =	sadd.s32 $0x23400, s5;
	s7 =	sor.u32 s6, s7;
	s6 =	ssub.s32 $0x2, s6  }
0xd: {  	_ =	strace $0x80000047;
	s8 =	sshll.u32 s7, $0x7;
	s10 =	sshrl.u32 s6, $0x1  }
0xe: {  	s7 =	sshll.u32 s7, $0xC;
	s8 =	sadd.s32 s8, s5;
	s10 =	ssub.s32 s6, s10  }
0xf: {  	s6 =	sadd.s32 s9, s7;
	s12 =	sor.u32 $0x800, s7;
	s7 =	sadd.s32 s11, s7  }
0x10: {  	s5 =	sadd.s32 $0x2400, s8;
	s8 =	sadd.s32 s9, s12;
	s9 =	sadd.s32 s11, s12  }
0x11: {  	s10 =	smax.u32 s10, $0x1;
	s11 =	simm.s32 $0x5;
	s12 =	simm.s32 $0x80  }
.LBB2_1:
0x12: {  	[tilespmem:s4], [sflag:$0x5] =	stream.linear.gather [hbm4b:s5+s4], $0x300, $0x38;
	[tilespmem:$0x18400] =	vst v63  }
0x13: {  	_ =	swait.ge [sflag:s11], $0x300  }
0x14: {  	[sflag:s11] =	ssyncset.done $0x0  }
0x15: {  	[sflag:s11] =	ssyncadd.s32 $0xFFFFFD00  }
0x16: {  	[tilespmem:s13], [sflag:$0x1] =	stream.indirect.gather [hbm4b:s1+s12], $0x80, s4, s12, $0xb8;
	[tilespmem:$0x18400] =	vst v63  }
0x17: {  	_ = 	snop  }
0x18: {  	[tilespmem:s14], [sflag:$0x1] =	stream.indirect.gather [hbm4b:s3+s12], $0x80, s12, s12, $0xb8;
	[tilespmem:$0x18400] =	vst v63  }
0x19: {  	_ = 	snop  }
0x1a: {  	[tilespmem:s16], [sflag:$0x1] =	stream.indirect.gather [hbm4b:s1+s12], $0x80, s15, s12, $0xb8;
	[tilespmem:$0x18400] =	vst v63  }
0x1b: {  	_ = 	snop  }
0x1c: {  	[tilespmem:s18], [sflag:$0x2] =	stream.indirect.gather [hbm4b:s1+s12], $0x80, s17, s12, $0xb8;
	[tilespmem:$0x18400] =	vst v63  }
0x1d: {  	_ = 	snop  }
0x1e: {  	[tilespmem:s20], [sflag:$0x2] =	stream.indirect.gather [hbm4b:s3+s12], $0x80, s19, s12, $0xb8;
	[tilespmem:$0x18400] =	vst v63  }
0x1f: {  	_ = 	snop  }
0x20: {  	[tilespmem:s22], [sflag:$0x2] =	stream.indirect.gather [hbm4b:s1+s12], $0x80, s21, s12, $0xb8;
	[tilespmem:$0x18400] =	vst v63  }
0x21: {  	_ =	swait.ge [sflag:s23], $0x4000  }
0x22: {  	[sflag:s23] =	ssyncset.done $0x0  }
0x23: {  	[sflag:s23] =	ssyncadd.s32 $0xFFFFC000  }
0x24: {  	_ =	swait.ge [sflag:s23], $0x4000  }
0x25: {  	[sflag:s23] =	ssyncset.done $0x0  }
0x26: {  	[sflag:s23] =	ssyncadd.s32 $0xFFFFC000  }
0x27: {  	_ =	swait.ge [sflag:s23], $0x4000  }
0x28: {  	[sflag:s23] =	ssyncset.done $0x0  }
0x29: {  	s29 =	simm.s32 $0x0;
	[sflag:s23] =	ssyncadd.s32 $0xFFFFC000  }
0x2a: {  	v7 =	vld [tilespmem:s29+$0x8400]  }
0x2b: {  	v11 =	vld [tilespmem:s29+$0x8410]  }
0x2c: {  	v5 =	vld [tilespmem:s29+$0x8420]  }
0x2d: {  	v4 =	vld [tilespmem:s29+$0x8430]  }
0x2e: {  	v3 =	vld [tilespmem:s29+$0x8440]  }
0x2f: {  	v2 =	vld [tilespmem:s29+$0x8450]  }
0x30: {  	v1 =	vld [tilespmem:s29+$0x8460]  }
0x31: {  	v0 =	vld [tilespmem:s29+$0x8470]  }
0x32: {  	v12 =	vld [tilespmem:s29+$0x4400]  }
0x33: {  	v13 =	vld [tilespmem:s29+$0x4410]  }
0x34: {  	v10 =	vld [tilespmem:s29+$0x4420]  }
0x35: {  	v9 =	vld [tilespmem:s29+$0x4430]  }
0x36: {  	v8 =	vld [tilespmem:s29+$0x4440]  }
0x37: {  	v6 =	vld [tilespmem:s29+$0x4450];
	v12 =	vmul.f32 v7, v12  }
0x38: {  	s30 =	simm.s32 $0x200;
	v11 =	vmul.f32 v11, v13;
	v7 =	vld [tilespmem:s29+$0x4460]  }
.LBB2_2:
0x39: {  	s31 =	sshra.s32 s30, $0x2;
	p0 =	sne.s32 s30, $0xFE00;
	[tilespmem:s29+$0x4400] =	vst v12;
	v5 =	vmul.f32 v5, v10;
	v10 =	vld [tilespmem:s29+$0x4470]  }
0x3a: {  	v12 =	vld [tilespmem:s31+$0x8400];
	[tilespmem:s29+$0x4410] =	vst v11;
	v4 =	vmul.f32 v4, v9  }
0x3b: {  	v11 =	vld [tilespmem:s31+$0x8410];
	[tilespmem:s29+$0x4420] =	vst v5;
	v3 =	vmul.f32 v3, v8  }
0x3c: {  	v5 =	vld [tilespmem:s31+$0x8420];
	[tilespmem:s29+$0x4430] =	vst v4;
	v2 =	vmul.f32 v2, v6  }
0x3d: {  	v4 =	vld [tilespmem:s31+$0x8430];
	[tilespmem:s29+$0x4440] =	vst v3;
	v1 =	vmul.f32 v1, v7  }
0x3e: {  	v3 =	vld [tilespmem:s31+$0x8440];
	[tilespmem:s29+$0x4450] =	vst v2;
	v0 =	vmul.f32 v0, v10  }
0x3f: {  	v2 =	vld [tilespmem:s31+$0x8450];
	[tilespmem:s29+$0x4460] =	vst v1  }
0x40: {  	v1 =	vld [tilespmem:s31+$0x8460];
	[tilespmem:s29+$0x4470] =	vst v0;
	s29 =	smov.u32 s31  }
0x41: {  	v0 =	vld [tilespmem:s29+$0x8470]  }
0x42: {  	v6 =	vld [tilespmem:s29+$0x4400]  }
0x43: {  	v7 =	vld [tilespmem:s29+$0x4410]  }
.Ltmp0:
0x44: {  	v10 =	vld [tilespmem:s29+$0x4420];
	(pc) =	sbr.rel @p0 .LBB2_2-.Ltmp0, $4  }
0x45: {  	v9 =	vld [tilespmem:s29+$0x4430]  }
0x46: {  	v8 =	vld [tilespmem:s29+$0x4440]  }
0x47: {  	v12 =	vmul.f32 v12, v6;
	v6 =	vld [tilespmem:s29+$0x4450]  }
0x48: {  	s30 =	sadd.s32 $0x200, s30;
	v11 =	vmul.f32 v11, v7;
	v7 =	vld [tilespmem:s29+$0x4460]  }
0x49: {  	[tilespmem:s29+$0x4400] =	vst v12;
	v5 =	vmul.f32 v5, v10;
	v10 =	vld [tilespmem:s29+$0x4470]  }
0x4a: {  	[tilespmem:s29+$0x4410] =	vst v11;
	v4 =	vmul.f32 v4, v9  }
0x4b: {  	[tilespmem:s29+$0x4420] =	vst v5;
	v3 =	vmul.f32 v3, v8  }
0x4c: {  	[tilespmem:s29+$0x4430] =	vst v4;
	v2 =	vmul.f32 v2, v6  }
0x4d: {  	[tilespmem:s29+$0x4440] =	vst v3;
	v1 =	vmul.f32 v1, v7  }
0x4e: {  	[tilespmem:s29+$0x4450] =	vst v2;
	v0 =	vmul.f32 v0, v10  }
0x4f: {  	[tilespmem:s29+$0x4460] =	vst v1  }
0x50: {  	[tilespmem:s29+$0x4470] =	vst v0;
	s29 =	simm.s32 $0x0  }
0x51: {  	[hbm4b:s6+s29] =	stream.linear.scatter [tilespmem:s13], [sflag:$0x3], $0x4000, $0x38;
	[tilespmem:$0x18400] =	vst v63  }
0x52: {  	_ = 	snop  }
0x53: {  	[hbm4b:s7+s29] =	stream.linear.scatter [tilespmem:s14], [sflag:$0x3], $0x4000, $0x38;
	[tilespmem:$0x18400] =	vst v63  }
0x54: {  	_ =	swait.ge [sflag:s24], $0x4000  }
0x55: {  	[sflag:s24] =	ssyncset.done $0x0  }
0x56: {  	[sflag:s24] =	ssyncadd.s32 $0xFFFFC000  }
0x57: {  	_ =	swait.ge [sflag:s24], $0x4000  }
0x58: {  	[sflag:s24] =	ssyncset.done $0x0  }
0x59: {  	[sflag:s24] =	ssyncadd.s32 $0xFFFFC000  }
0x5a: {  	_ =	swait.ge [sflag:s24], $0x4000  }
0x5b: {  	[sflag:s24] =	ssyncset.done $0x0  }
0x5c: {  	s29 =	simm.s32 $0x0;
	[sflag:s24] =	ssyncadd.s32 $0xFFFFC000  }
0x5d: {  	v7 =	vld [tilespmem:s29+$0x14400]  }
0x5e: {  	v11 =	vld [tilespmem:s29+$0x14410]  }
0x5f: {  	v5 =	vld [tilespmem:s29+$0x14420]  }
0x60: {  	v4 =	vld [tilespmem:s29+$0x14430]  }
0x61: {  	v3 =	vld [tilespmem:s29+$0x14440]  }
0x62: {  	v2 =	vld [tilespmem:s29+$0x14450]  }
0x63: {  	v1 =	vld [tilespmem:s29+$0x14460]  }
0x64: {  	v0 =	vld [tilespmem:s29+$0x14470]  }
0x65: {  	v12 =	vld [tilespmem:s29+$0x10400]  }
0x66: {  	v13 =	vld [tilespmem:s29+$0x10410]  }
0x67: {  	v10 =	vld [tilespmem:s29+$0x10420]  }
0x68: {  	v9 =	vld [tilespmem:s29+$0x10430]  }
0x69: {  	v8 =	vld [tilespmem:s29+$0x10440]  }
0x6a: {  	v6 =	vld [tilespmem:s29+$0x10450];
	v12 =	vmul.f32 v7, v12  }
0x6b: {  	s30 =	simm.s32 $0x200;
	v11 =	vmul.f32 v11, v13;
	v7 =	vld [tilespmem:s29+$0x10460]  }
.LBB2_4:
0x6c: {  	s31 =	sshra.s32 s30, $0x2;
	p0 =	sne.s32 s30, $0xFE00;
	[tilespmem:s29+$0x10400] =	vst v12;
	v5 =	vmul.f32 v5, v10;
	v10 =	vld [tilespmem:s29+$0x10470]  }
0x6d: {  	v12 =	vld [tilespmem:s31+$0x14400];
	[tilespmem:s29+$0x10410] =	vst v11;
	v4 =	vmul.f32 v4, v9  }
0x6e: {  	v11 =	vld [tilespmem:s31+$0x14410];
	[tilespmem:s29+$0x10420] =	vst v5;
	v3 =	vmul.f32 v3, v8  }
0x6f: {  	v5 =	vld [tilespmem:s31+$0x14420];
	[tilespmem:s29+$0x10430] =	vst v4;
	v2 =	vmul.f32 v2, v6  }
0x70: {  	v4 =	vld [tilespmem:s31+$0x14430];
	[tilespmem:s29+$0x10440] =	vst v3;
	v1 =	vmul.f32 v1, v7  }
0x71: {  	v3 =	vld [tilespmem:s31+$0x14440];
	[tilespmem:s29+$0x10450] =	vst v2;
	v0 =	vmul.f32 v0, v10  }
0x72: {  	v2 =	vld [tilespmem:s31+$0x14450];
	[tilespmem:s29+$0x10460] =	vst v1  }
0x73: {  	v1 =	vld [tilespmem:s31+$0x14460];
	[tilespmem:s29+$0x10470] =	vst v0;
	s29 =	smov.u32 s31  }
0x74: {  	v0 =	vld [tilespmem:s29+$0x14470]  }
0x75: {  	v6 =	vld [tilespmem:s29+$0x10400]  }
0x76: {  	v7 =	vld [tilespmem:s29+$0x10410]  }
.Ltmp1:
0x77: {  	v10 =	vld [tilespmem:s29+$0x10420];
	(pc) =	sbr.rel @p0 .LBB2_4-.Ltmp1, $4  }
0x78: {  	v9 =	vld [tilespmem:s29+$0x10430]  }
0x79: {  	v8 =	vld [tilespmem:s29+$0x10440]  }
0x7a: {  	v12 =	vmul.f32 v12, v6;
	v6 =	vld [tilespmem:s29+$0x10450]  }
0x7b: {  	s30 =	sadd.s32 $0x200, s30;
	v11 =	vmul.f32 v11, v7;
	v7 =	vld [tilespmem:s29+$0x10460]  }
0x7c: {  	[tilespmem:s29+$0x10400] =	vst v12;
	v5 =	vmul.f32 v5, v10;
	v63 =	vld [tilespmem:s29+$0x10470]  }
0x7d: {  	[tilespmem:s29+$0x10410] =	vst v11;
	v4 =	vmul.f32 v4, v9  }
0x7e: {  	[tilespmem:s29+$0x10420] =	vst v5;
	v3 =	vmul.f32 v3, v8  }
0x7f: {  	[tilespmem:s29+$0x10430] =	vst v4;
	v2 =	vmul.f32 v2, v6  }
0x80: {  	[tilespmem:s29+$0x10440] =	vst v3;
	v1 =	vmul.f32 v1, v7  }
0x81: {  	[tilespmem:s29+$0x10450] =	vst v2;
	v0 =	vmul.f32 v0, v63  }
0x82: {  	[tilespmem:s29+$0x10460] =	vst v1  }
0x83: {  	[tilespmem:s29+$0x10470] =	vst v0  }
0x84: {  	[hbm4b:s8+s4] =	stream.linear.scatter [tilespmem:s18], [sflag:$0x4], $0x4000, $0x38;
	[tilespmem:$0x18400] =	vst v63  }
0x85: {  	_ = 	snop  }
0x86: {  	[hbm4b:s9+s4] =	stream.linear.scatter [tilespmem:s20], [sflag:$0x4], $0x4000, $0x38;
	[tilespmem:$0x18400] =	vst v63  }
0x87: {  	_ =	swait.ge [sflag:s25], $0x4000  }
0x88: {  	[sflag:s25] =	ssyncset.done $0x0  }
0x89: {  	[sflag:s25] =	ssyncadd.s32 $0xFFFFC000  }
0x8a: {  	_ =	swait.ge [sflag:s25], $0x4000  }
0x8b: {  	[sflag:s25] =	ssyncset.done $0x0  }
0x8c: {  	s28 =	sadd.s32 $0x1, s28;
	[sflag:s25] =	ssyncadd.s32 $0xFFFFC000  }
0x8d: {  	p0 =	sne.s32 s28, s10;
	_ =	swait.ge [sflag:s26], $0x4000  }
.Ltmp2:
0x8e: {  	[sflag:s26] =	ssyncset.done $0x0;
	(pc) =	sbr.rel @p0 .LBB2_1-.Ltmp2, $4  }
0x8f: {  	[sflag:s26] =	ssyncadd.s32 $0xFFFFC000  }
0x90: {  	_ =	swait.ge [sflag:s26], $0x4000  }
0x91: {  	[sflag:s26] =	ssyncset.done $0x0  }
0x92: {  	[sflag:s26] =	ssyncadd.s32 $0xFFFFC000  }
0x93: {  	_ =	sfence.sel $0x180000  }
0x94: {  	[bflag:$0x0] =	sbarrier.arrive $0xFFFF  }
0x95: {  	p0 =	sne.s32 s2, $0x0;
	_ =	strace $0x90000047  }
0x96: {  	s0 =	sadd.s32 @!p0 $0x100000, s0;
	[bflag:$0x2] =	sbarrier.arrive $0xFFFF  }
0x97: {  	[sflag:s0] =	ssyncadd.tile.s32 @!p0 $0x1;
	_ =	shalt  }
.Lfunc_end2:
_tile_overlayer_lowered:
.L_overlay_start_2:
0x98: {  	(tag) =	ssettag $0x2  }
0x99: {  	s0 =	rddreg [dreg:$0x0];
	s2 =	stileid.u32  }
0x9a: {  	s1 =	rddreg [dreg:$0x1];
	p0 =	sne.s32 s2, $0x0  }
0x9b: {  	s3 =	rddreg [dreg:$0x2];
	[bflag:$0x3] =	sbarrier.arrive $0xFFFF;
	s2 =	simm.s32 @!p0 $0x1C05  }
0x9c: {  	[timem:s3], [sflag:s2] =	dma.local @!p0 [hbm:s0], s1  }
0x9d: {  	s0 =	simm.s32 @!p0 $0x5  }
0x9e: {  	_ =	swait.ge @!p0 [sflag:s0], s1  }
0x9f: {  	s1 =	ssub.s32 @!p0 $0x0, s1;
	[sflag:s0] =	ssyncset.done @!p0 $0x0  }
0xa0: {  	[sflag:s0] =	ssyncadd.s32 @!p0 s1  }
0xa1: {  	[bflag:$0x3] =	sbarrier.arrive $0xFFFF  }
0xa2: {  	_ =	shalt  }

</sc_bundles>
